<compile_context>
chip_gen: v7x
topology: tpu7x:2x2x1
jax: 0.10.2.dev20260603
libtpu: 0.0.44.dev20260713+nightly
codegen_flags: <defaults>
</compile_context>

<pallas_src>
import functools

import jax
import jax.numpy as jnp
from jax import lax
from jax.experimental import pallas as pl
from jax.experimental.pallas import tpu as pltpu
from jax.experimental.pallas import tpu_sc as plsc

N_PTS = 1000000
RES0 = 1024
RES1 = 2048
FEAT = 3

NW = 32
CHUNK = 8192
G = CHUNK // 128
NFULL = N_PTS // CHUNK
TAIL = N_PTS - NFULL * CHUNK
TAIL_G = (TAIL + 127) // 128
DEPTH = 4


def _mesh():
    return plsc.VectorSubcoreMesh(core_axis_name="c", subcore_axis_name="s")


def _body(x_hbm, y_hbm, c00, c01, c02, c10, c11, c12, o0_hbm, o1_hbm, o2_hbm,
          xv, yv, idx0_v, idx1_v, r0, r1, r2, r3, r4, r5, ov0, ov1, ov2,
          sems):
    r_planes = (r0, r1, r2, r3, r4, r5)
    ov_planes = (ov0, ov1, ov2)
    cb_planes = (c00, c01, c02, c10, c11, c12)
    out_planes = (o0_hbm, o1_hbm, o2_hbm)
    wid = lax.axis_index("c") * 16 + lax.axis_index("s")
    lanes = lax.iota(jnp.int32, 16)
    zeros16 = jnp.zeros((16,), jnp.int32)

    def do_chunk(base, npts, ngroups):
        pltpu.sync_copy(x_hbm.at[pl.ds(base, npts)], xv.at[pl.ds(0, npts)])
        pltpu.sync_copy(y_hbm.at[pl.ds(base, npts)], yv.at[pl.ds(0, npts)])

        @pl.loop(0, npts // 16)
        def _(i):
            g = i // 8
            off = (i % 8) * 16
            x = xv[pl.ds(16 * i, 16)]
            y = yv[pl.ds(16 * i, 16)]
            i0 = ((x * float(RES0 - 1)).astype(jnp.int32)
                  + ((y * float(RES0 - 1)).astype(jnp.int32) << 10))
            i1 = ((x * float(RES1 - 1)).astype(jnp.int32)
                  + ((y * float(RES1 - 1)).astype(jnp.int32) << 11))
            idx0_v[g, pl.ds(off, 16)] = i0
            idx1_v[g, pl.ds(off, 16)] = i1

        npad16 = (ngroups * 128 - npts) // 16
        for m in range(npad16):
            p = npts + 16 * m
            idx0_v[p // 128, pl.ds(p % 128, 16)] = zeros16
            idx1_v[p // 128, pl.ds(p % 128, 16)] = zeros16

        def fire(j):
            slot = j % DEPTH
            for d in range(FEAT):
                pltpu.async_copy(cb_planes[d].at[idx0_v.at[j]],
                                 r_planes[d].at[pl.ds(j * 128, 128)],
                                 sems.at[d, slot])
                pltpu.async_copy(cb_planes[FEAT + d].at[idx1_v.at[j]],
                                 r_planes[FEAT + d].at[pl.ds(j * 128, 128)],
                                 sems.at[FEAT + d, slot])

        def drain(j):
            slot = j % DEPTH
            for d in range(FEAT):
                pltpu.make_async_copy(cb_planes[d].at[idx0_v.at[j]],
                                      r_planes[d].at[pl.ds(j * 128, 128)],
                                      sems.at[d, slot]).wait()
                pltpu.make_async_copy(cb_planes[FEAT + d].at[idx1_v.at[j]],
                                      r_planes[FEAT + d].at[pl.ds(j * 128, 128)],
                                      sems.at[FEAT + d, slot]).wait()

        @pl.loop(0, min(DEPTH, ngroups))
        def _(j):
            fire(j)

        if ngroups > DEPTH:
            @pl.loop(DEPTH, ngroups)
            def _(j):
                fire(j)
                drain(j - DEPTH)

        @pl.loop(max(0, ngroups - DEPTH), ngroups)
        def _(j):
            drain(j)

        @pl.loop(0, npts // 16)
        def _(t):
            p = 16 * t
            for d in range(FEAT):
                ov_planes[d][pl.ds(p, 16)] = (r_planes[d][pl.ds(p, 16)]
                                              + r_planes[FEAT + d][pl.ds(p, 16)])

        for d in range(FEAT):
            pltpu.sync_copy(ov_planes[d].at[pl.ds(0, npts)],
                            out_planes[d].at[pl.ds(base, npts)])

    nt = (NFULL - 1 - wid) // NW + 1

    @pl.loop(0, nt)
    def _(t):
        do_chunk((wid + NW * t) * CHUNK, CHUNK, G)

    @pl.when(wid == NW - 1)
    def _():
        do_chunk(NFULL * CHUNK, TAIL, TAIL_G)


@functools.partial(
    pl.kernel,
    out_type=[jax.ShapeDtypeStruct((N_PTS,), jnp.float32)] * FEAT,
    mesh=_mesh(),
    scratch_types=[
        pltpu.VMEM((CHUNK,), jnp.float32),
        pltpu.VMEM((CHUNK,), jnp.float32),
        pltpu.VMEM((G, 128), jnp.int32),
        pltpu.VMEM((G, 128), jnp.int32),
        pltpu.VMEM((CHUNK,), jnp.float32),
        pltpu.VMEM((CHUNK,), jnp.float32),
        pltpu.VMEM((CHUNK,), jnp.float32),
        pltpu.VMEM((CHUNK,), jnp.float32),
        pltpu.VMEM((CHUNK,), jnp.float32),
        pltpu.VMEM((CHUNK,), jnp.float32),
        pltpu.VMEM((CHUNK,), jnp.float32),
        pltpu.VMEM((CHUNK,), jnp.float32),
        pltpu.VMEM((CHUNK,), jnp.float32),
        pltpu.SemaphoreType.DMA((2 * FEAT, DEPTH)),
    ],
    compiler_params=pltpu.CompilerParams(use_tc_tiling_on_sc=True,
                                         needs_layout_passes=False),
)
def _grid_lookup(x_hbm, y_hbm, c00, c01, c02, c10, c11, c12,
                 o0_hbm, o1_hbm, o2_hbm, *scratch):
    _body(x_hbm, y_hbm, c00, c01, c02, c10, c11, c12,
          o0_hbm, o1_hbm, o2_hbm, *scratch)


def kernel(pts, codebook0, codebook1):
    planes = _grid_lookup(
        pts[:, 0], pts[:, 1],
        codebook0[:, 0], codebook0[:, 1], codebook0[:, 2],
        codebook1[:, 0], codebook1[:, 1], codebook1[:, 2],
    )
    return jnp.stack(planes, axis=-1)

# --- scband reference (transcript-rebuilt; emitter-appended) ---
"""Pipeline reference for scband-dense-grid-43344809952174 (READ-ONLY COPY).

The authoritative reference and input builder live on the scoring server;
editing this copy changes nothing except your own understanding.
"""

import jax, jax.numpy as jnp
import numpy as np

LODS = [1024, 2048]
FEAT_DIM = 3
N_PTS = 1000000


def setup_inputs(seed: int = 0) -> dict:
    key = jax.random.key(seed)
    k_pts, k0, k1 = jax.random.split(key, 3)
    pts = jax.random.uniform(k_pts, (N_PTS, 2), dtype=jnp.float32)
    codebook0 = jax.random.normal(k0, (LODS[0] ** 2, FEAT_DIM), dtype=jnp.float32) * 0.1
    codebook1 = jax.random.normal(k1, (LODS[1] ** 2, FEAT_DIM), dtype=jnp.float32) * 0.1
    return {"pts": pts, "codebook0": codebook0, "codebook1": codebook1}


def reference(pts, codebook0, codebook1):
    codebooks = [codebook0, codebook1]
    feats = []
    for res, cb in zip(LODS, codebooks):
        x = jnp.floor(pts[:, 0] * (res - 1))
        y = jnp.floor(pts[:, 1] * (res - 1))
        idx = (x + y * res).astype(jnp.int32)
        features = jnp.take(cb, idx, axis=0)
        feats.append(features[..., None])
    all_features = jnp.concatenate(feats, axis=-1)
    return all_features.sum(-1)

if __name__ == "__main__":
    import jax
    _d = setup_inputs()
    print(jax.jit(kernel)(*tuple(_d.values())))

</pallas_src>

<mosaic_0001>
#map = affine_map<(d0, d1) -> (0)>
module attributes {stable_mosaic.version = 14 : i64} {
  func.func @_grid_lookup(%arg0: i32, %arg1: i32, %arg2: memref<1000000xf32, #tpu.memory_space<hbm>>, %arg3: memref<1000000xf32, #tpu.memory_space<hbm>>, %arg4: memref<1048576xf32, #tpu.memory_space<hbm>>, %arg5: memref<1048576xf32, #tpu.memory_space<hbm>>, %arg6: memref<1048576xf32, #tpu.memory_space<hbm>>, %arg7: memref<4194304xf32, #tpu.memory_space<hbm>>, %arg8: memref<4194304xf32, #tpu.memory_space<hbm>>, %arg9: memref<4194304xf32, #tpu.memory_space<hbm>>, %arg10: memref<1000000xf32, #tpu.memory_space<hbm>>, %arg11: memref<1000000xf32, #tpu.memory_space<hbm>>, %arg12: memref<1000000xf32, #tpu.memory_space<hbm>>, %arg13: memref<8192xf32, #tpu.memory_space<vmem>>, %arg14: memref<8192xf32, #tpu.memory_space<vmem>>, %arg15: memref<64x128xi32, #tpu.memory_space<vmem>>, %arg16: memref<64x128xi32, #tpu.memory_space<vmem>>, %arg17: memref<8192xf32, #tpu.memory_space<vmem>>, %arg18: memref<8192xf32, #tpu.memory_space<vmem>>, %arg19: memref<8192xf32, #tpu.memory_space<vmem>>, %arg20: memref<8192xf32, #tpu.memory_space<vmem>>, %arg21: memref<8192xf32, #tpu.memory_space<vmem>>, %arg22: memref<8192xf32, #tpu.memory_space<vmem>>, %arg23: memref<8192xf32, #tpu.memory_space<vmem>>, %arg24: memref<8192xf32, #tpu.memory_space<vmem>>, %arg25: memref<8192xf32, #tpu.memory_space<vmem>>, %arg26: memref<6x4x!tpu.dma_semaphore, #tpu.memory_space<semaphore_mem>>) attributes {dimension_semantics = [#tpu.dimension_semantics<core_parallel>, #tpu.dimension_semantics<subcore_parallel>], iteration_bounds = array<i64: 2, 16>, scalar_prefetch = 0 : i64, scratch_operands = 14 : i64, tpu.core_type = #tpu.core_type<sc_vector_subcore>, window_params = [{transform_indices = #map}, {transform_indices = #map}, {transform_indices = #map}, {transform_indices = #map}, {transform_indices = #map}, {transform_indices = #map}, {transform_indices = #map}, {transform_indices = #map}, {transform_indices = #map}, {transform_indices = #map}, {transform_indices = #map}]} {
    %mul3A = arith.constant 16 : i32
    %mul3A_0 = arith.muli %arg0, %mul3A : i32
    %add3A = arith.addi %mul3A_0, %arg1 : i32
    %iota3A = tpu.iota {dimensions = array<i32: 0>} : vector<16xi32>
    %broadcast_in_dim3A = arith.constant 0 : i32
    %broadcast_in_dim3A_1 = vector.broadcast %broadcast_in_dim3A : i32 to vector<16xi32>
    %sub3A = arith.constant 121 : i32
    %sub3A_2 = arith.subi %sub3A, %add3A : i32
    %jit3A = arith.constant 32 : i32
    %div3A = arith.divsi %sub3A_2, %jit3A : i32
    %sign3A = arith.constant 0 : i32
    %sign3A_3 = arith.cmpi sgt, %sub3A_2, %sign3A : i32
    %sign3A_4 = arith.extui %sign3A_3 : i1 to i32
    %sign3A_5 = arith.constant 0 : i32
    %sign3A_6 = arith.cmpi slt, %sub3A_2, %sign3A_5 : i32
    %sign3A_7 = arith.extui %sign3A_6 : i1 to i32
    %sign3A_8 = arith.subi %sign3A_4, %sign3A_7 : i32
    %sign3A_9 = arith.constant 0 : i32
    %sign3A_10 = arith.cmpi sgt, %jit3A, %sign3A_9 : i32
    %sign3A_11 = arith.extui %sign3A_10 : i1 to i32
    %sign3A_12 = arith.constant 0 : i32
    %sign3A_13 = arith.cmpi slt, %jit3A, %sign3A_12 : i32
    %sign3A_14 = arith.extui %sign3A_13 : i1 to i32
    %sign3A_15 = arith.subi %sign3A_11, %sign3A_14 : i32
    %ne3A = arith.cmpi ne, %sign3A_8, %sign3A_15 : i32
    %rem3A = arith.remsi %sub3A_2, %jit3A : i32
    %ne3A_16 = arith.constant 0 : i32
    %ne3A_17 = arith.cmpi ne, %rem3A, %ne3A_16 : i32
    %and3A = arith.andi %ne3A, %ne3A_17 : i1
    %sub3A_18 = arith.constant 1 : i32
    %sub3A_19 = arith.subi %div3A, %sub3A_18 : i32
    %select_n3A = arith.select %and3A, %sub3A_19, %div3A : i32
    %add3A_20 = arith.constant 1 : i32
    %add3A_21 = arith.addi %select_n3A, %add3A_20 : i32
    %sub3A_22 = arith.constant 0 : i32
    %sub3A_23 = arith.subi %add3A_21, %sub3A_22 : i32
    %sub3A_24 = arith.constant 1 : i32
    %sub3A_25 = arith.constant 1 : i32
    %sub3A_26 = arith.subi %sub3A_24, %sub3A_25 : i32
    %add3A_27 = arith.addi %sub3A_23, %sub3A_26 : i32
    %div3A_28 = arith.constant 1 : i32
    %div3A_29 = arith.divsi %add3A_27, %div3A_28 : i32
    %while3A = arith.constant 1 : i32
    %while3A_30 = arith.constant 0 : i32
    %while3A_31 = arith.constant 0 : i32
    %while3A_32 = arith.subi %div3A_29, %while3A_31 : i32
    %while3A_33 = arith.addi %while3A_31, %while3A_32 : i32
    %while3A_34 = arith.constant 1 : i32
    %while3A_35 = arith.divsi %while3A_32, %while3A_34 : i32
    %while3A_36 = arith.muli %while3A_35, %while3A_34 : i32
    %while3A_37 = arith.addi %while3A_31, %while3A_36 : i32
    %while3A_38 = arith.constant 1 : i32
    scf.for %while3A_42 = %while3A_31 to %while3A_37 step %while3A_38  : i32 {
      %mul3A_43 = arith.muli %while3A_42, %while3A : i32
      %add3A_44 = arith.addi %while3A_30, %mul3A_43 : i32
      %mul3A_45 = arith.constant 32 : i32
      %mul3A_46 = arith.muli %mul3A_45, %add3A_44 : i32
      %add3A_47 = arith.addi %add3A, %mul3A_46 : i32
      %mul3A_48 = arith.constant 8192 : i32
      %mul3A_49 = arith.muli %add3A_47, %mul3A_48 : i32
      "tpu.region"() ({
        %run_scoped3A = tpu.sem_alloc : memref<!tpu.dma_semaphore, #tpu.memory_space<semaphore_mem>>
        %dma_start3A = arith.constant 0 : i32
        %dma_start3A_74 = tpu.memref_slice %arg13[%dma_start3A] : memref<8192xf32, #tpu.memory_space<vmem>> -> memref<8192xf32, #tpu.memory_space<vmem>>
        %dma_start3A_75 = tpu.memref_slice %arg2[%mul3A_49] : memref<1000000xf32, #tpu.memory_space<hbm>> -> memref<8192xf32, #tpu.memory_space<hbm>>
        %dma_start3A_76 = arith.constant 0 : i32
        %dma_start3A_77 = tpu.memref_slice %arg13[%dma_start3A_76] : memref<8192xf32, #tpu.memory_space<vmem>> -> memref<8192xf32, #tpu.memory_space<vmem>>
        %dma_start3A_78 = tpu.memref_slice %arg2[%mul3A_49] : memref<1000000xf32, #tpu.memory_space<hbm>> -> memref<8192xf32, #tpu.memory_space<hbm>>
        tpu.enqueue_dma source(%dma_start3A_78 : memref<8192xf32, #tpu.memory_space<hbm>>) target(%dma_start3A_77 : memref<8192xf32, #tpu.memory_space<vmem>>) target_semaphore(%run_scoped3A : memref<!tpu.dma_semaphore, #tpu.memory_space<semaphore_mem>>)
        %dma_wait3A = arith.constant 0 : i32
        %dma_wait3A_79 = tpu.memref_slice %arg13[%dma_wait3A] : memref<8192xf32, #tpu.memory_space<vmem>> -> memref<8192xf32, #tpu.memory_space<vmem>>
        %dma_wait3A_80 = tpu.memref_slice %arg2[%mul3A_49] : memref<1000000xf32, #tpu.memory_space<hbm>> -> memref<8192xf32, #tpu.memory_space<hbm>>
        %dma_wait3A_81 = arith.constant 0 : i32
        %dma_wait3A_82 = tpu.memref_slice %arg13[%dma_wait3A_81] : memref<8192xf32, #tpu.memory_space<vmem>> -> memref<8192xf32, #tpu.memory_space<vmem>>
        %dma_wait3A_83 = tpu.memref_slice %arg2[%mul3A_49] : memref<1000000xf32, #tpu.memory_space<hbm>> -> memref<8192xf32, #tpu.memory_space<hbm>>
        tpu.wait_dma2 semaphore(%run_scoped3A : memref<!tpu.dma_semaphore, #tpu.memory_space<semaphore_mem>>) src(%dma_wait3A_83 : memref<8192xf32, #tpu.memory_space<hbm>>) dst(%dma_wait3A_82 : memref<8192xf32, #tpu.memory_space<vmem>>)
        tpu.yield
      }) : () -> ()
      "tpu.region"() ({
        %run_scoped3A = tpu.sem_alloc : memref<!tpu.dma_semaphore, #tpu.memory_space<semaphore_mem>>
        %dma_start3A = arith.constant 0 : i32
        %dma_start3A_74 = tpu.memref_slice %arg14[%dma_start3A] : memref<8192xf32, #tpu.memory_space<vmem>> -> memref<8192xf32, #tpu.memory_space<vmem>>
        %dma_start3A_75 = tpu.memref_slice %arg3[%mul3A_49] : memref<1000000xf32, #tpu.memory_space<hbm>> -> memref<8192xf32, #tpu.memory_space<hbm>>
        %dma_start3A_76 = arith.constant 0 : i32
        %dma_start3A_77 = tpu.memref_slice %arg14[%dma_start3A_76] : memref<8192xf32, #tpu.memory_space<vmem>> -> memref<8192xf32, #tpu.memory_space<vmem>>
        %dma_start3A_78 = tpu.memref_slice %arg3[%mul3A_49] : memref<1000000xf32, #tpu.memory_space<hbm>> -> memref<8192xf32, #tpu.memory_space<hbm>>
        tpu.enqueue_dma source(%dma_start3A_78 : memref<8192xf32, #tpu.memory_space<hbm>>) target(%dma_start3A_77 : memref<8192xf32, #tpu.memory_space<vmem>>) target_semaphore(%run_scoped3A : memref<!tpu.dma_semaphore, #tpu.memory_space<semaphore_mem>>)
        %dma_wait3A = arith.constant 0 : i32
        %dma_wait3A_79 = tpu.memref_slice %arg14[%dma_wait3A] : memref<8192xf32, #tpu.memory_space<vmem>> -> memref<8192xf32, #tpu.memory_space<vmem>>
        %dma_wait3A_80 = tpu.memref_slice %arg3[%mul3A_49] : memref<1000000xf32, #tpu.memory_space<hbm>> -> memref<8192xf32, #tpu.memory_space<hbm>>
        %dma_wait3A_81 = arith.constant 0 : i32
        %dma_wait3A_82 = tpu.memref_slice %arg14[%dma_wait3A_81] : memref<8192xf32, #tpu.memory_space<vmem>> -> memref<8192xf32, #tpu.memory_space<vmem>>
        %dma_wait3A_83 = tpu.memref_slice %arg3[%mul3A_49] : memref<1000000xf32, #tpu.memory_space<hbm>> -> memref<8192xf32, #tpu.memory_space<hbm>>
        tpu.wait_dma2 semaphore(%run_scoped3A : memref<!tpu.dma_semaphore, #tpu.memory_space<semaphore_mem>>) src(%dma_wait3A_83 : memref<8192xf32, #tpu.memory_space<hbm>>) dst(%dma_wait3A_82 : memref<8192xf32, #tpu.memory_space<vmem>>)
        tpu.yield
      }) : () -> ()
      %scan3A = arith.constant 0 : i32
      %scan3A_50 = arith.constant 512 : i32
      %scan3A_51 = arith.addi %scan3A, %scan3A_50 : i32
      %scan3A_52 = arith.constant 1 : i32
      scf.for %scan3A_74 = %scan3A to %scan3A_51 step %scan3A_52  : i32 {
        %mul3A_75 = arith.constant 1 : i32
        %mul3A_76 = arith.muli %scan3A_74, %mul3A_75 : i32
        %add3A_77 = arith.constant 0 : i32
        %add3A_78 = arith.addi %add3A_77, %mul3A_76 : i32
        %jit3A_79 = arith.constant 8 : i32
        %div3A_80 = arith.divsi %add3A_78, %jit3A_79 : i32
        %sign3A_81 = arith.constant 0 : i32
        %sign3A_82 = arith.cmpi sgt, %add3A_78, %sign3A_81 : i32
        %sign3A_83 = arith.extui %sign3A_82 : i1 to i32
        %sign3A_84 = arith.constant 0 : i32
        %sign3A_85 = arith.cmpi slt, %add3A_78, %sign3A_84 : i32
        %sign3A_86 = arith.extui %sign3A_85 : i1 to i32
        %sign3A_87 = arith.subi %sign3A_83, %sign3A_86 : i32
        %sign3A_88 = arith.constant 0 : i32
        %sign3A_89 = arith.cmpi sgt, %jit3A_79, %sign3A_88 : i32
        %sign3A_90 = arith.extui %sign3A_89 : i1 to i32
        %sign3A_91 = arith.constant 0 : i32
        %sign3A_92 = arith.cmpi slt, %jit3A_79, %sign3A_91 : i32
        %sign3A_93 = arith.extui %sign3A_92 : i1 to i32
        %sign3A_94 = arith.subi %sign3A_90, %sign3A_93 : i32
        %ne3A_95 = arith.cmpi ne, %sign3A_87, %sign3A_94 : i32
        %rem3A_96 = arith.remsi %add3A_78, %jit3A_79 : i32
        %ne3A_97 = arith.constant 0 : i32
        %ne3A_98 = arith.cmpi ne, %rem3A_96, %ne3A_97 : i32
        %and3A_99 = arith.andi %ne3A_95, %ne3A_98 : i1
        %sub3A_100 = arith.constant 1 : i32
        %sub3A_101 = arith.subi %div3A_80, %sub3A_100 : i32
        %select_n3A_102 = arith.select %and3A_99, %sub3A_101, %div3A_80 : i32
        %jit3A_103 = arith.constant 8 : i32
        %eq3A_104 = arith.constant 0 : i32
        %eq3A_105 = arith.cmpi eq, %jit3A_103, %eq3A_104 : i32
        %jit3A_106 = arith.constant 1 : i32
        %select_n3A_107 = arith.select %eq3A_105, %jit3A_106, %jit3A_103 : i32
        %rem3A_108 = arith.remsi %add3A_78, %select_n3A_107 : i32
        %ne3A_109 = arith.constant 0 : i32
        %ne3A_110 = arith.cmpi ne, %rem3A_108, %ne3A_109 : i32
        %lt3A = arith.constant 0 : i32
        %lt3A_111 = arith.cmpi slt, %rem3A_108, %lt3A : i32
        %lt3A_112 = arith.constant 0 : i32
        %lt3A_113 = arith.cmpi slt, %select_n3A_107, %lt3A_112 : i32
        %ne3A_114 = arith.xori %lt3A_111, %lt3A_113 : i1
        %and3A_115 = arith.andi %ne3A_114, %ne3A_110 : i1
        %add3A_116 = arith.addi %rem3A_108, %select_n3A_107 : i32
        %select_n3A_117 = arith.select %and3A_115, %add3A_116, %rem3A_108 : i32
        %mul3A_118 = arith.constant 16 : i32
        %mul3A_119 = arith.muli %select_n3A_117, %mul3A_118 : i32
        %mul3A_120 = arith.constant 16 : i32
        %mul3A_121 = arith.muli %mul3A_120, %add3A_78 : i32
        %get3A = arith.index_cast %mul3A_121 : i32 to index
        %get3A_122 = tpu.vector_load %arg13[%get3A] {strides = array<i32>} : memref<8192xf32, #tpu.memory_space<vmem>>, vector<16xf32>,
        %mul3A_123 = arith.constant 16 : i32
        %mul3A_124 = arith.muli %mul3A_123, %add3A_78 : i32
        %get3A_125 = arith.index_cast %mul3A_124 : i32 to index
        %get3A_126 = tpu.vector_load %arg14[%get3A_125] {strides = array<i32>} : memref<8192xf32, #tpu.memory_space<vmem>>, vector<16xf32>,
        %mul3A_127 = arith.constant 1.023000e+03 : f32
        %mul3A_128 = vector.broadcast %mul3A_127 : f32 to vector<16xf32>
        %mul3A_129 = arith.mulf %get3A_122, %mul3A_128 : vector<16xf32>
        %convert_element_type3A_130 = arith.fptosi %mul3A_129 : vector<16xf32> to vector<16xi32>
        %mul3A_131 = arith.constant 1.023000e+03 : f32
        %mul3A_132 = vector.broadcast %mul3A_131 : f32 to vector<16xf32>
        %mul3A_133 = arith.mulf %get3A_126, %mul3A_132 : vector<16xf32>
        %convert_element_type3A_134 = arith.fptosi %mul3A_133 : vector<16xf32> to vector<16xi32>
        %shift_left3A = arith.constant 10 : i32
        %shift_left3A_135 = vector.broadcast %shift_left3A : i32 to vector<16xi32>
        %shift_left3A_136 = arith.shli %convert_element_type3A_134, %shift_left3A_135 : vector<16xi32>
        %add3A_137 = arith.addi %convert_element_type3A_130, %shift_left3A_136 : vector<16xi32>
        %mul3A_138 = arith.constant 2.047000e+03 : f32
        %mul3A_139 = vector.broadcast %mul3A_138 : f32 to vector<16xf32>
        %mul3A_140 = arith.mulf %get3A_122, %mul3A_139 : vector<16xf32>
        %convert_element_type3A_141 = arith.fptosi %mul3A_140 : vector<16xf32> to vector<16xi32>
        %mul3A_142 = arith.constant 2.047000e+03 : f32
        %mul3A_143 = vector.broadcast %mul3A_142 : f32 to vector<16xf32>
        %mul3A_144 = arith.mulf %get3A_126, %mul3A_143 : vector<16xf32>
        %convert_element_type3A_145 = arith.fptosi %mul3A_144 : vector<16xf32> to vector<16xi32>
        %shift_left3A_146 = arith.constant 11 : i32
        %shift_left3A_147 = vector.broadcast %shift_left3A_146 : i32 to vector<16xi32>
        %shift_left3A_148 = arith.shli %convert_element_type3A_145, %shift_left3A_147 : vector<16xi32>
        %add3A_149 = arith.addi %convert_element_type3A_141, %shift_left3A_148 : vector<16xi32>
        %swap3A = arith.index_cast %select_n3A_102 : i32 to index
        %swap3A_150 = arith.index_cast %mul3A_119 : i32 to index
        %swap3A_151 = tpu.vector_load %arg15[%swap3A, %swap3A_150] {strides = array<i32>} : memref<64x128xi32, #tpu.memory_space<vmem>>, vector<16xi32>,
        tpu.vector_store %arg15[%swap3A, %swap3A_150], %add3A_137 {strides = array<i32>} : memref<64x128xi32, #tpu.memory_space<vmem>>, vector<16xi32>,
        %swap3A_152 = arith.index_cast %select_n3A_102 : i32 to index
        %swap3A_153 = arith.index_cast %mul3A_119 : i32 to index
        %swap3A_154 = tpu.vector_load %arg16[%swap3A_152, %swap3A_153] {strides = array<i32>} : memref<64x128xi32, #tpu.memory_space<vmem>>, vector<16xi32>,
        tpu.vector_store %arg16[%swap3A_152, %swap3A_153], %add3A_149 {strides = array<i32>} : memref<64x128xi32, #tpu.memory_space<vmem>>, vector<16xi32>,
      }
      %scan3A_53 = arith.constant 512 : i32
      %scan3A_54 = arith.constant 0 : i32
      %scan3A_55 = arith.constant 4 : i32
      %scan3A_56 = arith.addi %scan3A_54, %scan3A_55 : i32
      %scan3A_57 = arith.constant 1 : i32
      scf.for %scan3A_74 = %scan3A_54 to %scan3A_56 step %scan3A_57  : i32 {
        %mul3A_75 = arith.constant 1 : i32
        %mul3A_76 = arith.muli %scan3A_74, %mul3A_75 : i32
        %add3A_77 = arith.constant 0 : i32
        %add3A_78 = arith.addi %add3A_77, %mul3A_76 : i32
        %jit3A_79 = arith.constant 4 : i32
        %eq3A_80 = arith.constant 0 : i32
        %eq3A_81 = arith.cmpi eq, %jit3A_79, %eq3A_80 : i32
        %jit3A_82 = arith.constant 1 : i32
        %select_n3A_83 = arith.select %eq3A_81, %jit3A_82, %jit3A_79 : i32
        %rem3A_84 = arith.remsi %add3A_78, %select_n3A_83 : i32
        %ne3A_85 = arith.constant 0 : i32
        %ne3A_86 = arith.cmpi ne, %rem3A_84, %ne3A_85 : i32
        %lt3A = arith.constant 0 : i32
        %lt3A_87 = arith.cmpi slt, %rem3A_84, %lt3A : i32
        %lt3A_88 = arith.constant 0 : i32
        %lt3A_89 = arith.cmpi slt, %select_n3A_83, %lt3A_88 : i32
        %ne3A_90 = arith.xori %lt3A_87, %lt3A_89 : i1
        %and3A_91 = arith.andi %ne3A_90, %ne3A_86 : i1
        %add3A_92 = arith.addi %rem3A_84, %select_n3A_83 : i32
        %select_n3A_93 = arith.select %and3A_91, %add3A_92, %rem3A_84 : i32
        %mul3A_94 = arith.constant 128 : i32
        %mul3A_95 = arith.muli %add3A_78, %mul3A_94 : i32
        %dma_start3A = arith.constant 0 : i32
        %dma_start3A_96 = tpu.memref_slice %arg17[%mul3A_95] : memref<8192xf32, #tpu.memory_space<vmem>> -> memref<128xf32, #tpu.memory_space<vmem>>
        %dma_start3A_97 = arith.constant 0 : i32
        %dma_start3A_98 = tpu.memref_slice %arg15[%add3A_78, %dma_start3A_97] : memref<64x128xi32, #tpu.memory_space<vmem>> -> memref<1x128xi32, #tpu.memory_space<vmem>>
        %dma_start3A_99 = tpu.memref_squeeze %dma_start3A_98 : memref<1x128xi32, #tpu.memory_space<vmem>> -> memref<128xi32, #tpu.memory_space<vmem>>
        %dma_start3A_100 = arith.constant 0 : i32
        %dma_start3A_101 = tpu.memref_slice %arg4[%dma_start3A_100] : memref<1048576xf32, #tpu.memory_space<hbm>> -> memref<1048576xf32, #tpu.memory_space<hbm>>
        %dma_start3A_102 = tpu.memref_slice %arg26[%dma_start3A, %select_n3A_93] : memref<6x4x!tpu.dma_semaphore, #tpu.memory_space<semaphore_mem>> -> memref<1x1x!tpu.dma_semaphore, #tpu.memory_space<semaphore_mem>>
        %dma_start3A_103 = tpu.memref_squeeze %dma_start3A_102 : memref<1x1x!tpu.dma_semaphore, #tpu.memory_space<semaphore_mem>> -> memref<!tpu.dma_semaphore, #tpu.memory_space<semaphore_mem>>
        tpu.enqueue_indirect_dma source(%dma_start3A_101 : memref<1048576xf32, #tpu.memory_space<hbm>>) target(%dma_start3A_96 : memref<128xf32, #tpu.memory_space<vmem>>) offsets(%dma_start3A_99 : memref<128xi32, #tpu.memory_space<vmem>>) semaphore(%dma_start3A_103 : memref<!tpu.dma_semaphore, #tpu.memory_space<semaphore_mem>>)
        %mul3A_104 = arith.constant 128 : i32
        %mul3A_105 = arith.muli %add3A_78, %mul3A_104 : i32
        %dma_start3A_106 = arith.constant 3 : i32
        %dma_start3A_107 = tpu.memref_slice %arg20[%mul3A_105] : memref<8192xf32, #tpu.memory_space<vmem>> -> memref<128xf32, #tpu.memory_space<vmem>>
        %dma_start3A_108 = arith.constant 0 : i32
        %dma_start3A_109 = tpu.memref_slice %arg16[%add3A_78, %dma_start3A_108] : memref<64x128xi32, #tpu.memory_space<vmem>> -> memref<1x128xi32, #tpu.memory_space<vmem>>
        %dma_start3A_110 = tpu.memref_squeeze %dma_start3A_109 : memref<1x128xi32, #tpu.memory_space<vmem>> -> memref<128xi32, #tpu.memory_space<vmem>>
        %dma_start3A_111 = arith.constant 0 : i32
        %dma_start3A_112 = tpu.memref_slice %arg7[%dma_start3A_111] : memref<4194304xf32, #tpu.memory_space<hbm>> -> memref<4194304xf32, #tpu.memory_space<hbm>>
        %dma_start3A_113 = tpu.memref_slice %arg26[%dma_start3A_106, %select_n3A_93] : memref<6x4x!tpu.dma_semaphore, #tpu.memory_space<semaphore_mem>> -> memref<1x1x!tpu.dma_semaphore, #tpu.memory_space<semaphore_mem>>
        %dma_start3A_114 = tpu.memref_squeeze %dma_start3A_113 : memref<1x1x!tpu.dma_semaphore, #tpu.memory_space<semaphore_mem>> -> memref<!tpu.dma_semaphore, #tpu.memory_space<semaphore_mem>>
        tpu.enqueue_indirect_dma source(%dma_start3A_112 : memref<4194304xf32, #tpu.memory_space<hbm>>) target(%dma_start3A_107 : memref<128xf32, #tpu.memory_space<vmem>>) offsets(%dma_start3A_110 : memref<128xi32, #tpu.memory_space<vmem>>) semaphore(%dma_start3A_114 : memref<!tpu.dma_semaphore, #tpu.memory_space<semaphore_mem>>)
        %mul3A_115 = arith.constant 128 : i32
        %mul3A_116 = arith.muli %add3A_78, %mul3A_115 : i32
        %dma_start3A_117 = arith.constant 1 : i32
        %dma_start3A_118 = tpu.memref_slice %arg18[%mul3A_116] : memref<8192xf32, #tpu.memory_space<vmem>> -> memref<128xf32, #tpu.memory_space<vmem>>
        %dma_start3A_119 = arith.constant 0 : i32
        %dma_start3A_120 = tpu.memref_slice %arg15[%add3A_78, %dma_start3A_119] : memref<64x128xi32, #tpu.memory_space<vmem>> -> memref<1x128xi32, #tpu.memory_space<vmem>>
        %dma_start3A_121 = tpu.memref_squeeze %dma_start3A_120 : memref<1x128xi32, #tpu.memory_space<vmem>> -> memref<128xi32, #tpu.memory_space<vmem>>
        %dma_start3A_122 = arith.constant 0 : i32
        %dma_start3A_123 = tpu.memref_slice %arg5[%dma_start3A_122] : memref<1048576xf32, #tpu.memory_space<hbm>> -> memref<1048576xf32, #tpu.memory_space<hbm>>
        %dma_start3A_124 = tpu.memref_slice %arg26[%dma_start3A_117, %select_n3A_93] : memref<6x4x!tpu.dma_semaphore, #tpu.memory_space<semaphore_mem>> -> memref<1x1x!tpu.dma_semaphore, #tpu.memory_space<semaphore_mem>>
        %dma_start3A_125 = tpu.memref_squeeze %dma_start3A_124 : memref<1x1x!tpu.dma_semaphore, #tpu.memory_space<semaphore_mem>> -> memref<!tpu.dma_semaphore, #tpu.memory_space<semaphore_mem>>
        tpu.enqueue_indirect_dma source(%dma_start3A_123 : memref<1048576xf32, #tpu.memory_space<hbm>>) target(%dma_start3A_118 : memref<128xf32, #tpu.memory_space<vmem>>) offsets(%dma_start3A_121 : memref<128xi32, #tpu.memory_space<vmem>>) semaphore(%dma_start3A_125 : memref<!tpu.dma_semaphore, #tpu.memory_space<semaphore_mem>>)
        %mul3A_126 = arith.constant 128 : i32
        %mul3A_127 = arith.muli %add3A_78, %mul3A_126 : i32
        %dma_start3A_128 = arith.constant 4 : i32
        %dma_start3A_129 = tpu.memref_slice %arg21[%mul3A_127] : memref<8192xf32, #tpu.memory_space<vmem>> -> memref<128xf32, #tpu.memory_space<vmem>>
        %dma_start3A_130 = arith.constant 0 : i32
        %dma_start3A_131 = tpu.memref_slice %arg16[%add3A_78, %dma_start3A_130] : memref<64x128xi32, #tpu.memory_space<vmem>> -> memref<1x128xi32, #tpu.memory_space<vmem>>
        %dma_start3A_132 = tpu.memref_squeeze %dma_start3A_131 : memref<1x128xi32, #tpu.memory_space<vmem>> -> memref<128xi32, #tpu.memory_space<vmem>>
        %dma_start3A_133 = arith.constant 0 : i32
        %dma_start3A_134 = tpu.memref_slice %arg8[%dma_start3A_133] : memref<4194304xf32, #tpu.memory_space<hbm>> -> memref<4194304xf32, #tpu.memory_space<hbm>>
        %dma_start3A_135 = tpu.memref_slice %arg26[%dma_start3A_128, %select_n3A_93] : memref<6x4x!tpu.dma_semaphore, #tpu.memory_space<semaphore_mem>> -> memref<1x1x!tpu.dma_semaphore, #tpu.memory_space<semaphore_mem>>
        %dma_start3A_136 = tpu.memref_squeeze %dma_start3A_135 : memref<1x1x!tpu.dma_semaphore, #tpu.memory_space<semaphore_mem>> -> memref<!tpu.dma_semaphore, #tpu.memory_space<semaphore_mem>>
        tpu.enqueue_indirect_dma source(%dma_start3A_134 : memref<4194304xf32, #tpu.memory_space<hbm>>) target(%dma_start3A_129 : memref<128xf32, #tpu.memory_space<vmem>>) offsets(%dma_start3A_132 : memref<128xi32, #tpu.memory_space<vmem>>) semaphore(%dma_start3A_136 : memref<!tpu.dma_semaphore, #tpu.memory_space<semaphore_mem>>)
        %mul3A_137 = arith.constant 128 : i32
        %mul3A_138 = arith.muli %add3A_78, %mul3A_137 : i32
        %dma_start3A_139 = arith.constant 2 : i32
        %dma_start3A_140 = tpu.memref_slice %arg19[%mul3A_138] : memref<8192xf32, #tpu.memory_space<vmem>> -> memref<128xf32, #tpu.memory_space<vmem>>
        %dma_start3A_141 = arith.constant 0 : i32
        %dma_start3A_142 = tpu.memref_slice %arg15[%add3A_78, %dma_start3A_141] : memref<64x128xi32, #tpu.memory_space<vmem>> -> memref<1x128xi32, #tpu.memory_space<vmem>>
        %dma_start3A_143 = tpu.memref_squeeze %dma_start3A_142 : memref<1x128xi32, #tpu.memory_space<vmem>> -> memref<128xi32, #tpu.memory_space<vmem>>
        %dma_start3A_144 = arith.constant 0 : i32
        %dma_start3A_145 = tpu.memref_slice %arg6[%dma_start3A_144] : memref<1048576xf32, #tpu.memory_space<hbm>> -> memref<1048576xf32, #tpu.memory_space<hbm>>
        %dma_start3A_146 = tpu.memref_slice %arg26[%dma_start3A_139, %select_n3A_93] : memref<6x4x!tpu.dma_semaphore, #tpu.memory_space<semaphore_mem>> -> memref<1x1x!tpu.dma_semaphore, #tpu.memory_space<semaphore_mem>>
        %dma_start3A_147 = tpu.memref_squeeze %dma_start3A_146 : memref<1x1x!tpu.dma_semaphore, #tpu.memory_space<semaphore_mem>> -> memref<!tpu.dma_semaphore, #tpu.memory_space<semaphore_mem>>
        tpu.enqueue_indirect_dma source(%dma_start3A_145 : memref<1048576xf32, #tpu.memory_space<hbm>>) target(%dma_start3A_140 : memref<128xf32, #tpu.memory_space<vmem>>) offsets(%dma_start3A_143 : memref<128xi32, #tpu.memory_space<vmem>>) semaphore(%dma_start3A_147 : memref<!tpu.dma_semaphore, #tpu.memory_space<semaphore_mem>>)
        %mul3A_148 = arith.constant 128 : i32
        %mul3A_149 = arith.muli %add3A_78, %mul3A_148 : i32
        %dma_start3A_150 = arith.constant 5 : i32
        %dma_start3A_151 = tpu.memref_slice %arg22[%mul3A_149] : memref<8192xf32, #tpu.memory_space<vmem>> -> memref<128xf32, #tpu.memory_space<vmem>>
        %dma_start3A_152 = arith.constant 0 : i32
        %dma_start3A_153 = tpu.memref_slice %arg16[%add3A_78, %dma_start3A_152] : memref<64x128xi32, #tpu.memory_space<vmem>> -> memref<1x128xi32, #tpu.memory_space<vmem>>
        %dma_start3A_154 = tpu.memref_squeeze %dma_start3A_153 : memref<1x128xi32, #tpu.memory_space<vmem>> -> memref<128xi32, #tpu.memory_space<vmem>>
        %dma_start3A_155 = arith.constant 0 : i32
        %dma_start3A_156 = tpu.memref_slice %arg9[%dma_start3A_155] : memref<4194304xf32, #tpu.memory_space<hbm>> -> memref<4194304xf32, #tpu.memory_space<hbm>>
        %dma_start3A_157 = tpu.memref_slice %arg26[%dma_start3A_150, %select_n3A_93] : memref<6x4x!tpu.dma_semaphore, #tpu.memory_space<semaphore_mem>> -> memref<1x1x!tpu.dma_semaphore, #tpu.memory_space<semaphore_mem>>
        %dma_start3A_158 = tpu.memref_squeeze %dma_start3A_157 : memref<1x1x!tpu.dma_semaphore, #tpu.memory_space<semaphore_mem>> -> memref<!tpu.dma_semaphore, #tpu.memory_space<semaphore_mem>>
        tpu.enqueue_indirect_dma source(%dma_start3A_156 : memref<4194304xf32, #tpu.memory_space<hbm>>) target(%dma_start3A_151 : memref<128xf32, #tpu.memory_space<vmem>>) offsets(%dma_start3A_154 : memref<128xi32, #tpu.memory_space<vmem>>) semaphore(%dma_start3A_158 : memref<!tpu.dma_semaphore, #tpu.memory_space<semaphore_mem>>)
      }
      %scan3A_58 = arith.constant 4 : i32
      %scan3A_59 = arith.constant 0 : i32
      %scan3A_60 = arith.constant 60 : i32
      %scan3A_61 = arith.addi %scan3A_59, %scan3A_60 : i32
      %scan3A_62 = arith.constant 1 : i32
      scf.for %scan3A_74 = %scan3A_59 to %scan3A_61 step %scan3A_62  : i32 {
        %mul3A_75 = arith.constant 1 : i32
        %mul3A_76 = arith.muli %scan3A_74, %mul3A_75 : i32
        %add3A_77 = arith.constant 4 : i32
        %add3A_78 = arith.addi %add3A_77, %mul3A_76 : i32
        %jit3A_79 = arith.constant 4 : i32
        %eq3A_80 = arith.constant 0 : i32
        %eq3A_81 = arith.cmpi eq, %jit3A_79, %eq3A_80 : i32
        %jit3A_82 = arith.constant 1 : i32
        %select_n3A_83 = arith.select %eq3A_81, %jit3A_82, %jit3A_79 : i32
        %rem3A_84 = arith.remsi %add3A_78, %select_n3A_83 : i32
        %ne3A_85 = arith.constant 0 : i32
        %ne3A_86 = arith.cmpi ne, %rem3A_84, %ne3A_85 : i32
        %lt3A = arith.constant 0 : i32
        %lt3A_87 = arith.cmpi slt, %rem3A_84, %lt3A : i32
        %lt3A_88 = arith.constant 0 : i32
        %lt3A_89 = arith.cmpi slt, %select_n3A_83, %lt3A_88 : i32
        %ne3A_90 = arith.xori %lt3A_87, %lt3A_89 : i1
        %and3A_91 = arith.andi %ne3A_90, %ne3A_86 : i1
        %add3A_92 = arith.addi %rem3A_84, %select_n3A_83 : i32
        %select_n3A_93 = arith.select %and3A_91, %add3A_92, %rem3A_84 : i32
        %mul3A_94 = arith.constant 128 : i32
        %mul3A_95 = arith.muli %add3A_78, %mul3A_94 : i32
        %dma_start3A = arith.constant 0 : i32
        %dma_start3A_96 = tpu.memref_slice %arg17[%mul3A_95] : memref<8192xf32, #tpu.memory_space<vmem>> -> memref<128xf32, #tpu.memory_space<vmem>>
        %dma_start3A_97 = arith.constant 0 : i32
        %dma_start3A_98 = tpu.memref_slice %arg15[%add3A_78, %dma_start3A_97] : memref<64x128xi32, #tpu.memory_space<vmem>> -> memref<1x128xi32, #tpu.memory_space<vmem>>
        %dma_start3A_99 = tpu.memref_squeeze %dma_start3A_98 : memref<1x128xi32, #tpu.memory_space<vmem>> -> memref<128xi32, #tpu.memory_space<vmem>>
        %dma_start3A_100 = arith.constant 0 : i32
        %dma_start3A_101 = tpu.memref_slice %arg4[%dma_start3A_100] : memref<1048576xf32, #tpu.memory_space<hbm>> -> memref<1048576xf32, #tpu.memory_space<hbm>>
        %dma_start3A_102 = tpu.memref_slice %arg26[%dma_start3A, %select_n3A_93] : memref<6x4x!tpu.dma_semaphore, #tpu.memory_space<semaphore_mem>> -> memref<1x1x!tpu.dma_semaphore, #tpu.memory_space<semaphore_mem>>
        %dma_start3A_103 = tpu.memref_squeeze %dma_start3A_102 : memref<1x1x!tpu.dma_semaphore, #tpu.memory_space<semaphore_mem>> -> memref<!tpu.dma_semaphore, #tpu.memory_space<semaphore_mem>>
        tpu.enqueue_indirect_dma source(%dma_start3A_101 : memref<1048576xf32, #tpu.memory_space<hbm>>) target(%dma_start3A_96 : memref<128xf32, #tpu.memory_space<vmem>>) offsets(%dma_start3A_99 : memref<128xi32, #tpu.memory_space<vmem>>) semaphore(%dma_start3A_103 : memref<!tpu.dma_semaphore, #tpu.memory_space<semaphore_mem>>)
        %mul3A_104 = arith.constant 128 : i32
        %mul3A_105 = arith.muli %add3A_78, %mul3A_104 : i32
        %dma_start3A_106 = arith.constant 3 : i32
        %dma_start3A_107 = tpu.memref_slice %arg20[%mul3A_105] : memref<8192xf32, #tpu.memory_space<vmem>> -> memref<128xf32, #tpu.memory_space<vmem>>
        %dma_start3A_108 = arith.constant 0 : i32
        %dma_start3A_109 = tpu.memref_slice %arg16[%add3A_78, %dma_start3A_108] : memref<64x128xi32, #tpu.memory_space<vmem>> -> memref<1x128xi32, #tpu.memory_space<vmem>>
        %dma_start3A_110 = tpu.memref_squeeze %dma_start3A_109 : memref<1x128xi32, #tpu.memory_space<vmem>> -> memref<128xi32, #tpu.memory_space<vmem>>
        %dma_start3A_111 = arith.constant 0 : i32
        %dma_start3A_112 = tpu.memref_slice %arg7[%dma_start3A_111] : memref<4194304xf32, #tpu.memory_space<hbm>> -> memref<4194304xf32, #tpu.memory_space<hbm>>
        %dma_start3A_113 = tpu.memref_slice %arg26[%dma_start3A_106, %select_n3A_93] : memref<6x4x!tpu.dma_semaphore, #tpu.memory_space<semaphore_mem>> -> memref<1x1x!tpu.dma_semaphore, #tpu.memory_space<semaphore_mem>>
        %dma_start3A_114 = tpu.memref_squeeze %dma_start3A_113 : memref<1x1x!tpu.dma_semaphore, #tpu.memory_space<semaphore_mem>> -> memref<!tpu.dma_semaphore, #tpu.memory_space<semaphore_mem>>
        tpu.enqueue_indirect_dma source(%dma_start3A_112 : memref<4194304xf32, #tpu.memory_space<hbm>>) target(%dma_start3A_107 : memref<128xf32, #tpu.memory_space<vmem>>) offsets(%dma_start3A_110 : memref<128xi32, #tpu.memory_space<vmem>>) semaphore(%dma_start3A_114 : memref<!tpu.dma_semaphore, #tpu.memory_space<semaphore_mem>>)
        %mul3A_115 = arith.constant 128 : i32
        %mul3A_116 = arith.muli %add3A_78, %mul3A_115 : i32
        %dma_start3A_117 = arith.constant 1 : i32
        %dma_start3A_118 = tpu.memref_slice %arg18[%mul3A_116] : memref<8192xf32, #tpu.memory_space<vmem>> -> memref<128xf32, #tpu.memory_space<vmem>>
        %dma_start3A_119 = arith.constant 0 : i32
        %dma_start3A_120 = tpu.memref_slice %arg15[%add3A_78, %dma_start3A_119] : memref<64x128xi32, #tpu.memory_space<vmem>> -> memref<1x128xi32, #tpu.memory_space<vmem>>
        %dma_start3A_121 = tpu.memref_squeeze %dma_start3A_120 : memref<1x128xi32, #tpu.memory_space<vmem>> -> memref<128xi32, #tpu.memory_space<vmem>>
        %dma_start3A_122 = arith.constant 0 : i32
        %dma_start3A_123 = tpu.memref_slice %arg5[%dma_start3A_122] : memref<1048576xf32, #tpu.memory_space<hbm>> -> memref<1048576xf32, #tpu.memory_space<hbm>>
        %dma_start3A_124 = tpu.memref_slice %arg26[%dma_start3A_117, %select_n3A_93] : memref<6x4x!tpu.dma_semaphore, #tpu.memory_space<semaphore_mem>> -> memref<1x1x!tpu.dma_semaphore, #tpu.memory_space<semaphore_mem>>
        %dma_start3A_125 = tpu.memref_squeeze %dma_start3A_124 : memref<1x1x!tpu.dma_semaphore, #tpu.memory_space<semaphore_mem>> -> memref<!tpu.dma_semaphore, #tpu.memory_space<semaphore_mem>>
        tpu.enqueue_indirect_dma source(%dma_start3A_123 : memref<1048576xf32, #tpu.memory_space<hbm>>) target(%dma_start3A_118 : memref<128xf32, #tpu.memory_space<vmem>>) offsets(%dma_start3A_121 : memref<128xi32, #tpu.memory_space<vmem>>) semaphore(%dma_start3A_125 : memref<!tpu.dma_semaphore, #tpu.memory_space<semaphore_mem>>)
        %mul3A_126 = arith.constant 128 : i32
        %mul3A_127 = arith.muli %add3A_78, %mul3A_126 : i32
        %dma_start3A_128 = arith.constant 4 : i32
        %dma_start3A_129 = tpu.memref_slice %arg21[%mul3A_127] : memref<8192xf32, #tpu.memory_space<vmem>> -> memref<128xf32, #tpu.memory_space<vmem>>
        %dma_start3A_130 = arith.constant 0 : i32
        %dma_start3A_131 = tpu.memref_slice %arg16[%add3A_78, %dma_start3A_130] : memref<64x128xi32, #tpu.memory_space<vmem>> -> memref<1x128xi32, #tpu.memory_space<vmem>>
        %dma_start3A_132 = tpu.memref_squeeze %dma_start3A_131 : memref<1x128xi32, #tpu.memory_space<vmem>> -> memref<128xi32, #tpu.memory_space<vmem>>
        %dma_start3A_133 = arith.constant 0 : i32
        %dma_start3A_134 = tpu.memref_slice %arg8[%dma_start3A_133] : memref<4194304xf32, #tpu.memory_space<hbm>> -> memref<4194304xf32, #tpu.memory_space<hbm>>
        %dma_start3A_135 = tpu.memref_slice %arg26[%dma_start3A_128, %select_n3A_93] : memref<6x4x!tpu.dma_semaphore, #tpu.memory_space<semaphore_mem>> -> memref<1x1x!tpu.dma_semaphore, #tpu.memory_space<semaphore_mem>>
        %dma_start3A_136 = tpu.memref_squeeze %dma_start3A_135 : memref<1x1x!tpu.dma_semaphore, #tpu.memory_space<semaphore_mem>> -> memref<!tpu.dma_semaphore, #tpu.memory_space<semaphore_mem>>
        tpu.enqueue_indirect_dma source(%dma_start3A_134 : memref<4194304xf32, #tpu.memory_space<hbm>>) target(%dma_start3A_129 : memref<128xf32, #tpu.memory_space<vmem>>) offsets(%dma_start3A_132 : memref<128xi32, #tpu.memory_space<vmem>>) semaphore(%dma_start3A_136 : memref<!tpu.dma_semaphore, #tpu.memory_space<semaphore_mem>>)
        %mul3A_137 = arith.constant 128 : i32
        %mul3A_138 = arith.muli %add3A_78, %mul3A_137 : i32
        %dma_start3A_139 = arith.constant 2 : i32
        %dma_start3A_140 = tpu.memref_slice %arg19[%mul3A_138] : memref<8192xf32, #tpu.memory_space<vmem>> -> memref<128xf32, #tpu.memory_space<vmem>>
        %dma_start3A_141 = arith.constant 0 : i32
        %dma_start3A_142 = tpu.memref_slice %arg15[%add3A_78, %dma_start3A_141] : memref<64x128xi32, #tpu.memory_space<vmem>> -> memref<1x128xi32, #tpu.memory_space<vmem>>
        %dma_start3A_143 = tpu.memref_squeeze %dma_start3A_142 : memref<1x128xi32, #tpu.memory_space<vmem>> -> memref<128xi32, #tpu.memory_space<vmem>>
        %dma_start3A_144 = arith.constant 0 : i32
        %dma_start3A_145 = tpu.memref_slice %arg6[%dma_start3A_144] : memref<1048576xf32, #tpu.memory_space<hbm>> -> memref<1048576xf32, #tpu.memory_space<hbm>>
        %dma_start3A_146 = tpu.memref_slice %arg26[%dma_start3A_139, %select_n3A_93] : memref<6x4x!tpu.dma_semaphore, #tpu.memory_space<semaphore_mem>> -> memref<1x1x!tpu.dma_semaphore, #tpu.memory_space<semaphore_mem>>
        %dma_start3A_147 = tpu.memref_squeeze %dma_start3A_146 : memref<1x1x!tpu.dma_semaphore, #tpu.memory_space<semaphore_mem>> -> memref<!tpu.dma_semaphore, #tpu.memory_space<semaphore_mem>>
        tpu.enqueue_indirect_dma source(%dma_start3A_145 : memref<1048576xf32, #tpu.memory_space<hbm>>) target(%dma_start3A_140 : memref<128xf32, #tpu.memory_space<vmem>>) offsets(%dma_start3A_143 : memref<128xi32, #tpu.memory_space<vmem>>) semaphore(%dma_start3A_147 : memref<!tpu.dma_semaphore, #tpu.memory_space<semaphore_mem>>)
        %mul3A_148 = arith.constant 128 : i32
        %mul3A_149 = arith.muli %add3A_78, %mul3A_148 : i32
        %dma_start3A_150 = arith.constant 5 : i32
        %dma_start3A_151 = tpu.memref_slice %arg22[%mul3A_149] : memref<8192xf32, #tpu.memory_space<vmem>> -> memref<128xf32, #tpu.memory_space<vmem>>
        %dma_start3A_152 = arith.constant 0 : i32
        %dma_start3A_153 = tpu.memref_slice %arg16[%add3A_78, %dma_start3A_152] : memref<64x128xi32, #tpu.memory_space<vmem>> -> memref<1x128xi32, #tpu.memory_space<vmem>>
        %dma_start3A_154 = tpu.memref_squeeze %dma_start3A_153 : memref<1x128xi32, #tpu.memory_space<vmem>> -> memref<128xi32, #tpu.memory_space<vmem>>
        %dma_start3A_155 = arith.constant 0 : i32
        %dma_start3A_156 = tpu.memref_slice %arg9[%dma_start3A_155] : memref<4194304xf32, #tpu.memory_space<hbm>> -> memref<4194304xf32, #tpu.memory_space<hbm>>
        %dma_start3A_157 = tpu.memref_slice %arg26[%dma_start3A_150, %select_n3A_93] : memref<6x4x!tpu.dma_semaphore, #tpu.memory_space<semaphore_mem>> -> memref<1x1x!tpu.dma_semaphore, #tpu.memory_space<semaphore_mem>>
        %dma_start3A_158 = tpu.memref_squeeze %dma_start3A_157 : memref<1x1x!tpu.dma_semaphore, #tpu.memory_space<semaphore_mem>> -> memref<!tpu.dma_semaphore, #tpu.memory_space<semaphore_mem>>
        tpu.enqueue_indirect_dma source(%dma_start3A_156 : memref<4194304xf32, #tpu.memory_space<hbm>>) target(%dma_start3A_151 : memref<128xf32, #tpu.memory_space<vmem>>) offsets(%dma_start3A_154 : memref<128xi32, #tpu.memory_space<vmem>>) semaphore(%dma_start3A_158 : memref<!tpu.dma_semaphore, #tpu.memory_space<semaphore_mem>>)
        %sub3A_159 = arith.constant 4 : i32
        %sub3A_160 = arith.subi %add3A_78, %sub3A_159 : i32
        %jit3A_161 = arith.constant 4 : i32
        %eq3A_162 = arith.constant 0 : i32
        %eq3A_163 = arith.cmpi eq, %jit3A_161, %eq3A_162 : i32
        %jit3A_164 = arith.constant 1 : i32
        %select_n3A_165 = arith.select %eq3A_163, %jit3A_164, %jit3A_161 : i32
        %rem3A_166 = arith.remsi %sub3A_160, %select_n3A_165 : i32
        %ne3A_167 = arith.constant 0 : i32
        %ne3A_168 = arith.cmpi ne, %rem3A_166, %ne3A_167 : i32
        %lt3A_169 = arith.constant 0 : i32
        %lt3A_170 = arith.cmpi slt, %rem3A_166, %lt3A_169 : i32
        %lt3A_171 = arith.constant 0 : i32
        %lt3A_172 = arith.cmpi slt, %select_n3A_165, %lt3A_171 : i32
        %ne3A_173 = arith.xori %lt3A_170, %lt3A_172 : i1
        %and3A_174 = arith.andi %ne3A_173, %ne3A_168 : i1
        %add3A_175 = arith.addi %rem3A_166, %select_n3A_165 : i32
        %select_n3A_176 = arith.select %and3A_174, %add3A_175, %rem3A_166 : i32
        %mul3A_177 = arith.constant 128 : i32
        %mul3A_178 = arith.muli %sub3A_160, %mul3A_177 : i32
        %dma_wait3A = arith.constant 0 : i32
        %dma_wait3A_179 = tpu.memref_slice %arg17[%mul3A_178] : memref<8192xf32, #tpu.memory_space<vmem>> -> memref<128xf32, #tpu.memory_space<vmem>>
        %dma_wait3A_180 = arith.constant 0 : i32
        %dma_wait3A_181 = tpu.memref_slice %arg15[%sub3A_160, %dma_wait3A_180] : memref<64x128xi32, #tpu.memory_space<vmem>> -> memref<1x128xi32, #tpu.memory_space<vmem>>
        %dma_wait3A_182 = tpu.memref_squeeze %dma_wait3A_181 : memref<1x128xi32, #tpu.memory_space<vmem>> -> memref<128xi32, #tpu.memory_space<vmem>>
        %dma_wait3A_183 = arith.constant 0 : i32
        %dma_wait3A_184 = tpu.memref_slice %arg4[%dma_wait3A_183] : memref<1048576xf32, #tpu.memory_space<hbm>> -> memref<1048576xf32, #tpu.memory_space<hbm>>
        %dma_wait3A_185 = tpu.memref_slice %arg26[%dma_wait3A, %select_n3A_176] : memref<6x4x!tpu.dma_semaphore, #tpu.memory_space<semaphore_mem>> -> memref<1x1x!tpu.dma_semaphore, #tpu.memory_space<semaphore_mem>>
        %dma_wait3A_186 = tpu.memref_squeeze %dma_wait3A_185 : memref<1x1x!tpu.dma_semaphore, #tpu.memory_space<semaphore_mem>> -> memref<!tpu.dma_semaphore, #tpu.memory_space<semaphore_mem>>
        tpu.wait_indirect_dma semaphore(%dma_wait3A_186 : memref<!tpu.dma_semaphore, #tpu.memory_space<semaphore_mem>>) src(%dma_wait3A_184 : memref<1048576xf32, #tpu.memory_space<hbm>>) dst(%dma_wait3A_179 : memref<128xf32, #tpu.memory_space<vmem>>)
        %mul3A_187 = arith.constant 128 : i32
        %mul3A_188 = arith.muli %sub3A_160, %mul3A_187 : i32
        %dma_wait3A_189 = arith.constant 3 : i32
        %dma_wait3A_190 = tpu.memref_slice %arg20[%mul3A_188] : memref<8192xf32, #tpu.memory_space<vmem>> -> memref<128xf32, #tpu.memory_space<vmem>>
        %dma_wait3A_191 = arith.constant 0 : i32
        %dma_wait3A_192 = tpu.memref_slice %arg16[%sub3A_160, %dma_wait3A_191] : memref<64x128xi32, #tpu.memory_space<vmem>> -> memref<1x128xi32, #tpu.memory_space<vmem>>
        %dma_wait3A_193 = tpu.memref_squeeze %dma_wait3A_192 : memref<1x128xi32, #tpu.memory_space<vmem>> -> memref<128xi32, #tpu.memory_space<vmem>>
        %dma_wait3A_194 = arith.constant 0 : i32
        %dma_wait3A_195 = tpu.memref_slice %arg7[%dma_wait3A_194] : memref<4194304xf32, #tpu.memory_space<hbm>> -> memref<4194304xf32, #tpu.memory_space<hbm>>
        %dma_wait3A_196 = tpu.memref_slice %arg26[%dma_wait3A_189, %select_n3A_176] : memref<6x4x!tpu.dma_semaphore, #tpu.memory_space<semaphore_mem>> -> memref<1x1x!tpu.dma_semaphore, #tpu.memory_space<semaphore_mem>>
        %dma_wait3A_197 = tpu.memref_squeeze %dma_wait3A_196 : memref<1x1x!tpu.dma_semaphore, #tpu.memory_space<semaphore_mem>> -> memref<!tpu.dma_semaphore, #tpu.memory_space<semaphore_mem>>
        tpu.wait_indirect_dma semaphore(%dma_wait3A_197 : memref<!tpu.dma_semaphore, #tpu.memory_space<semaphore_mem>>) src(%dma_wait3A_195 : memref<4194304xf32, #tpu.memory_space<hbm>>) dst(%dma_wait3A_190 : memref<128xf32, #tpu.memory_space<vmem>>)
        %mul3A_198 = arith.constant 128 : i32
        %mul3A_199 = arith.muli %sub3A_160, %mul3A_198 : i32
        %dma_wait3A_200 = arith.constant 1 : i32
        %dma_wait3A_201 = tpu.memref_slice %arg18[%mul3A_199] : memref<8192xf32, #tpu.memory_space<vmem>> -> memref<128xf32, #tpu.memory_space<vmem>>
        %dma_wait3A_202 = arith.constant 0 : i32
        %dma_wait3A_203 = tpu.memref_slice %arg15[%sub3A_160, %dma_wait3A_202] : memref<64x128xi32, #tpu.memory_space<vmem>> -> memref<1x128xi32, #tpu.memory_space<vmem>>
        %dma_wait3A_204 = tpu.memref_squeeze %dma_wait3A_203 : memref<1x128xi32, #tpu.memory_space<vmem>> -> memref<128xi32, #tpu.memory_space<vmem>>
        %dma_wait3A_205 = arith.constant 0 : i32
        %dma_wait3A_206 = tpu.memref_slice %arg5[%dma_wait3A_205] : memref<1048576xf32, #tpu.memory_space<hbm>> -> memref<1048576xf32, #tpu.memory_space<hbm>>
        %dma_wait3A_207 = tpu.memref_slice %arg26[%dma_wait3A_200, %select_n3A_176] : memref<6x4x!tpu.dma_semaphore, #tpu.memory_space<semaphore_mem>> -> memref<1x1x!tpu.dma_semaphore, #tpu.memory_space<semaphore_mem>>
        %dma_wait3A_208 = tpu.memref_squeeze %dma_wait3A_207 : memref<1x1x!tpu.dma_semaphore, #tpu.memory_space<semaphore_mem>> -> memref<!tpu.dma_semaphore, #tpu.memory_space<semaphore_mem>>
        tpu.wait_indirect_dma semaphore(%dma_wait3A_208 : memref<!tpu.dma_semaphore, #tpu.memory_space<semaphore_mem>>) src(%dma_wait3A_206 : memref<1048576xf32, #tpu.memory_space<hbm>>) dst(%dma_wait3A_201 : memref<128xf32, #tpu.memory_space<vmem>>)
        %mul3A_209 = arith.constant 128 : i32
        %mul3A_210 = arith.muli %sub3A_160, %mul3A_209 : i32
        %dma_wait3A_211 = arith.constant 4 : i32
        %dma_wait3A_212 = tpu.memref_slice %arg21[%mul3A_210] : memref<8192xf32, #tpu.memory_space<vmem>> -> memref<128xf32, #tpu.memory_space<vmem>>
        %dma_wait3A_213 = arith.constant 0 : i32
        %dma_wait3A_214 = tpu.memref_slice %arg16[%sub3A_160, %dma_wait3A_213] : memref<64x128xi32, #tpu.memory_space<vmem>> -> memref<1x128xi32, #tpu.memory_space<vmem>>
        %dma_wait3A_215 = tpu.memref_squeeze %dma_wait3A_214 : memref<1x128xi32, #tpu.memory_space<vmem>> -> memref<128xi32, #tpu.memory_space<vmem>>
        %dma_wait3A_216 = arith.constant 0 : i32
        %dma_wait3A_217 = tpu.memref_slice %arg8[%dma_wait3A_216] : memref<4194304xf32, #tpu.memory_space<hbm>> -> memref<4194304xf32, #tpu.memory_space<hbm>>
        %dma_wait3A_218 = tpu.memref_slice %arg26[%dma_wait3A_211, %select_n3A_176] : memref<6x4x!tpu.dma_semaphore, #tpu.memory_space<semaphore_mem>> -> memref<1x1x!tpu.dma_semaphore, #tpu.memory_space<semaphore_mem>>
        %dma_wait3A_219 = tpu.memref_squeeze %dma_wait3A_218 : memref<1x1x!tpu.dma_semaphore, #tpu.memory_space<semaphore_mem>> -> memref<!tpu.dma_semaphore, #tpu.memory_space<semaphore_mem>>
        tpu.wait_indirect_dma semaphore(%dma_wait3A_219 : memref<!tpu.dma_semaphore, #tpu.memory_space<semaphore_mem>>) src(%dma_wait3A_217 : memref<4194304xf32, #tpu.memory_space<hbm>>) dst(%dma_wait3A_212 : memref<128xf32, #tpu.memory_space<vmem>>)
        %mul3A_220 = arith.constant 128 : i32
        %mul3A_221 = arith.muli %sub3A_160, %mul3A_220 : i32
        %dma_wait3A_222 = arith.constant 2 : i32
        %dma_wait3A_223 = tpu.memref_slice %arg19[%mul3A_221] : memref<8192xf32, #tpu.memory_space<vmem>> -> memref<128xf32, #tpu.memory_space<vmem>>
        %dma_wait3A_224 = arith.constant 0 : i32
        %dma_wait3A_225 = tpu.memref_slice %arg15[%sub3A_160, %dma_wait3A_224] : memref<64x128xi32, #tpu.memory_space<vmem>> -> memref<1x128xi32, #tpu.memory_space<vmem>>
        %dma_wait3A_226 = tpu.memref_squeeze %dma_wait3A_225 : memref<1x128xi32, #tpu.memory_space<vmem>> -> memref<128xi32, #tpu.memory_space<vmem>>
        %dma_wait3A_227 = arith.constant 0 : i32
        %dma_wait3A_228 = tpu.memref_slice %arg6[%dma_wait3A_227] : memref<1048576xf32, #tpu.memory_space<hbm>> -> memref<1048576xf32, #tpu.memory_space<hbm>>
        %dma_wait3A_229 = tpu.memref_slice %arg26[%dma_wait3A_222, %select_n3A_176] : memref<6x4x!tpu.dma_semaphore, #tpu.memory_space<semaphore_mem>> -> memref<1x1x!tpu.dma_semaphore, #tpu.memory_space<semaphore_mem>>
        %dma_wait3A_230 = tpu.memref_squeeze %dma_wait3A_229 : memref<1x1x!tpu.dma_semaphore, #tpu.memory_space<semaphore_mem>> -> memref<!tpu.dma_semaphore, #tpu.memory_space<semaphore_mem>>
        tpu.wait_indirect_dma semaphore(%dma_wait3A_230 : memref<!tpu.dma_semaphore, #tpu.memory_space<semaphore_mem>>) src(%dma_wait3A_228 : memref<1048576xf32, #tpu.memory_space<hbm>>) dst(%dma_wait3A_223 : memref<128xf32, #tpu.memory_space<vmem>>)
        %mul3A_231 = arith.constant 128 : i32
        %mul3A_232 = arith.muli %sub3A_160, %mul3A_231 : i32
        %dma_wait3A_233 = arith.constant 5 : i32
        %dma_wait3A_234 = tpu.memref_slice %arg22[%mul3A_232] : memref<8192xf32, #tpu.memory_space<vmem>> -> memref<128xf32, #tpu.memory_space<vmem>>
        %dma_wait3A_235 = arith.constant 0 : i32
        %dma_wait3A_236 = tpu.memref_slice %arg16[%sub3A_160, %dma_wait3A_235] : memref<64x128xi32, #tpu.memory_space<vmem>> -> memref<1x128xi32, #tpu.memory_space<vmem>>
        %dma_wait3A_237 = tpu.memref_squeeze %dma_wait3A_236 : memref<1x128xi32, #tpu.memory_space<vmem>> -> memref<128xi32, #tpu.memory_space<vmem>>
        %dma_wait3A_238 = arith.constant 0 : i32
        %dma_wait3A_239 = tpu.memref_slice %arg9[%dma_wait3A_238] : memref<4194304xf32, #tpu.memory_space<hbm>> -> memref<4194304xf32, #tpu.memory_space<hbm>>
        %dma_wait3A_240 = tpu.memref_slice %arg26[%dma_wait3A_233, %select_n3A_176] : memref<6x4x!tpu.dma_semaphore, #tpu.memory_space<semaphore_mem>> -> memref<1x1x!tpu.dma_semaphore, #tpu.memory_space<semaphore_mem>>
        %dma_wait3A_241 = tpu.memref_squeeze %dma_wait3A_240 : memref<1x1x!tpu.dma_semaphore, #tpu.memory_space<semaphore_mem>> -> memref<!tpu.dma_semaphore, #tpu.memory_space<semaphore_mem>>
        tpu.wait_indirect_dma semaphore(%dma_wait3A_241 : memref<!tpu.dma_semaphore, #tpu.memory_space<semaphore_mem>>) src(%dma_wait3A_239 : memref<4194304xf32, #tpu.memory_space<hbm>>) dst(%dma_wait3A_234 : memref<128xf32, #tpu.memory_space<vmem>>)
      }
      %scan3A_63 = arith.constant 60 : i32
      %scan3A_64 = arith.constant 0 : i32
      %scan3A_65 = arith.constant 4 : i32
      %scan3A_66 = arith.addi %scan3A_64, %scan3A_65 : i32
      %scan3A_67 = arith.constant 1 : i32
      scf.for %scan3A_74 = %scan3A_64 to %scan3A_66 step %scan3A_67  : i32 {
        %mul3A_75 = arith.constant 1 : i32
        %mul3A_76 = arith.muli %scan3A_74, %mul3A_75 : i32
        %add3A_77 = arith.constant 60 : i32
        %add3A_78 = arith.addi %add3A_77, %mul3A_76 : i32
        %jit3A_79 = arith.constant 4 : i32
        %eq3A_80 = arith.constant 0 : i32
        %eq3A_81 = arith.cmpi eq, %jit3A_79, %eq3A_80 : i32
        %jit3A_82 = arith.constant 1 : i32
        %select_n3A_83 = arith.select %eq3A_81, %jit3A_82, %jit3A_79 : i32
        %rem3A_84 = arith.remsi %add3A_78, %select_n3A_83 : i32
        %ne3A_85 = arith.constant 0 : i32
        %ne3A_86 = arith.cmpi ne, %rem3A_84, %ne3A_85 : i32
        %lt3A = arith.constant 0 : i32
        %lt3A_87 = arith.cmpi slt, %rem3A_84, %lt3A : i32
        %lt3A_88 = arith.constant 0 : i32
        %lt3A_89 = arith.cmpi slt, %select_n3A_83, %lt3A_88 : i32
        %ne3A_90 = arith.xori %lt3A_87, %lt3A_89 : i1
        %and3A_91 = arith.andi %ne3A_90, %ne3A_86 : i1
        %add3A_92 = arith.addi %rem3A_84, %select_n3A_83 : i32
        %select_n3A_93 = arith.select %and3A_91, %add3A_92, %rem3A_84 : i32
        %mul3A_94 = arith.constant 128 : i32
        %mul3A_95 = arith.muli %add3A_78, %mul3A_94 : i32
        %dma_wait3A = arith.constant 0 : i32
        %dma_wait3A_96 = tpu.memref_slice %arg17[%mul3A_95] : memref<8192xf32, #tpu.memory_space<vmem>> -> memref<128xf32, #tpu.memory_space<vmem>>
        %dma_wait3A_97 = arith.constant 0 : i32
        %dma_wait3A_98 = tpu.memref_slice %arg15[%add3A_78, %dma_wait3A_97] : memref<64x128xi32, #tpu.memory_space<vmem>> -> memref<1x128xi32, #tpu.memory_space<vmem>>
        %dma_wait3A_99 = tpu.memref_squeeze %dma_wait3A_98 : memref<1x128xi32, #tpu.memory_space<vmem>> -> memref<128xi32, #tpu.memory_space<vmem>>
        %dma_wait3A_100 = arith.constant 0 : i32
        %dma_wait3A_101 = tpu.memref_slice %arg4[%dma_wait3A_100] : memref<1048576xf32, #tpu.memory_space<hbm>> -> memref<1048576xf32, #tpu.memory_space<hbm>>
        %dma_wait3A_102 = tpu.memref_slice %arg26[%dma_wait3A, %select_n3A_93] : memref<6x4x!tpu.dma_semaphore, #tpu.memory_space<semaphore_mem>> -> memref<1x1x!tpu.dma_semaphore, #tpu.memory_space<semaphore_mem>>
        %dma_wait3A_103 = tpu.memref_squeeze %dma_wait3A_102 : memref<1x1x!tpu.dma_semaphore, #tpu.memory_space<semaphore_mem>> -> memref<!tpu.dma_semaphore, #tpu.memory_space<semaphore_mem>>
        tpu.wait_indirect_dma semaphore(%dma_wait3A_103 : memref<!tpu.dma_semaphore, #tpu.memory_space<semaphore_mem>>) src(%dma_wait3A_101 : memref<1048576xf32, #tpu.memory_space<hbm>>) dst(%dma_wait3A_96 : memref<128xf32, #tpu.memory_space<vmem>>)
        %mul3A_104 = arith.constant 128 : i32
        %mul3A_105 = arith.muli %add3A_78, %mul3A_104 : i32
        %dma_wait3A_106 = arith.constant 3 : i32
        %dma_wait3A_107 = tpu.memref_slice %arg20[%mul3A_105] : memref<8192xf32, #tpu.memory_space<vmem>> -> memref<128xf32, #tpu.memory_space<vmem>>
        %dma_wait3A_108 = arith.constant 0 : i32
        %dma_wait3A_109 = tpu.memref_slice %arg16[%add3A_78, %dma_wait3A_108] : memref<64x128xi32, #tpu.memory_space<vmem>> -> memref<1x128xi32, #tpu.memory_space<vmem>>
        %dma_wait3A_110 = tpu.memref_squeeze %dma_wait3A_109 : memref<1x128xi32, #tpu.memory_space<vmem>> -> memref<128xi32, #tpu.memory_space<vmem>>
        %dma_wait3A_111 = arith.constant 0 : i32
        %dma_wait3A_112 = tpu.memref_slice %arg7[%dma_wait3A_111] : memref<4194304xf32, #tpu.memory_space<hbm>> -> memref<4194304xf32, #tpu.memory_space<hbm>>
        %dma_wait3A_113 = tpu.memref_slice %arg26[%dma_wait3A_106, %select_n3A_93] : memref<6x4x!tpu.dma_semaphore, #tpu.memory_space<semaphore_mem>> -> memref<1x1x!tpu.dma_semaphore, #tpu.memory_space<semaphore_mem>>
        %dma_wait3A_114 = tpu.memref_squeeze %dma_wait3A_113 : memref<1x1x!tpu.dma_semaphore, #tpu.memory_space<semaphore_mem>> -> memref<!tpu.dma_semaphore, #tpu.memory_space<semaphore_mem>>
        tpu.wait_indirect_dma semaphore(%dma_wait3A_114 : memref<!tpu.dma_semaphore, #tpu.memory_space<semaphore_mem>>) src(%dma_wait3A_112 : memref<4194304xf32, #tpu.memory_space<hbm>>) dst(%dma_wait3A_107 : memref<128xf32, #tpu.memory_space<vmem>>)
        %mul3A_115 = arith.constant 128 : i32
        %mul3A_116 = arith.muli %add3A_78, %mul3A_115 : i32
        %dma_wait3A_117 = arith.constant 1 : i32
        %dma_wait3A_118 = tpu.memref_slice %arg18[%mul3A_116] : memref<8192xf32, #tpu.memory_space<vmem>> -> memref<128xf32, #tpu.memory_space<vmem>>
        %dma_wait3A_119 = arith.constant 0 : i32
        %dma_wait3A_120 = tpu.memref_slice %arg15[%add3A_78, %dma_wait3A_119] : memref<64x128xi32, #tpu.memory_space<vmem>> -> memref<1x128xi32, #tpu.memory_space<vmem>>
        %dma_wait3A_121 = tpu.memref_squeeze %dma_wait3A_120 : memref<1x128xi32, #tpu.memory_space<vmem>> -> memref<128xi32, #tpu.memory_space<vmem>>
        %dma_wait3A_122 = arith.constant 0 : i32
        %dma_wait3A_123 = tpu.memref_slice %arg5[%dma_wait3A_122] : memref<1048576xf32, #tpu.memory_space<hbm>> -> memref<1048576xf32, #tpu.memory_space<hbm>>
        %dma_wait3A_124 = tpu.memref_slice %arg26[%dma_wait3A_117, %select_n3A_93] : memref<6x4x!tpu.dma_semaphore, #tpu.memory_space<semaphore_mem>> -> memref<1x1x!tpu.dma_semaphore, #tpu.memory_space<semaphore_mem>>
        %dma_wait3A_125 = tpu.memref_squeeze %dma_wait3A_124 : memref<1x1x!tpu.dma_semaphore, #tpu.memory_space<semaphore_mem>> -> memref<!tpu.dma_semaphore, #tpu.memory_space<semaphore_mem>>
        tpu.wait_indirect_dma semaphore(%dma_wait3A_125 : memref<!tpu.dma_semaphore, #tpu.memory_space<semaphore_mem>>) src(%dma_wait3A_123 : memref<1048576xf32, #tpu.memory_space<hbm>>) dst(%dma_wait3A_118 : memref<128xf32, #tpu.memory_space<vmem>>)
        %mul3A_126 = arith.constant 128 : i32
        %mul3A_127 = arith.muli %add3A_78, %mul3A_126 : i32
        %dma_wait3A_128 = arith.constant 4 : i32
        %dma_wait3A_129 = tpu.memref_slice %arg21[%mul3A_127] : memref<8192xf32, #tpu.memory_space<vmem>> -> memref<128xf32, #tpu.memory_space<vmem>>
        %dma_wait3A_130 = arith.constant 0 : i32
        %dma_wait3A_131 = tpu.memref_slice %arg16[%add3A_78, %dma_wait3A_130] : memref<64x128xi32, #tpu.memory_space<vmem>> -> memref<1x128xi32, #tpu.memory_space<vmem>>
        %dma_wait3A_132 = tpu.memref_squeeze %dma_wait3A_131 : memref<1x128xi32, #tpu.memory_space<vmem>> -> memref<128xi32, #tpu.memory_space<vmem>>
        %dma_wait3A_133 = arith.constant 0 : i32
        %dma_wait3A_134 = tpu.memref_slice %arg8[%dma_wait3A_133] : memref<4194304xf32, #tpu.memory_space<hbm>> -> memref<4194304xf32, #tpu.memory_space<hbm>>
        %dma_wait3A_135 = tpu.memref_slice %arg26[%dma_wait3A_128, %select_n3A_93] : memref<6x4x!tpu.dma_semaphore, #tpu.memory_space<semaphore_mem>> -> memref<1x1x!tpu.dma_semaphore, #tpu.memory_space<semaphore_mem>>
        %dma_wait3A_136 = tpu.memref_squeeze %dma_wait3A_135 : memref<1x1x!tpu.dma_semaphore, #tpu.memory_space<semaphore_mem>> -> memref<!tpu.dma_semaphore, #tpu.memory_space<semaphore_mem>>
        tpu.wait_indirect_dma semaphore(%dma_wait3A_136 : memref<!tpu.dma_semaphore, #tpu.memory_space<semaphore_mem>>) src(%dma_wait3A_134 : memref<4194304xf32, #tpu.memory_space<hbm>>) dst(%dma_wait3A_129 : memref<128xf32, #tpu.memory_space<vmem>>)
        %mul3A_137 = arith.constant 128 : i32
        %mul3A_138 = arith.muli %add3A_78, %mul3A_137 : i32
        %dma_wait3A_139 = arith.constant 2 : i32
        %dma_wait3A_140 = tpu.memref_slice %arg19[%mul3A_138] : memref<8192xf32, #tpu.memory_space<vmem>> -> memref<128xf32, #tpu.memory_space<vmem>>
        %dma_wait3A_141 = arith.constant 0 : i32
        %dma_wait3A_142 = tpu.memref_slice %arg15[%add3A_78, %dma_wait3A_141] : memref<64x128xi32, #tpu.memory_space<vmem>> -> memref<1x128xi32, #tpu.memory_space<vmem>>
        %dma_wait3A_143 = tpu.memref_squeeze %dma_wait3A_142 : memref<1x128xi32, #tpu.memory_space<vmem>> -> memref<128xi32, #tpu.memory_space<vmem>>
        %dma_wait3A_144 = arith.constant 0 : i32
        %dma_wait3A_145 = tpu.memref_slice %arg6[%dma_wait3A_144] : memref<1048576xf32, #tpu.memory_space<hbm>> -> memref<1048576xf32, #tpu.memory_space<hbm>>
        %dma_wait3A_146 = tpu.memref_slice %arg26[%dma_wait3A_139, %select_n3A_93] : memref<6x4x!tpu.dma_semaphore, #tpu.memory_space<semaphore_mem>> -> memref<1x1x!tpu.dma_semaphore, #tpu.memory_space<semaphore_mem>>
        %dma_wait3A_147 = tpu.memref_squeeze %dma_wait3A_146 : memref<1x1x!tpu.dma_semaphore, #tpu.memory_space<semaphore_mem>> -> memref<!tpu.dma_semaphore, #tpu.memory_space<semaphore_mem>>
        tpu.wait_indirect_dma semaphore(%dma_wait3A_147 : memref<!tpu.dma_semaphore, #tpu.memory_space<semaphore_mem>>) src(%dma_wait3A_145 : memref<1048576xf32, #tpu.memory_space<hbm>>) dst(%dma_wait3A_140 : memref<128xf32, #tpu.memory_space<vmem>>)
        %mul3A_148 = arith.constant 128 : i32
        %mul3A_149 = arith.muli %add3A_78, %mul3A_148 : i32
        %dma_wait3A_150 = arith.constant 5 : i32
        %dma_wait3A_151 = tpu.memref_slice %arg22[%mul3A_149] : memref<8192xf32, #tpu.memory_space<vmem>> -> memref<128xf32, #tpu.memory_space<vmem>>
        %dma_wait3A_152 = arith.constant 0 : i32
        %dma_wait3A_153 = tpu.memref_slice %arg16[%add3A_78, %dma_wait3A_152] : memref<64x128xi32, #tpu.memory_space<vmem>> -> memref<1x128xi32, #tpu.memory_space<vmem>>
        %dma_wait3A_154 = tpu.memref_squeeze %dma_wait3A_153 : memref<1x128xi32, #tpu.memory_space<vmem>> -> memref<128xi32, #tpu.memory_space<vmem>>
        %dma_wait3A_155 = arith.constant 0 : i32
        %dma_wait3A_156 = tpu.memref_slice %arg9[%dma_wait3A_155] : memref<4194304xf32, #tpu.memory_space<hbm>> -> memref<4194304xf32, #tpu.memory_space<hbm>>
        %dma_wait3A_157 = tpu.memref_slice %arg26[%dma_wait3A_150, %select_n3A_93] : memref<6x4x!tpu.dma_semaphore, #tpu.memory_space<semaphore_mem>> -> memref<1x1x!tpu.dma_semaphore, #tpu.memory_space<semaphore_mem>>
        %dma_wait3A_158 = tpu.memref_squeeze %dma_wait3A_157 : memref<1x1x!tpu.dma_semaphore, #tpu.memory_space<semaphore_mem>> -> memref<!tpu.dma_semaphore, #tpu.memory_space<semaphore_mem>>
        tpu.wait_indirect_dma semaphore(%dma_wait3A_158 : memref<!tpu.dma_semaphore, #tpu.memory_space<semaphore_mem>>) src(%dma_wait3A_156 : memref<4194304xf32, #tpu.memory_space<hbm>>) dst(%dma_wait3A_151 : memref<128xf32, #tpu.memory_space<vmem>>)
      }
      %scan3A_68 = arith.constant 4 : i32
      %scan3A_69 = arith.constant 0 : i32
      %scan3A_70 = arith.constant 512 : i32
      %scan3A_71 = arith.addi %scan3A_69, %scan3A_70 : i32
      %scan3A_72 = arith.constant 1 : i32
      scf.for %scan3A_74 = %scan3A_69 to %scan3A_71 step %scan3A_72  : i32 {
        %mul3A_75 = arith.constant 1 : i32
        %mul3A_76 = arith.muli %scan3A_74, %mul3A_75 : i32
        %add3A_77 = arith.constant 0 : i32
        %add3A_78 = arith.addi %add3A_77, %mul3A_76 : i32
        %mul3A_79 = arith.constant 16 : i32
        %mul3A_80 = arith.muli %mul3A_79, %add3A_78 : i32
        %get3A = arith.index_cast %mul3A_80 : i32 to index
        %get3A_81 = tpu.vector_load %arg17[%get3A] {strides = array<i32>} : memref<8192xf32, #tpu.memory_space<vmem>>, vector<16xf32>,
        %get3A_82 = arith.index_cast %mul3A_80 : i32 to index
        %get3A_83 = tpu.vector_load %arg20[%get3A_82] {strides = array<i32>} : memref<8192xf32, #tpu.memory_space<vmem>>, vector<16xf32>,
        %add3A_84 = arith.addf %get3A_81, %get3A_83 : vector<16xf32>
        %swap3A = arith.index_cast %mul3A_80 : i32 to index
        %swap3A_85 = tpu.vector_load %arg23[%swap3A] {strides = array<i32>} : memref<8192xf32, #tpu.memory_space<vmem>>, vector<16xf32>,
        tpu.vector_store %arg23[%swap3A], %add3A_84 {strides = array<i32>} : memref<8192xf32, #tpu.memory_space<vmem>>, vector<16xf32>,
        %get3A_86 = arith.index_cast %mul3A_80 : i32 to index
        %get3A_87 = tpu.vector_load %arg18[%get3A_86] {strides = array<i32>} : memref<8192xf32, #tpu.memory_space<vmem>>, vector<16xf32>,
        %get3A_88 = arith.index_cast %mul3A_80 : i32 to index
        %get3A_89 = tpu.vector_load %arg21[%get3A_88] {strides = array<i32>} : memref<8192xf32, #tpu.memory_space<vmem>>, vector<16xf32>,
        %add3A_90 = arith.addf %get3A_87, %get3A_89 : vector<16xf32>
        %swap3A_91 = arith.index_cast %mul3A_80 : i32 to index
        %swap3A_92 = tpu.vector_load %arg24[%swap3A_91] {strides = array<i32>} : memref<8192xf32, #tpu.memory_space<vmem>>, vector<16xf32>,
        tpu.vector_store %arg24[%swap3A_91], %add3A_90 {strides = array<i32>} : memref<8192xf32, #tpu.memory_space<vmem>>, vector<16xf32>,
        %get3A_93 = arith.index_cast %mul3A_80 : i32 to index
        %get3A_94 = tpu.vector_load %arg19[%get3A_93] {strides = array<i32>} : memref<8192xf32, #tpu.memory_space<vmem>>, vector<16xf32>,
        %get3A_95 = arith.index_cast %mul3A_80 : i32 to index
        %get3A_96 = tpu.vector_load %arg22[%get3A_95] {strides = array<i32>} : memref<8192xf32, #tpu.memory_space<vmem>>, vector<16xf32>,
        %add3A_97 = arith.addf %get3A_94, %get3A_96 : vector<16xf32>
        %swap3A_98 = arith.index_cast %mul3A_80 : i32 to index
        %swap3A_99 = tpu.vector_load %arg25[%swap3A_98] {strides = array<i32>} : memref<8192xf32, #tpu.memory_space<vmem>>, vector<16xf32>,
        tpu.vector_store %arg25[%swap3A_98], %add3A_97 {strides = array<i32>} : memref<8192xf32, #tpu.memory_space<vmem>>, vector<16xf32>,
      }
      %scan3A_73 = arith.constant 512 : i32
      "tpu.region"() ({
        %run_scoped3A = tpu.sem_alloc : memref<!tpu.dma_semaphore, #tpu.memory_space<semaphore_mem>>
        %dma_start3A = arith.constant 0 : i32
        %dma_start3A_74 = tpu.memref_slice %arg23[%dma_start3A] : memref<8192xf32, #tpu.memory_space<vmem>> -> memref<8192xf32, #tpu.memory_space<vmem>>
        %dma_start3A_75 = tpu.memref_slice %arg10[%mul3A_49] : memref<1000000xf32, #tpu.memory_space<hbm>> -> memref<8192xf32, #tpu.memory_space<hbm>>
        %dma_start3A_76 = tpu.memref_slice %arg10[%mul3A_49] : memref<1000000xf32, #tpu.memory_space<hbm>> -> memref<8192xf32, #tpu.memory_space<hbm>>
        %dma_start3A_77 = arith.constant 0 : i32
        %dma_start3A_78 = tpu.memref_slice %arg23[%dma_start3A_77] : memref<8192xf32, #tpu.memory_space<vmem>> -> memref<8192xf32, #tpu.memory_space<vmem>>
        tpu.enqueue_dma source(%dma_start3A_78 : memref<8192xf32, #tpu.memory_space<vmem>>) target(%dma_start3A_76 : memref<8192xf32, #tpu.memory_space<hbm>>) target_semaphore(%run_scoped3A : memref<!tpu.dma_semaphore, #tpu.memory_space<semaphore_mem>>)
        %dma_wait3A = arith.constant 0 : i32
        %dma_wait3A_79 = tpu.memref_slice %arg23[%dma_wait3A] : memref<8192xf32, #tpu.memory_space<vmem>> -> memref<8192xf32, #tpu.memory_space<vmem>>
        %dma_wait3A_80 = tpu.memref_slice %arg10[%mul3A_49] : memref<1000000xf32, #tpu.memory_space<hbm>> -> memref<8192xf32, #tpu.memory_space<hbm>>
        %dma_wait3A_81 = tpu.memref_slice %arg10[%mul3A_49] : memref<1000000xf32, #tpu.memory_space<hbm>> -> memref<8192xf32, #tpu.memory_space<hbm>>
        %dma_wait3A_82 = arith.constant 0 : i32
        %dma_wait3A_83 = tpu.memref_slice %arg23[%dma_wait3A_82] : memref<8192xf32, #tpu.memory_space<vmem>> -> memref<8192xf32, #tpu.memory_space<vmem>>
        tpu.wait_dma2 semaphore(%run_scoped3A : memref<!tpu.dma_semaphore, #tpu.memory_space<semaphore_mem>>) src(%dma_wait3A_83 : memref<8192xf32, #tpu.memory_space<vmem>>) dst(%dma_wait3A_81 : memref<8192xf32, #tpu.memory_space<hbm>>)
        tpu.yield
      }) : () -> ()
      "tpu.region"() ({
        %run_scoped3A = tpu.sem_alloc : memref<!tpu.dma_semaphore, #tpu.memory_space<semaphore_mem>>
        %dma_start3A = arith.constant 0 : i32
        %dma_start3A_74 = tpu.memref_slice %arg24[%dma_start3A] : memref<8192xf32, #tpu.memory_space<vmem>> -> memref<8192xf32, #tpu.memory_space<vmem>>
        %dma_start3A_75 = tpu.memref_slice %arg11[%mul3A_49] : memref<1000000xf32, #tpu.memory_space<hbm>> -> memref<8192xf32, #tpu.memory_space<hbm>>
        %dma_start3A_76 = tpu.memref_slice %arg11[%mul3A_49] : memref<1000000xf32, #tpu.memory_space<hbm>> -> memref<8192xf32, #tpu.memory_space<hbm>>
        %dma_start3A_77 = arith.constant 0 : i32
        %dma_start3A_78 = tpu.memref_slice %arg24[%dma_start3A_77] : memref<8192xf32, #tpu.memory_space<vmem>> -> memref<8192xf32, #tpu.memory_space<vmem>>
        tpu.enqueue_dma source(%dma_start3A_78 : memref<8192xf32, #tpu.memory_space<vmem>>) target(%dma_start3A_76 : memref<8192xf32, #tpu.memory_space<hbm>>) target_semaphore(%run_scoped3A : memref<!tpu.dma_semaphore, #tpu.memory_space<semaphore_mem>>)
        %dma_wait3A = arith.constant 0 : i32
        %dma_wait3A_79 = tpu.memref_slice %arg24[%dma_wait3A] : memref<8192xf32, #tpu.memory_space<vmem>> -> memref<8192xf32, #tpu.memory_space<vmem>>
        %dma_wait3A_80 = tpu.memref_slice %arg11[%mul3A_49] : memref<1000000xf32, #tpu.memory_space<hbm>> -> memref<8192xf32, #tpu.memory_space<hbm>>
        %dma_wait3A_81 = tpu.memref_slice %arg11[%mul3A_49] : memref<1000000xf32, #tpu.memory_space<hbm>> -> memref<8192xf32, #tpu.memory_space<hbm>>
        %dma_wait3A_82 = arith.constant 0 : i32
        %dma_wait3A_83 = tpu.memref_slice %arg24[%dma_wait3A_82] : memref<8192xf32, #tpu.memory_space<vmem>> -> memref<8192xf32, #tpu.memory_space<vmem>>
        tpu.wait_dma2 semaphore(%run_scoped3A : memref<!tpu.dma_semaphore, #tpu.memory_space<semaphore_mem>>) src(%dma_wait3A_83 : memref<8192xf32, #tpu.memory_space<vmem>>) dst(%dma_wait3A_81 : memref<8192xf32, #tpu.memory_space<hbm>>)
        tpu.yield
      }) : () -> ()
      "tpu.region"() ({
        %run_scoped3A = tpu.sem_alloc : memref<!tpu.dma_semaphore, #tpu.memory_space<semaphore_mem>>
        %dma_start3A = arith.constant 0 : i32
        %dma_start3A_74 = tpu.memref_slice %arg25[%dma_start3A] : memref<8192xf32, #tpu.memory_space<vmem>> -> memref<8192xf32, #tpu.memory_space<vmem>>
        %dma_start3A_75 = tpu.memref_slice %arg12[%mul3A_49] : memref<1000000xf32, #tpu.memory_space<hbm>> -> memref<8192xf32, #tpu.memory_space<hbm>>
        %dma_start3A_76 = tpu.memref_slice %arg12[%mul3A_49] : memref<1000000xf32, #tpu.memory_space<hbm>> -> memref<8192xf32, #tpu.memory_space<hbm>>
        %dma_start3A_77 = arith.constant 0 : i32
        %dma_start3A_78 = tpu.memref_slice %arg25[%dma_start3A_77] : memref<8192xf32, #tpu.memory_space<vmem>> -> memref<8192xf32, #tpu.memory_space<vmem>>
        tpu.enqueue_dma source(%dma_start3A_78 : memref<8192xf32, #tpu.memory_space<vmem>>) target(%dma_start3A_76 : memref<8192xf32, #tpu.memory_space<hbm>>) target_semaphore(%run_scoped3A : memref<!tpu.dma_semaphore, #tpu.memory_space<semaphore_mem>>)
        %dma_wait3A = arith.constant 0 : i32
        %dma_wait3A_79 = tpu.memref_slice %arg25[%dma_wait3A] : memref<8192xf32, #tpu.memory_space<vmem>> -> memref<8192xf32, #tpu.memory_space<vmem>>
        %dma_wait3A_80 = tpu.memref_slice %arg12[%mul3A_49] : memref<1000000xf32, #tpu.memory_space<hbm>> -> memref<8192xf32, #tpu.memory_space<hbm>>
        %dma_wait3A_81 = tpu.memref_slice %arg12[%mul3A_49] : memref<1000000xf32, #tpu.memory_space<hbm>> -> memref<8192xf32, #tpu.memory_space<hbm>>
        %dma_wait3A_82 = arith.constant 0 : i32
        %dma_wait3A_83 = tpu.memref_slice %arg25[%dma_wait3A_82] : memref<8192xf32, #tpu.memory_space<vmem>> -> memref<8192xf32, #tpu.memory_space<vmem>>
        tpu.wait_dma2 semaphore(%run_scoped3A : memref<!tpu.dma_semaphore, #tpu.memory_space<semaphore_mem>>) src(%dma_wait3A_83 : memref<8192xf32, #tpu.memory_space<vmem>>) dst(%dma_wait3A_81 : memref<8192xf32, #tpu.memory_space<hbm>>)
        tpu.yield
      }) : () -> ()
    }
    %while3A_39 = arith.constant 1 : i32
    scf.for %while3A_42 = %while3A_37 to %while3A_33 step %while3A_39  : i32 {
      %mul3A_43 = arith.muli %while3A_42, %while3A : i32
      %add3A_44 = arith.addi %while3A_30, %mul3A_43 : i32
      %mul3A_45 = arith.constant 32 : i32
      %mul3A_46 = arith.muli %mul3A_45, %add3A_44 : i32
      %add3A_47 = arith.addi %add3A, %mul3A_46 : i32
      %mul3A_48 = arith.constant 8192 : i32
      %mul3A_49 = arith.muli %add3A_47, %mul3A_48 : i32
      "tpu.region"() ({
        %run_scoped3A = tpu.sem_alloc : memref<!tpu.dma_semaphore, #tpu.memory_space<semaphore_mem>>
        %dma_start3A = arith.constant 0 : i32
        %dma_start3A_74 = tpu.memref_slice %arg13[%dma_start3A] : memref<8192xf32, #tpu.memory_space<vmem>> -> memref<8192xf32, #tpu.memory_space<vmem>>
        %dma_start3A_75 = tpu.memref_slice %arg2[%mul3A_49] : memref<1000000xf32, #tpu.memory_space<hbm>> -> memref<8192xf32, #tpu.memory_space<hbm>>
        %dma_start3A_76 = arith.constant 0 : i32
        %dma_start3A_77 = tpu.memref_slice %arg13[%dma_start3A_76] : memref<8192xf32, #tpu.memory_space<vmem>> -> memref<8192xf32, #tpu.memory_space<vmem>>
        %dma_start3A_78 = tpu.memref_slice %arg2[%mul3A_49] : memref<1000000xf32, #tpu.memory_space<hbm>> -> memref<8192xf32, #tpu.memory_space<hbm>>
        tpu.enqueue_dma source(%dma_start3A_78 : memref<8192xf32, #tpu.memory_space<hbm>>) target(%dma_start3A_77 : memref<8192xf32, #tpu.memory_space<vmem>>) target_semaphore(%run_scoped3A : memref<!tpu.dma_semaphore, #tpu.memory_space<semaphore_mem>>)
        %dma_wait3A = arith.constant 0 : i32
        %dma_wait3A_79 = tpu.memref_slice %arg13[%dma_wait3A] : memref<8192xf32, #tpu.memory_space<vmem>> -> memref<8192xf32, #tpu.memory_space<vmem>>
        %dma_wait3A_80 = tpu.memref_slice %arg2[%mul3A_49] : memref<1000000xf32, #tpu.memory_space<hbm>> -> memref<8192xf32, #tpu.memory_space<hbm>>
        %dma_wait3A_81 = arith.constant 0 : i32
        %dma_wait3A_82 = tpu.memref_slice %arg13[%dma_wait3A_81] : memref<8192xf32, #tpu.memory_space<vmem>> -> memref<8192xf32, #tpu.memory_space<vmem>>
        %dma_wait3A_83 = tpu.memref_slice %arg2[%mul3A_49] : memref<1000000xf32, #tpu.memory_space<hbm>> -> memref<8192xf32, #tpu.memory_space<hbm>>
        tpu.wait_dma2 semaphore(%run_scoped3A : memref<!tpu.dma_semaphore, #tpu.memory_space<semaphore_mem>>) src(%dma_wait3A_83 : memref<8192xf32, #tpu.memory_space<hbm>>) dst(%dma_wait3A_82 : memref<8192xf32, #tpu.memory_space<vmem>>)
        tpu.yield
      }) : () -> ()
      "tpu.region"() ({
        %run_scoped3A = tpu.sem_alloc : memref<!tpu.dma_semaphore, #tpu.memory_space<semaphore_mem>>
        %dma_start3A = arith.constant 0 : i32
        %dma_start3A_74 = tpu.memref_slice %arg14[%dma_start3A] : memref<8192xf32, #tpu.memory_space<vmem>> -> memref<8192xf32, #tpu.memory_space<vmem>>
        %dma_start3A_75 = tpu.memref_slice %arg3[%mul3A_49] : memref<1000000xf32, #tpu.memory_space<hbm>> -> memref<8192xf32, #tpu.memory_space<hbm>>
        %dma_start3A_76 = arith.constant 0 : i32
        %dma_start3A_77 = tpu.memref_slice %arg14[%dma_start3A_76] : memref<8192xf32, #tpu.memory_space<vmem>> -> memref<8192xf32, #tpu.memory_space<vmem>>
        %dma_start3A_78 = tpu.memref_slice %arg3[%mul3A_49] : memref<1000000xf32, #tpu.memory_space<hbm>> -> memref<8192xf32, #tpu.memory_space<hbm>>
        tpu.enqueue_dma source(%dma_start3A_78 : memref<8192xf32, #tpu.memory_space<hbm>>) target(%dma_start3A_77 : memref<8192xf32, #tpu.memory_space<vmem>>) target_semaphore(%run_scoped3A : memref<!tpu.dma_semaphore, #tpu.memory_space<semaphore_mem>>)
        %dma_wait3A = arith.constant 0 : i32
        %dma_wait3A_79 = tpu.memref_slice %arg14[%dma_wait3A] : memref<8192xf32, #tpu.memory_space<vmem>> -> memref<8192xf32, #tpu.memory_space<vmem>>
        %dma_wait3A_80 = tpu.memref_slice %arg3[%mul3A_49] : memref<1000000xf32, #tpu.memory_space<hbm>> -> memref<8192xf32, #tpu.memory_space<hbm>>
        %dma_wait3A_81 = arith.constant 0 : i32
        %dma_wait3A_82 = tpu.memref_slice %arg14[%dma_wait3A_81] : memref<8192xf32, #tpu.memory_space<vmem>> -> memref<8192xf32, #tpu.memory_space<vmem>>
        %dma_wait3A_83 = tpu.memref_slice %arg3[%mul3A_49] : memref<1000000xf32, #tpu.memory_space<hbm>> -> memref<8192xf32, #tpu.memory_space<hbm>>
        tpu.wait_dma2 semaphore(%run_scoped3A : memref<!tpu.dma_semaphore, #tpu.memory_space<semaphore_mem>>) src(%dma_wait3A_83 : memref<8192xf32, #tpu.memory_space<hbm>>) dst(%dma_wait3A_82 : memref<8192xf32, #tpu.memory_space<vmem>>)
        tpu.yield
      }) : () -> ()
      %scan3A = arith.constant 0 : i32
      %scan3A_50 = arith.constant 512 : i32
      %scan3A_51 = arith.addi %scan3A, %scan3A_50 : i32
      %scan3A_52 = arith.constant 1 : i32
      scf.for %scan3A_74 = %scan3A to %scan3A_51 step %scan3A_52  : i32 {
        %mul3A_75 = arith.constant 1 : i32
        %mul3A_76 = arith.muli %scan3A_74, %mul3A_75 : i32
        %add3A_77 = arith.constant 0 : i32
        %add3A_78 = arith.addi %add3A_77, %mul3A_76 : i32
        %jit3A_79 = arith.constant 8 : i32
        %div3A_80 = arith.divsi %add3A_78, %jit3A_79 : i32
        %sign3A_81 = arith.constant 0 : i32
        %sign3A_82 = arith.cmpi sgt, %add3A_78, %sign3A_81 : i32
        %sign3A_83 = arith.extui %sign3A_82 : i1 to i32
        %sign3A_84 = arith.constant 0 : i32
        %sign3A_85 = arith.cmpi slt, %add3A_78, %sign3A_84 : i32
        %sign3A_86 = arith.extui %sign3A_85 : i1 to i32
        %sign3A_87 = arith.subi %sign3A_83, %sign3A_86 : i32
        %sign3A_88 = arith.constant 0 : i32
        %sign3A_89 = arith.cmpi sgt, %jit3A_79, %sign3A_88 : i32
        %sign3A_90 = arith.extui %sign3A_89 : i1 to i32
        %sign3A_91 = arith.constant 0 : i32
        %sign3A_92 = arith.cmpi slt, %jit3A_79, %sign3A_91 : i32
        %sign3A_93 = arith.extui %sign3A_92 : i1 to i32
        %sign3A_94 = arith.subi %sign3A_90, %sign3A_93 : i32
        %ne3A_95 = arith.cmpi ne, %sign3A_87, %sign3A_94 : i32
        %rem3A_96 = arith.remsi %add3A_78, %jit3A_79 : i32
        %ne3A_97 = arith.constant 0 : i32
        %ne3A_98 = arith.cmpi ne, %rem3A_96, %ne3A_97 : i32
        %and3A_99 = arith.andi %ne3A_95, %ne3A_98 : i1
        %sub3A_100 = arith.constant 1 : i32
        %sub3A_101 = arith.subi %div3A_80, %sub3A_100 : i32
        %select_n3A_102 = arith.select %and3A_99, %sub3A_101, %div3A_80 : i32
        %jit3A_103 = arith.constant 8 : i32
        %eq3A_104 = arith.constant 0 : i32
        %eq3A_105 = arith.cmpi eq, %jit3A_103, %eq3A_104 : i32
        %jit3A_106 = arith.constant 1 : i32
        %select_n3A_107 = arith.select %eq3A_105, %jit3A_106, %jit3A_103 : i32
        %rem3A_108 = arith.remsi %add3A_78, %select_n3A_107 : i32
        %ne3A_109 = arith.constant 0 : i32
        %ne3A_110 = arith.cmpi ne, %rem3A_108, %ne3A_109 : i32
        %lt3A = arith.constant 0 : i32
        %lt3A_111 = arith.cmpi slt, %rem3A_108, %lt3A : i32
        %lt3A_112 = arith.constant 0 : i32
        %lt3A_113 = arith.cmpi slt, %select_n3A_107, %lt3A_112 : i32
        %ne3A_114 = arith.xori %lt3A_111, %lt3A_113 : i1
        %and3A_115 = arith.andi %ne3A_114, %ne3A_110 : i1
        %add3A_116 = arith.addi %rem3A_108, %select_n3A_107 : i32
        %select_n3A_117 = arith.select %and3A_115, %add3A_116, %rem3A_108 : i32
        %mul3A_118 = arith.constant 16 : i32
        %mul3A_119 = arith.muli %select_n3A_117, %mul3A_118 : i32
        %mul3A_120 = arith.constant 16 : i32
        %mul3A_121 = arith.muli %mul3A_120, %add3A_78 : i32
        %get3A = arith.index_cast %mul3A_121 : i32 to index
        %get3A_122 = tpu.vector_load %arg13[%get3A] {strides = array<i32>} : memref<8192xf32, #tpu.memory_space<vmem>>, vector<16xf32>,
        %mul3A_123 = arith.constant 16 : i32
        %mul3A_124 = arith.muli %mul3A_123, %add3A_78 : i32
        %get3A_125 = arith.index_cast %mul3A_124 : i32 to index
        %get3A_126 = tpu.vector_load %arg14[%get3A_125] {strides = array<i32>} : memref<8192xf32, #tpu.memory_space<vmem>>, vector<16xf32>,
        %mul3A_127 = arith.constant 1.023000e+03 : f32
        %mul3A_128 = vector.broadcast %mul3A_127 : f32 to vector<16xf32>
        %mul3A_129 = arith.mulf %get3A_122, %mul3A_128 : vector<16xf32>
        %convert_element_type3A_130 = arith.fptosi %mul3A_129 : vector<16xf32> to vector<16xi32>
        %mul3A_131 = arith.constant 1.023000e+03 : f32
        %mul3A_132 = vector.broadcast %mul3A_131 : f32 to vector<16xf32>
        %mul3A_133 = arith.mulf %get3A_126, %mul3A_132 : vector<16xf32>
        %convert_element_type3A_134 = arith.fptosi %mul3A_133 : vector<16xf32> to vector<16xi32>
        %shift_left3A = arith.constant 10 : i32
        %shift_left3A_135 = vector.broadcast %shift_left3A : i32 to vector<16xi32>
        %shift_left3A_136 = arith.shli %convert_element_type3A_134, %shift_left3A_135 : vector<16xi32>
        %add3A_137 = arith.addi %convert_element_type3A_130, %shift_left3A_136 : vector<16xi32>
        %mul3A_138 = arith.constant 2.047000e+03 : f32
        %mul3A_139 = vector.broadcast %mul3A_138 : f32 to vector<16xf32>
        %mul3A_140 = arith.mulf %get3A_122, %mul3A_139 : vector<16xf32>
        %convert_element_type3A_141 = arith.fptosi %mul3A_140 : vector<16xf32> to vector<16xi32>
        %mul3A_142 = arith.constant 2.047000e+03 : f32
        %mul3A_143 = vector.broadcast %mul3A_142 : f32 to vector<16xf32>
        %mul3A_144 = arith.mulf %get3A_126, %mul3A_143 : vector<16xf32>
        %convert_element_type3A_145 = arith.fptosi %mul3A_144 : vector<16xf32> to vector<16xi32>
        %shift_left3A_146 = arith.constant 11 : i32
        %shift_left3A_147 = vector.broadcast %shift_left3A_146 : i32 to vector<16xi32>
        %shift_left3A_148 = arith.shli %convert_element_type3A_145, %shift_left3A_147 : vector<16xi32>
        %add3A_149 = arith.addi %convert_element_type3A_141, %shift_left3A_148 : vector<16xi32>
        %swap3A = arith.index_cast %select_n3A_102 : i32 to index
        %swap3A_150 = arith.index_cast %mul3A_119 : i32 to index
        %swap3A_151 = tpu.vector_load %arg15[%swap3A, %swap3A_150] {strides = array<i32>} : memref<64x128xi32, #tpu.memory_space<vmem>>, vector<16xi32>,
        tpu.vector_store %arg15[%swap3A, %swap3A_150], %add3A_137 {strides = array<i32>} : memref<64x128xi32, #tpu.memory_space<vmem>>, vector<16xi32>,
        %swap3A_152 = arith.index_cast %select_n3A_102 : i32 to index
        %swap3A_153 = arith.index_cast %mul3A_119 : i32 to index
        %swap3A_154 = tpu.vector_load %arg16[%swap3A_152, %swap3A_153] {strides = array<i32>} : memref<64x128xi32, #tpu.memory_space<vmem>>, vector<16xi32>,
        tpu.vector_store %arg16[%swap3A_152, %swap3A_153], %add3A_149 {strides = array<i32>} : memref<64x128xi32, #tpu.memory_space<vmem>>, vector<16xi32>,
      }
      %scan3A_53 = arith.constant 512 : i32
      %scan3A_54 = arith.constant 0 : i32
      %scan3A_55 = arith.constant 4 : i32
      %scan3A_56 = arith.addi %scan3A_54, %scan3A_55 : i32
      %scan3A_57 = arith.constant 1 : i32
      scf.for %scan3A_74 = %scan3A_54 to %scan3A_56 step %scan3A_57  : i32 {
        %mul3A_75 = arith.constant 1 : i32
        %mul3A_76 = arith.muli %scan3A_74, %mul3A_75 : i32
        %add3A_77 = arith.constant 0 : i32
        %add3A_78 = arith.addi %add3A_77, %mul3A_76 : i32
        %jit3A_79 = arith.constant 4 : i32
        %eq3A_80 = arith.constant 0 : i32
        %eq3A_81 = arith.cmpi eq, %jit3A_79, %eq3A_80 : i32
        %jit3A_82 = arith.constant 1 : i32
        %select_n3A_83 = arith.select %eq3A_81, %jit3A_82, %jit3A_79 : i32
        %rem3A_84 = arith.remsi %add3A_78, %select_n3A_83 : i32
        %ne3A_85 = arith.constant 0 : i32
        %ne3A_86 = arith.cmpi ne, %rem3A_84, %ne3A_85 : i32
        %lt3A = arith.constant 0 : i32
        %lt3A_87 = arith.cmpi slt, %rem3A_84, %lt3A : i32
        %lt3A_88 = arith.constant 0 : i32
        %lt3A_89 = arith.cmpi slt, %select_n3A_83, %lt3A_88 : i32
        %ne3A_90 = arith.xori %lt3A_87, %lt3A_89 : i1
        %and3A_91 = arith.andi %ne3A_90, %ne3A_86 : i1
        %add3A_92 = arith.addi %rem3A_84, %select_n3A_83 : i32
        %select_n3A_93 = arith.select %and3A_91, %add3A_92, %rem3A_84 : i32
        %mul3A_94 = arith.constant 128 : i32
        %mul3A_95 = arith.muli %add3A_78, %mul3A_94 : i32
        %dma_start3A = arith.constant 0 : i32
        %dma_start3A_96 = tpu.memref_slice %arg17[%mul3A_95] : memref<8192xf32, #tpu.memory_space<vmem>> -> memref<128xf32, #tpu.memory_space<vmem>>
        %dma_start3A_97 = arith.constant 0 : i32
        %dma_start3A_98 = tpu.memref_slice %arg15[%add3A_78, %dma_start3A_97] : memref<64x128xi32, #tpu.memory_space<vmem>> -> memref<1x128xi32, #tpu.memory_space<vmem>>
        %dma_start3A_99 = tpu.memref_squeeze %dma_start3A_98 : memref<1x128xi32, #tpu.memory_space<vmem>> -> memref<128xi32, #tpu.memory_space<vmem>>
        %dma_start3A_100 = arith.constant 0 : i32
        %dma_start3A_101 = tpu.memref_slice %arg4[%dma_start3A_100] : memref<1048576xf32, #tpu.memory_space<hbm>> -> memref<1048576xf32, #tpu.memory_space<hbm>>
        %dma_start3A_102 = tpu.memref_slice %arg26[%dma_start3A, %select_n3A_93] : memref<6x4x!tpu.dma_semaphore, #tpu.memory_space<semaphore_mem>> -> memref<1x1x!tpu.dma_semaphore, #tpu.memory_space<semaphore_mem>>
        %dma_start3A_103 = tpu.memref_squeeze %dma_start3A_102 : memref<1x1x!tpu.dma_semaphore, #tpu.memory_space<semaphore_mem>> -> memref<!tpu.dma_semaphore, #tpu.memory_space<semaphore_mem>>
        tpu.enqueue_indirect_dma source(%dma_start3A_101 : memref<1048576xf32, #tpu.memory_space<hbm>>) target(%dma_start3A_96 : memref<128xf32, #tpu.memory_space<vmem>>) offsets(%dma_start3A_99 : memref<128xi32, #tpu.memory_space<vmem>>) semaphore(%dma_start3A_103 : memref<!tpu.dma_semaphore, #tpu.memory_space<semaphore_mem>>)
        %mul3A_104 = arith.constant 128 : i32
        %mul3A_105 = arith.muli %add3A_78, %mul3A_104 : i32
        %dma_start3A_106 = arith.constant 3 : i32
        %dma_start3A_107 = tpu.memref_slice %arg20[%mul3A_105] : memref<8192xf32, #tpu.memory_space<vmem>> -> memref<128xf32, #tpu.memory_space<vmem>>
        %dma_start3A_108 = arith.constant 0 : i32
        %dma_start3A_109 = tpu.memref_slice %arg16[%add3A_78, %dma_start3A_108] : memref<64x128xi32, #tpu.memory_space<vmem>> -> memref<1x128xi32, #tpu.memory_space<vmem>>
        %dma_start3A_110 = tpu.memref_squeeze %dma_start3A_109 : memref<1x128xi32, #tpu.memory_space<vmem>> -> memref<128xi32, #tpu.memory_space<vmem>>
        %dma_start3A_111 = arith.constant 0 : i32
        %dma_start3A_112 = tpu.memref_slice %arg7[%dma_start3A_111] : memref<4194304xf32, #tpu.memory_space<hbm>> -> memref<4194304xf32, #tpu.memory_space<hbm>>
        %dma_start3A_113 = tpu.memref_slice %arg26[%dma_start3A_106, %select_n3A_93] : memref<6x4x!tpu.dma_semaphore, #tpu.memory_space<semaphore_mem>> -> memref<1x1x!tpu.dma_semaphore, #tpu.memory_space<semaphore_mem>>
        %dma_start3A_114 = tpu.memref_squeeze %dma_start3A_113 : memref<1x1x!tpu.dma_semaphore, #tpu.memory_space<semaphore_mem>> -> memref<!tpu.dma_semaphore, #tpu.memory_space<semaphore_mem>>
        tpu.enqueue_indirect_dma source(%dma_start3A_112 : memref<4194304xf32, #tpu.memory_space<hbm>>) target(%dma_start3A_107 : memref<128xf32, #tpu.memory_space<vmem>>) offsets(%dma_start3A_110 : memref<128xi32, #tpu.memory_space<vmem>>) semaphore(%dma_start3A_114 : memref<!tpu.dma_semaphore, #tpu.memory_space<semaphore_mem>>)
        %mul3A_115 = arith.constant 128 : i32
        %mul3A_116 = arith.muli %add3A_78, %mul3A_115 : i32
        %dma_start3A_117 = arith.constant 1 : i32
        %dma_start3A_118 = tpu.memref_slice %arg18[%mul3A_116] : memref<8192xf32, #tpu.memory_space<vmem>> -> memref<128xf32, #tpu.memory_space<vmem>>
        %dma_start3A_119 = arith.constant 0 : i32
        %dma_start3A_120 = tpu.memref_slice %arg15[%add3A_78, %dma_start3A_119] : memref<64x128xi32, #tpu.memory_space<vmem>> -> memref<1x128xi32, #tpu.memory_space<vmem>>
        %dma_start3A_121 = tpu.memref_squeeze %dma_start3A_120 : memref<1x128xi32, #tpu.memory_space<vmem>> -> memref<128xi32, #tpu.memory_space<vmem>>
        %dma_start3A_122 = arith.constant 0 : i32
        %dma_start3A_123 = tpu.memref_slice %arg5[%dma_start3A_122] : memref<1048576xf32, #tpu.memory_space<hbm>> -> memref<1048576xf32, #tpu.memory_space<hbm>>
        %dma_start3A_124 = tpu.memref_slice %arg26[%dma_start3A_117, %select_n3A_93] : memref<6x4x!tpu.dma_semaphore, #tpu.memory_space<semaphore_mem>> -> memref<1x1x!tpu.dma_semaphore, #tpu.memory_space<semaphore_mem>>
        %dma_start3A_125 = tpu.memref_squeeze %dma_start3A_124 : memref<1x1x!tpu.dma_semaphore, #tpu.memory_space<semaphore_mem>> -> memref<!tpu.dma_semaphore, #tpu.memory_space<semaphore_mem>>
        tpu.enqueue_indirect_dma source(%dma_start3A_123 : memref<1048576xf32, #tpu.memory_space<hbm>>) target(%dma_start3A_118 : memref<128xf32, #tpu.memory_space<vmem>>) offsets(%dma_start3A_121 : memref<128xi32, #tpu.memory_space<vmem>>) semaphore(%dma_start3A_125 : memref<!tpu.dma_semaphore, #tpu.memory_space<semaphore_mem>>)
        %mul3A_126 = arith.constant 128 : i32
        %mul3A_127 = arith.muli %add3A_78, %mul3A_126 : i32
        %dma_start3A_128 = arith.constant 4 : i32
        %dma_start3A_129 = tpu.memref_slice %arg21[%mul3A_127] : memref<8192xf32, #tpu.memory_space<vmem>> -> memref<128xf32, #tpu.memory_space<vmem>>
        %dma_start3A_130 = arith.constant 0 : i32
        %dma_start3A_131 = tpu.memref_slice %arg16[%add3A_78, %dma_start3A_130] : memref<64x128xi32, #tpu.memory_space<vmem>> -> memref<1x128xi32, #tpu.memory_space<vmem>>
        %dma_start3A_132 = tpu.memref_squeeze %dma_start3A_131 : memref<1x128xi32, #tpu.memory_space<vmem>> -> memref<128xi32, #tpu.memory_space<vmem>>
        %dma_start3A_133 = arith.constant 0 : i32
        %dma_start3A_134 = tpu.memref_slice %arg8[%dma_start3A_133] : memref<4194304xf32, #tpu.memory_space<hbm>> -> memref<4194304xf32, #tpu.memory_space<hbm>>
        %dma_start3A_135 = tpu.memref_slice %arg26[%dma_start3A_128, %select_n3A_93] : memref<6x4x!tpu.dma_semaphore, #tpu.memory_space<semaphore_mem>> -> memref<1x1x!tpu.dma_semaphore, #tpu.memory_space<semaphore_mem>>
        %dma_start3A_136 = tpu.memref_squeeze %dma_start3A_135 : memref<1x1x!tpu.dma_semaphore, #tpu.memory_space<semaphore_mem>> -> memref<!tpu.dma_semaphore, #tpu.memory_space<semaphore_mem>>
        tpu.enqueue_indirect_dma source(%dma_start3A_134 : memref<4194304xf32, #tpu.memory_space<hbm>>) target(%dma_start3A_129 : memref<128xf32, #tpu.memory_space<vmem>>) offsets(%dma_start3A_132 : memref<128xi32, #tpu.memory_space<vmem>>) semaphore(%dma_start3A_136 : memref<!tpu.dma_semaphore, #tpu.memory_space<semaphore_mem>>)
        %mul3A_137 = arith.constant 128 : i32
        %mul3A_138 = arith.muli %add3A_78, %mul3A_137 : i32
        %dma_start3A_139 = arith.constant 2 : i32
        %dma_start3A_140 = tpu.memref_slice %arg19[%mul3A_138] : memref<8192xf32, #tpu.memory_space<vmem>> -> memref<128xf32, #tpu.memory_space<vmem>>
        %dma_start3A_141 = arith.constant 0 : i32
        %dma_start3A_142 = tpu.memref_slice %arg15[%add3A_78, %dma_start3A_141] : memref<64x128xi32, #tpu.memory_space<vmem>> -> memref<1x128xi32, #tpu.memory_space<vmem>>
        %dma_start3A_143 = tpu.memref_squeeze %dma_start3A_142 : memref<1x128xi32, #tpu.memory_space<vmem>> -> memref<128xi32, #tpu.memory_space<vmem>>
        %dma_start3A_144 = arith.constant 0 : i32
        %dma_start3A_145 = tpu.memref_slice %arg6[%dma_start3A_144] : memref<1048576xf32, #tpu.memory_space<hbm>> -> memref<1048576xf32, #tpu.memory_space<hbm>>
        %dma_start3A_146 = tpu.memref_slice %arg26[%dma_start3A_139, %select_n3A_93] : memref<6x4x!tpu.dma_semaphore, #tpu.memory_space<semaphore_mem>> -> memref<1x1x!tpu.dma_semaphore, #tpu.memory_space<semaphore_mem>>
        %dma_start3A_147 = tpu.memref_squeeze %dma_start3A_146 : memref<1x1x!tpu.dma_semaphore, #tpu.memory_space<semaphore_mem>> -> memref<!tpu.dma_semaphore, #tpu.memory_space<semaphore_mem>>
        tpu.enqueue_indirect_dma source(%dma_start3A_145 : memref<1048576xf32, #tpu.memory_space<hbm>>) target(%dma_start3A_140 : memref<128xf32, #tpu.memory_space<vmem>>) offsets(%dma_start3A_143 : memref<128xi32, #tpu.memory_space<vmem>>) semaphore(%dma_start3A_147 : memref<!tpu.dma_semaphore, #tpu.memory_space<semaphore_mem>>)
        %mul3A_148 = arith.constant 128 : i32
        %mul3A_149 = arith.muli %add3A_78, %mul3A_148 : i32
        %dma_start3A_150 = arith.constant 5 : i32
        %dma_start3A_151 = tpu.memref_slice %arg22[%mul3A_149] : memref<8192xf32, #tpu.memory_space<vmem>> -> memref<128xf32, #tpu.memory_space<vmem>>
        %dma_start3A_152 = arith.constant 0 : i32
        %dma_start3A_153 = tpu.memref_slice %arg16[%add3A_78, %dma_start3A_152] : memref<64x128xi32, #tpu.memory_space<vmem>> -> memref<1x128xi32, #tpu.memory_space<vmem>>
        %dma_start3A_154 = tpu.memref_squeeze %dma_start3A_153 : memref<1x128xi32, #tpu.memory_space<vmem>> -> memref<128xi32, #tpu.memory_space<vmem>>
        %dma_start3A_155 = arith.constant 0 : i32
        %dma_start3A_156 = tpu.memref_slice %arg9[%dma_start3A_155] : memref<4194304xf32, #tpu.memory_space<hbm>> -> memref<4194304xf32, #tpu.memory_space<hbm>>
        %dma_start3A_157 = tpu.memref_slice %arg26[%dma_start3A_150, %select_n3A_93] : memref<6x4x!tpu.dma_semaphore, #tpu.memory_space<semaphore_mem>> -> memref<1x1x!tpu.dma_semaphore, #tpu.memory_space<semaphore_mem>>
        %dma_start3A_158 = tpu.memref_squeeze %dma_start3A_157 : memref<1x1x!tpu.dma_semaphore, #tpu.memory_space<semaphore_mem>> -> memref<!tpu.dma_semaphore, #tpu.memory_space<semaphore_mem>>
        tpu.enqueue_indirect_dma source(%dma_start3A_156 : memref<4194304xf32, #tpu.memory_space<hbm>>) target(%dma_start3A_151 : memref<128xf32, #tpu.memory_space<vmem>>) offsets(%dma_start3A_154 : memref<128xi32, #tpu.memory_space<vmem>>) semaphore(%dma_start3A_158 : memref<!tpu.dma_semaphore, #tpu.memory_space<semaphore_mem>>)
      }
      %scan3A_58 = arith.constant 4 : i32
      %scan3A_59 = arith.constant 0 : i32
      %scan3A_60 = arith.constant 60 : i32
      %scan3A_61 = arith.addi %scan3A_59, %scan3A_60 : i32
      %scan3A_62 = arith.constant 1 : i32
      scf.for %scan3A_74 = %scan3A_59 to %scan3A_61 step %scan3A_62  : i32 {
        %mul3A_75 = arith.constant 1 : i32
        %mul3A_76 = arith.muli %scan3A_74, %mul3A_75 : i32
        %add3A_77 = arith.constant 4 : i32
        %add3A_78 = arith.addi %add3A_77, %mul3A_76 : i32
        %jit3A_79 = arith.constant 4 : i32
        %eq3A_80 = arith.constant 0 : i32
        %eq3A_81 = arith.cmpi eq, %jit3A_79, %eq3A_80 : i32
        %jit3A_82 = arith.constant 1 : i32
        %select_n3A_83 = arith.select %eq3A_81, %jit3A_82, %jit3A_79 : i32
        %rem3A_84 = arith.remsi %add3A_78, %select_n3A_83 : i32
        %ne3A_85 = arith.constant 0 : i32
        %ne3A_86 = arith.cmpi ne, %rem3A_84, %ne3A_85 : i32
        %lt3A = arith.constant 0 : i32
        %lt3A_87 = arith.cmpi slt, %rem3A_84, %lt3A : i32
        %lt3A_88 = arith.constant 0 : i32
        %lt3A_89 = arith.cmpi slt, %select_n3A_83, %lt3A_88 : i32
        %ne3A_90 = arith.xori %lt3A_87, %lt3A_89 : i1
        %and3A_91 = arith.andi %ne3A_90, %ne3A_86 : i1
        %add3A_92 = arith.addi %rem3A_84, %select_n3A_83 : i32
        %select_n3A_93 = arith.select %and3A_91, %add3A_92, %rem3A_84 : i32
        %mul3A_94 = arith.constant 128 : i32
        %mul3A_95 = arith.muli %add3A_78, %mul3A_94 : i32
        %dma_start3A = arith.constant 0 : i32
        %dma_start3A_96 = tpu.memref_slice %arg17[%mul3A_95] : memref<8192xf32, #tpu.memory_space<vmem>> -> memref<128xf32, #tpu.memory_space<vmem>>
        %dma_start3A_97 = arith.constant 0 : i32
        %dma_start3A_98 = tpu.memref_slice %arg15[%add3A_78, %dma_start3A_97] : memref<64x128xi32, #tpu.memory_space<vmem>> -> memref<1x128xi32, #tpu.memory_space<vmem>>
        %dma_start3A_99 = tpu.memref_squeeze %dma_start3A_98 : memref<1x128xi32, #tpu.memory_space<vmem>> -> memref<128xi32, #tpu.memory_space<vmem>>
        %dma_start3A_100 = arith.constant 0 : i32
        %dma_start3A_101 = tpu.memref_slice %arg4[%dma_start3A_100] : memref<1048576xf32, #tpu.memory_space<hbm>> -> memref<1048576xf32, #tpu.memory_space<hbm>>
        %dma_start3A_102 = tpu.memref_slice %arg26[%dma_start3A, %select_n3A_93] : memref<6x4x!tpu.dma_semaphore, #tpu.memory_space<semaphore_mem>> -> memref<1x1x!tpu.dma_semaphore, #tpu.memory_space<semaphore_mem>>
        %dma_start3A_103 = tpu.memref_squeeze %dma_start3A_102 : memref<1x1x!tpu.dma_semaphore, #tpu.memory_space<semaphore_mem>> -> memref<!tpu.dma_semaphore, #tpu.memory_space<semaphore_mem>>
        tpu.enqueue_indirect_dma source(%dma_start3A_101 : memref<1048576xf32, #tpu.memory_space<hbm>>) target(%dma_start3A_96 : memref<128xf32, #tpu.memory_space<vmem>>) offsets(%dma_start3A_99 : memref<128xi32, #tpu.memory_space<vmem>>) semaphore(%dma_start3A_103 : memref<!tpu.dma_semaphore, #tpu.memory_space<semaphore_mem>>)
        %mul3A_104 = arith.constant 128 : i32
        %mul3A_105 = arith.muli %add3A_78, %mul3A_104 : i32
        %dma_start3A_106 = arith.constant 3 : i32
        %dma_start3A_107 = tpu.memref_slice %arg20[%mul3A_105] : memref<8192xf32, #tpu.memory_space<vmem>> -> memref<128xf32, #tpu.memory_space<vmem>>
        %dma_start3A_108 = arith.constant 0 : i32
        %dma_start3A_109 = tpu.memref_slice %arg16[%add3A_78, %dma_start3A_108] : memref<64x128xi32, #tpu.memory_space<vmem>> -> memref<1x128xi32, #tpu.memory_space<vmem>>
        %dma_start3A_110 = tpu.memref_squeeze %dma_start3A_109 : memref<1x128xi32, #tpu.memory_space<vmem>> -> memref<128xi32, #tpu.memory_space<vmem>>
        %dma_start3A_111 = arith.constant 0 : i32
        %dma_start3A_112 = tpu.memref_slice %arg7[%dma_start3A_111] : memref<4194304xf32, #tpu.memory_space<hbm>> -> memref<4194304xf32, #tpu.memory_space<hbm>>
        %dma_start3A_113 = tpu.memref_slice %arg26[%dma_start3A_106, %select_n3A_93] : memref<6x4x!tpu.dma_semaphore, #tpu.memory_space<semaphore_mem>> -> memref<1x1x!tpu.dma_semaphore, #tpu.memory_space<semaphore_mem>>
        %dma_start3A_114 = tpu.memref_squeeze %dma_start3A_113 : memref<1x1x!tpu.dma_semaphore, #tpu.memory_space<semaphore_mem>> -> memref<!tpu.dma_semaphore, #tpu.memory_space<semaphore_mem>>
        tpu.enqueue_indirect_dma source(%dma_start3A_112 : memref<4194304xf32, #tpu.memory_space<hbm>>) target(%dma_start3A_107 : memref<128xf32, #tpu.memory_space<vmem>>) offsets(%dma_start3A_110 : memref<128xi32, #tpu.memory_space<vmem>>) semaphore(%dma_start3A_114 : memref<!tpu.dma_semaphore, #tpu.memory_space<semaphore_mem>>)
        %mul3A_115 = arith.constant 128 : i32
        %mul3A_116 = arith.muli %add3A_78, %mul3A_115 : i32
        %dma_start3A_117 = arith.constant 1 : i32
        %dma_start3A_118 = tpu.memref_slice %arg18[%mul3A_116] : memref<8192xf32, #tpu.memory_space<vmem>> -> memref<128xf32, #tpu.memory_space<vmem>>
        %dma_start3A_119 = arith.constant 0 : i32
        %dma_start3A_120 = tpu.memref_slice %arg15[%add3A_78, %dma_start3A_119] : memref<64x128xi32, #tpu.memory_space<vmem>> -> memref<1x128xi32, #tpu.memory_space<vmem>>
        %dma_start3A_121 = tpu.memref_squeeze %dma_start3A_120 : memref<1x128xi32, #tpu.memory_space<vmem>> -> memref<128xi32, #tpu.memory_space<vmem>>
        %dma_start3A_122 = arith.constant 0 : i32
        %dma_start3A_123 = tpu.memref_slice %arg5[%dma_start3A_122] : memref<1048576xf32, #tpu.memory_space<hbm>> -> memref<1048576xf32, #tpu.memory_space<hbm>>
        %dma_start3A_124 = tpu.memref_slice %arg26[%dma_start3A_117, %select_n3A_93] : memref<6x4x!tpu.dma_semaphore, #tpu.memory_space<semaphore_mem>> -> memref<1x1x!tpu.dma_semaphore, #tpu.memory_space<semaphore_mem>>
        %dma_start3A_125 = tpu.memref_squeeze %dma_start3A_124 : memref<1x1x!tpu.dma_semaphore, #tpu.memory_space<semaphore_mem>> -> memref<!tpu.dma_semaphore, #tpu.memory_space<semaphore_mem>>
        tpu.enqueue_indirect_dma source(%dma_start3A_123 : memref<1048576xf32, #tpu.memory_space<hbm>>) target(%dma_start3A_118 : memref<128xf32, #tpu.memory_space<vmem>>) offsets(%dma_start3A_121 : memref<128xi32, #tpu.memory_space<vmem>>) semaphore(%dma_start3A_125 : memref<!tpu.dma_semaphore, #tpu.memory_space<semaphore_mem>>)
        %mul3A_126 = arith.constant 128 : i32
        %mul3A_127 = arith.muli %add3A_78, %mul3A_126 : i32
        %dma_start3A_128 = arith.constant 4 : i32
        %dma_start3A_129 = tpu.memref_slice %arg21[%mul3A_127] : memref<8192xf32, #tpu.memory_space<vmem>> -> memref<128xf32, #tpu.memory_space<vmem>>
        %dma_start3A_130 = arith.constant 0 : i32
        %dma_start3A_131 = tpu.memref_slice %arg16[%add3A_78, %dma_start3A_130] : memref<64x128xi32, #tpu.memory_space<vmem>> -> memref<1x128xi32, #tpu.memory_space<vmem>>
        %dma_start3A_132 = tpu.memref_squeeze %dma_start3A_131 : memref<1x128xi32, #tpu.memory_space<vmem>> -> memref<128xi32, #tpu.memory_space<vmem>>
        %dma_start3A_133 = arith.constant 0 : i32
        %dma_start3A_134 = tpu.memref_slice %arg8[%dma_start3A_133] : memref<4194304xf32, #tpu.memory_space<hbm>> -> memref<4194304xf32, #tpu.memory_space<hbm>>
        %dma_start3A_135 = tpu.memref_slice %arg26[%dma_start3A_128, %select_n3A_93] : memref<6x4x!tpu.dma_semaphore, #tpu.memory_space<semaphore_mem>> -> memref<1x1x!tpu.dma_semaphore, #tpu.memory_space<semaphore_mem>>
        %dma_start3A_136 = tpu.memref_squeeze %dma_start3A_135 : memref<1x1x!tpu.dma_semaphore, #tpu.memory_space<semaphore_mem>> -> memref<!tpu.dma_semaphore, #tpu.memory_space<semaphore_mem>>
        tpu.enqueue_indirect_dma source(%dma_start3A_134 : memref<4194304xf32, #tpu.memory_space<hbm>>) target(%dma_start3A_129 : memref<128xf32, #tpu.memory_space<vmem>>) offsets(%dma_start3A_132 : memref<128xi32, #tpu.memory_space<vmem>>) semaphore(%dma_start3A_136 : memref<!tpu.dma_semaphore, #tpu.memory_space<semaphore_mem>>)
        %mul3A_137 = arith.constant 128 : i32
        %mul3A_138 = arith.muli %add3A_78, %mul3A_137 : i32
        %dma_start3A_139 = arith.constant 2 : i32
        %dma_start3A_140 = tpu.memref_slice %arg19[%mul3A_138] : memref<8192xf32, #tpu.memory_space<vmem>> -> memref<128xf32, #tpu.memory_space<vmem>>
        %dma_start3A_141 = arith.constant 0 : i32
        %dma_start3A_142 = tpu.memref_slice %arg15[%add3A_78, %dma_start3A_141] : memref<64x128xi32, #tpu.memory_space<vmem>> -> memref<1x128xi32, #tpu.memory_space<vmem>>
        %dma_start3A_143 = tpu.memref_squeeze %dma_start3A_142 : memref<1x128xi32, #tpu.memory_space<vmem>> -> memref<128xi32, #tpu.memory_space<vmem>>
        %dma_start3A_144 = arith.constant 0 : i32
        %dma_start3A_145 = tpu.memref_slice %arg6[%dma_start3A_144] : memref<1048576xf32, #tpu.memory_space<hbm>> -> memref<1048576xf32, #tpu.memory_space<hbm>>
        %dma_start3A_146 = tpu.memref_slice %arg26[%dma_start3A_139, %select_n3A_93] : memref<6x4x!tpu.dma_semaphore, #tpu.memory_space<semaphore_mem>> -> memref<1x1x!tpu.dma_semaphore, #tpu.memory_space<semaphore_mem>>
        %dma_start3A_147 = tpu.memref_squeeze %dma_start3A_146 : memref<1x1x!tpu.dma_semaphore, #tpu.memory_space<semaphore_mem>> -> memref<!tpu.dma_semaphore, #tpu.memory_space<semaphore_mem>>
        tpu.enqueue_indirect_dma source(%dma_start3A_145 : memref<1048576xf32, #tpu.memory_space<hbm>>) target(%dma_start3A_140 : memref<128xf32, #tpu.memory_space<vmem>>) offsets(%dma_start3A_143 : memref<128xi32, #tpu.memory_space<vmem>>) semaphore(%dma_start3A_147 : memref<!tpu.dma_semaphore, #tpu.memory_space<semaphore_mem>>)
        %mul3A_148 = arith.constant 128 : i32
        %mul3A_149 = arith.muli %add3A_78, %mul3A_148 : i32
        %dma_start3A_150 = arith.constant 5 : i32
        %dma_start3A_151 = tpu.memref_slice %arg22[%mul3A_149] : memref<8192xf32, #tpu.memory_space<vmem>> -> memref<128xf32, #tpu.memory_space<vmem>>
        %dma_start3A_152 = arith.constant 0 : i32
        %dma_start3A_153 = tpu.memref_slice %arg16[%add3A_78, %dma_start3A_152] : memref<64x128xi32, #tpu.memory_space<vmem>> -> memref<1x128xi32, #tpu.memory_space<vmem>>
        %dma_start3A_154 = tpu.memref_squeeze %dma_start3A_153 : memref<1x128xi32, #tpu.memory_space<vmem>> -> memref<128xi32, #tpu.memory_space<vmem>>
        %dma_start3A_155 = arith.constant 0 : i32
        %dma_start3A_156 = tpu.memref_slice %arg9[%dma_start3A_155] : memref<4194304xf32, #tpu.memory_space<hbm>> -> memref<4194304xf32, #tpu.memory_space<hbm>>
        %dma_start3A_157 = tpu.memref_slice %arg26[%dma_start3A_150, %select_n3A_93] : memref<6x4x!tpu.dma_semaphore, #tpu.memory_space<semaphore_mem>> -> memref<1x1x!tpu.dma_semaphore, #tpu.memory_space<semaphore_mem>>
        %dma_start3A_158 = tpu.memref_squeeze %dma_start3A_157 : memref<1x1x!tpu.dma_semaphore, #tpu.memory_space<semaphore_mem>> -> memref<!tpu.dma_semaphore, #tpu.memory_space<semaphore_mem>>
        tpu.enqueue_indirect_dma source(%dma_start3A_156 : memref<4194304xf32, #tpu.memory_space<hbm>>) target(%dma_start3A_151 : memref<128xf32, #tpu.memory_space<vmem>>) offsets(%dma_start3A_154 : memref<128xi32, #tpu.memory_space<vmem>>) semaphore(%dma_start3A_158 : memref<!tpu.dma_semaphore, #tpu.memory_space<semaphore_mem>>)
        %sub3A_159 = arith.constant 4 : i32
        %sub3A_160 = arith.subi %add3A_78, %sub3A_159 : i32
        %jit3A_161 = arith.constant 4 : i32
        %eq3A_162 = arith.constant 0 : i32
        %eq3A_163 = arith.cmpi eq, %jit3A_161, %eq3A_162 : i32
        %jit3A_164 = arith.constant 1 : i32
        %select_n3A_165 = arith.select %eq3A_163, %jit3A_164, %jit3A_161 : i32
        %rem3A_166 = arith.remsi %sub3A_160, %select_n3A_165 : i32
        %ne3A_167 = arith.constant 0 : i32
        %ne3A_168 = arith.cmpi ne, %rem3A_166, %ne3A_167 : i32
        %lt3A_169 = arith.constant 0 : i32
        %lt3A_170 = arith.cmpi slt, %rem3A_166, %lt3A_169 : i32
        %lt3A_171 = arith.constant 0 : i32
        %lt3A_172 = arith.cmpi slt, %select_n3A_165, %lt3A_171 : i32
        %ne3A_173 = arith.xori %lt3A_170, %lt3A_172 : i1
        %and3A_174 = arith.andi %ne3A_173, %ne3A_168 : i1
        %add3A_175 = arith.addi %rem3A_166, %select_n3A_165 : i32
        %select_n3A_176 = arith.select %and3A_174, %add3A_175, %rem3A_166 : i32
        %mul3A_177 = arith.constant 128 : i32
        %mul3A_178 = arith.muli %sub3A_160, %mul3A_177 : i32
        %dma_wait3A = arith.constant 0 : i32
        %dma_wait3A_179 = tpu.memref_slice %arg17[%mul3A_178] : memref<8192xf32, #tpu.memory_space<vmem>> -> memref<128xf32, #tpu.memory_space<vmem>>
        %dma_wait3A_180 = arith.constant 0 : i32
        %dma_wait3A_181 = tpu.memref_slice %arg15[%sub3A_160, %dma_wait3A_180] : memref<64x128xi32, #tpu.memory_space<vmem>> -> memref<1x128xi32, #tpu.memory_space<vmem>>
        %dma_wait3A_182 = tpu.memref_squeeze %dma_wait3A_181 : memref<1x128xi32, #tpu.memory_space<vmem>> -> memref<128xi32, #tpu.memory_space<vmem>>
        %dma_wait3A_183 = arith.constant 0 : i32
        %dma_wait3A_184 = tpu.memref_slice %arg4[%dma_wait3A_183] : memref<1048576xf32, #tpu.memory_space<hbm>> -> memref<1048576xf32, #tpu.memory_space<hbm>>
        %dma_wait3A_185 = tpu.memref_slice %arg26[%dma_wait3A, %select_n3A_176] : memref<6x4x!tpu.dma_semaphore, #tpu.memory_space<semaphore_mem>> -> memref<1x1x!tpu.dma_semaphore, #tpu.memory_space<semaphore_mem>>
        %dma_wait3A_186 = tpu.memref_squeeze %dma_wait3A_185 : memref<1x1x!tpu.dma_semaphore, #tpu.memory_space<semaphore_mem>> -> memref<!tpu.dma_semaphore, #tpu.memory_space<semaphore_mem>>
        tpu.wait_indirect_dma semaphore(%dma_wait3A_186 : memref<!tpu.dma_semaphore, #tpu.memory_space<semaphore_mem>>) src(%dma_wait3A_184 : memref<1048576xf32, #tpu.memory_space<hbm>>) dst(%dma_wait3A_179 : memref<128xf32, #tpu.memory_space<vmem>>)
        %mul3A_187 = arith.constant 128 : i32
        %mul3A_188 = arith.muli %sub3A_160, %mul3A_187 : i32
        %dma_wait3A_189 = arith.constant 3 : i32
        %dma_wait3A_190 = tpu.memref_slice %arg20[%mul3A_188] : memref<8192xf32, #tpu.memory_space<vmem>> -> memref<128xf32, #tpu.memory_space<vmem>>
        %dma_wait3A_191 = arith.constant 0 : i32
        %dma_wait3A_192 = tpu.memref_slice %arg16[%sub3A_160, %dma_wait3A_191] : memref<64x128xi32, #tpu.memory_space<vmem>> -> memref<1x128xi32, #tpu.memory_space<vmem>>
        %dma_wait3A_193 = tpu.memref_squeeze %dma_wait3A_192 : memref<1x128xi32, #tpu.memory_space<vmem>> -> memref<128xi32, #tpu.memory_space<vmem>>
        %dma_wait3A_194 = arith.constant 0 : i32
        %dma_wait3A_195 = tpu.memref_slice %arg7[%dma_wait3A_194] : memref<4194304xf32, #tpu.memory_space<hbm>> -> memref<4194304xf32, #tpu.memory_space<hbm>>
        %dma_wait3A_196 = tpu.memref_slice %arg26[%dma_wait3A_189, %select_n3A_176] : memref<6x4x!tpu.dma_semaphore, #tpu.memory_space<semaphore_mem>> -> memref<1x1x!tpu.dma_semaphore, #tpu.memory_space<semaphore_mem>>
        %dma_wait3A_197 = tpu.memref_squeeze %dma_wait3A_196 : memref<1x1x!tpu.dma_semaphore, #tpu.memory_space<semaphore_mem>> -> memref<!tpu.dma_semaphore, #tpu.memory_space<semaphore_mem>>
        tpu.wait_indirect_dma semaphore(%dma_wait3A_197 : memref<!tpu.dma_semaphore, #tpu.memory_space<semaphore_mem>>) src(%dma_wait3A_195 : memref<4194304xf32, #tpu.memory_space<hbm>>) dst(%dma_wait3A_190 : memref<128xf32, #tpu.memory_space<vmem>>)
        %mul3A_198 = arith.constant 128 : i32
        %mul3A_199 = arith.muli %sub3A_160, %mul3A_198 : i32
        %dma_wait3A_200 = arith.constant 1 : i32
        %dma_wait3A_201 = tpu.memref_slice %arg18[%mul3A_199] : memref<8192xf32, #tpu.memory_space<vmem>> -> memref<128xf32, #tpu.memory_space<vmem>>
        %dma_wait3A_202 = arith.constant 0 : i32
        %dma_wait3A_203 = tpu.memref_slice %arg15[%sub3A_160, %dma_wait3A_202] : memref<64x128xi32, #tpu.memory_space<vmem>> -> memref<1x128xi32, #tpu.memory_space<vmem>>
        %dma_wait3A_204 = tpu.memref_squeeze %dma_wait3A_203 : memref<1x128xi32, #tpu.memory_space<vmem>> -> memref<128xi32, #tpu.memory_space<vmem>>
        %dma_wait3A_205 = arith.constant 0 : i32
        %dma_wait3A_206 = tpu.memref_slice %arg5[%dma_wait3A_205] : memref<1048576xf32, #tpu.memory_space<hbm>> -> memref<1048576xf32, #tpu.memory_space<hbm>>
        %dma_wait3A_207 = tpu.memref_slice %arg26[%dma_wait3A_200, %select_n3A_176] : memref<6x4x!tpu.dma_semaphore, #tpu.memory_space<semaphore_mem>> -> memref<1x1x!tpu.dma_semaphore, #tpu.memory_space<semaphore_mem>>
        %dma_wait3A_208 = tpu.memref_squeeze %dma_wait3A_207 : memref<1x1x!tpu.dma_semaphore, #tpu.memory_space<semaphore_mem>> -> memref<!tpu.dma_semaphore, #tpu.memory_space<semaphore_mem>>
        tpu.wait_indirect_dma semaphore(%dma_wait3A_208 : memref<!tpu.dma_semaphore, #tpu.memory_space<semaphore_mem>>) src(%dma_wait3A_206 : memref<1048576xf32, #tpu.memory_space<hbm>>) dst(%dma_wait3A_201 : memref<128xf32, #tpu.memory_space<vmem>>)
        %mul3A_209 = arith.constant 128 : i32
        %mul3A_210 = arith.muli %sub3A_160, %mul3A_209 : i32
        %dma_wait3A_211 = arith.constant 4 : i32
        %dma_wait3A_212 = tpu.memref_slice %arg21[%mul3A_210] : memref<8192xf32, #tpu.memory_space<vmem>> -> memref<128xf32, #tpu.memory_space<vmem>>
        %dma_wait3A_213 = arith.constant 0 : i32
        %dma_wait3A_214 = tpu.memref_slice %arg16[%sub3A_160, %dma_wait3A_213] : memref<64x128xi32, #tpu.memory_space<vmem>> -> memref<1x128xi32, #tpu.memory_space<vmem>>
        %dma_wait3A_215 = tpu.memref_squeeze %dma_wait3A_214 : memref<1x128xi32, #tpu.memory_space<vmem>> -> memref<128xi32, #tpu.memory_space<vmem>>
        %dma_wait3A_216 = arith.constant 0 : i32
        %dma_wait3A_217 = tpu.memref_slice %arg8[%dma_wait3A_216] : memref<4194304xf32, #tpu.memory_space<hbm>> -> memref<4194304xf32, #tpu.memory_space<hbm>>
        %dma_wait3A_218 = tpu.memref_slice %arg26[%dma_wait3A_211, %select_n3A_176] : memref<6x4x!tpu.dma_semaphore, #tpu.memory_space<semaphore_mem>> -> memref<1x1x!tpu.dma_semaphore, #tpu.memory_space<semaphore_mem>>
        %dma_wait3A_219 = tpu.memref_squeeze %dma_wait3A_218 : memref<1x1x!tpu.dma_semaphore, #tpu.memory_space<semaphore_mem>> -> memref<!tpu.dma_semaphore, #tpu.memory_space<semaphore_mem>>
        tpu.wait_indirect_dma semaphore(%dma_wait3A_219 : memref<!tpu.dma_semaphore, #tpu.memory_space<semaphore_mem>>) src(%dma_wait3A_217 : memref<4194304xf32, #tpu.memory_space<hbm>>) dst(%dma_wait3A_212 : memref<128xf32, #tpu.memory_space<vmem>>)
        %mul3A_220 = arith.constant 128 : i32
        %mul3A_221 = arith.muli %sub3A_160, %mul3A_220 : i32
        %dma_wait3A_222 = arith.constant 2 : i32
        %dma_wait3A_223 = tpu.memref_slice %arg19[%mul3A_221] : memref<8192xf32, #tpu.memory_space<vmem>> -> memref<128xf32, #tpu.memory_space<vmem>>
        %dma_wait3A_224 = arith.constant 0 : i32
        %dma_wait3A_225 = tpu.memref_slice %arg15[%sub3A_160, %dma_wait3A_224] : memref<64x128xi32, #tpu.memory_space<vmem>> -> memref<1x128xi32, #tpu.memory_space<vmem>>
        %dma_wait3A_226 = tpu.memref_squeeze %dma_wait3A_225 : memref<1x128xi32, #tpu.memory_space<vmem>> -> memref<128xi32, #tpu.memory_space<vmem>>
        %dma_wait3A_227 = arith.constant 0 : i32
        %dma_wait3A_228 = tpu.memref_slice %arg6[%dma_wait3A_227] : memref<1048576xf32, #tpu.memory_space<hbm>> -> memref<1048576xf32, #tpu.memory_space<hbm>>
        %dma_wait3A_229 = tpu.memref_slice %arg26[%dma_wait3A_222, %select_n3A_176] : memref<6x4x!tpu.dma_semaphore, #tpu.memory_space<semaphore_mem>> -> memref<1x1x!tpu.dma_semaphore, #tpu.memory_space<semaphore_mem>>
        %dma_wait3A_230 = tpu.memref_squeeze %dma_wait3A_229 : memref<1x1x!tpu.dma_semaphore, #tpu.memory_space<semaphore_mem>> -> memref<!tpu.dma_semaphore, #tpu.memory_space<semaphore_mem>>
        tpu.wait_indirect_dma semaphore(%dma_wait3A_230 : memref<!tpu.dma_semaphore, #tpu.memory_space<semaphore_mem>>) src(%dma_wait3A_228 : memref<1048576xf32, #tpu.memory_space<hbm>>) dst(%dma_wait3A_223 : memref<128xf32, #tpu.memory_space<vmem>>)
        %mul3A_231 = arith.constant 128 : i32
        %mul3A_232 = arith.muli %sub3A_160, %mul3A_231 : i32
        %dma_wait3A_233 = arith.constant 5 : i32
        %dma_wait3A_234 = tpu.memref_slice %arg22[%mul3A_232] : memref<8192xf32, #tpu.memory_space<vmem>> -> memref<128xf32, #tpu.memory_space<vmem>>
        %dma_wait3A_235 = arith.constant 0 : i32
        %dma_wait3A_236 = tpu.memref_slice %arg16[%sub3A_160, %dma_wait3A_235] : memref<64x128xi32, #tpu.memory_space<vmem>> -> memref<1x128xi32, #tpu.memory_space<vmem>>
        %dma_wait3A_237 = tpu.memref_squeeze %dma_wait3A_236 : memref<1x128xi32, #tpu.memory_space<vmem>> -> memref<128xi32, #tpu.memory_space<vmem>>
        %dma_wait3A_238 = arith.constant 0 : i32
        %dma_wait3A_239 = tpu.memref_slice %arg9[%dma_wait3A_238] : memref<4194304xf32, #tpu.memory_space<hbm>> -> memref<4194304xf32, #tpu.memory_space<hbm>>
        %dma_wait3A_240 = tpu.memref_slice %arg26[%dma_wait3A_233, %select_n3A_176] : memref<6x4x!tpu.dma_semaphore, #tpu.memory_space<semaphore_mem>> -> memref<1x1x!tpu.dma_semaphore, #tpu.memory_space<semaphore_mem>>
        %dma_wait3A_241 = tpu.memref_squeeze %dma_wait3A_240 : memref<1x1x!tpu.dma_semaphore, #tpu.memory_space<semaphore_mem>> -> memref<!tpu.dma_semaphore, #tpu.memory_space<semaphore_mem>>
        tpu.wait_indirect_dma semaphore(%dma_wait3A_241 : memref<!tpu.dma_semaphore, #tpu.memory_space<semaphore_mem>>) src(%dma_wait3A_239 : memref<4194304xf32, #tpu.memory_space<hbm>>) dst(%dma_wait3A_234 : memref<128xf32, #tpu.memory_space<vmem>>)
      }
      %scan3A_63 = arith.constant 60 : i32
      %scan3A_64 = arith.constant 0 : i32
      %scan3A_65 = arith.constant 4 : i32
      %scan3A_66 = arith.addi %scan3A_64, %scan3A_65 : i32
      %scan3A_67 = arith.constant 1 : i32
      scf.for %scan3A_74 = %scan3A_64 to %scan3A_66 step %scan3A_67  : i32 {
        %mul3A_75 = arith.constant 1 : i32
        %mul3A_76 = arith.muli %scan3A_74, %mul3A_75 : i32
        %add3A_77 = arith.constant 60 : i32
        %add3A_78 = arith.addi %add3A_77, %mul3A_76 : i32
        %jit3A_79 = arith.constant 4 : i32
        %eq3A_80 = arith.constant 0 : i32
        %eq3A_81 = arith.cmpi eq, %jit3A_79, %eq3A_80 : i32
        %jit3A_82 = arith.constant 1 : i32
        %select_n3A_83 = arith.select %eq3A_81, %jit3A_82, %jit3A_79 : i32
        %rem3A_84 = arith.remsi %add3A_78, %select_n3A_83 : i32
        %ne3A_85 = arith.constant 0 : i32
        %ne3A_86 = arith.cmpi ne, %rem3A_84, %ne3A_85 : i32
        %lt3A = arith.constant 0 : i32
        %lt3A_87 = arith.cmpi slt, %rem3A_84, %lt3A : i32
        %lt3A_88 = arith.constant 0 : i32
        %lt3A_89 = arith.cmpi slt, %select_n3A_83, %lt3A_88 : i32
        %ne3A_90 = arith.xori %lt3A_87, %lt3A_89 : i1
        %and3A_91 = arith.andi %ne3A_90, %ne3A_86 : i1
        %add3A_92 = arith.addi %rem3A_84, %select_n3A_83 : i32
        %select_n3A_93 = arith.select %and3A_91, %add3A_92, %rem3A_84 : i32
        %mul3A_94 = arith.constant 128 : i32
        %mul3A_95 = arith.muli %add3A_78, %mul3A_94 : i32
        %dma_wait3A = arith.constant 0 : i32
        %dma_wait3A_96 = tpu.memref_slice %arg17[%mul3A_95] : memref<8192xf32, #tpu.memory_space<vmem>> -> memref<128xf32, #tpu.memory_space<vmem>>
        %dma_wait3A_97 = arith.constant 0 : i32
        %dma_wait3A_98 = tpu.memref_slice %arg15[%add3A_78, %dma_wait3A_97] : memref<64x128xi32, #tpu.memory_space<vmem>> -> memref<1x128xi32, #tpu.memory_space<vmem>>
        %dma_wait3A_99 = tpu.memref_squeeze %dma_wait3A_98 : memref<1x128xi32, #tpu.memory_space<vmem>> -> memref<128xi32, #tpu.memory_space<vmem>>
        %dma_wait3A_100 = arith.constant 0 : i32
        %dma_wait3A_101 = tpu.memref_slice %arg4[%dma_wait3A_100] : memref<1048576xf32, #tpu.memory_space<hbm>> -> memref<1048576xf32, #tpu.memory_space<hbm>>
        %dma_wait3A_102 = tpu.memref_slice %arg26[%dma_wait3A, %select_n3A_93] : memref<6x4x!tpu.dma_semaphore, #tpu.memory_space<semaphore_mem>> -> memref<1x1x!tpu.dma_semaphore, #tpu.memory_space<semaphore_mem>>
        %dma_wait3A_103 = tpu.memref_squeeze %dma_wait3A_102 : memref<1x1x!tpu.dma_semaphore, #tpu.memory_space<semaphore_mem>> -> memref<!tpu.dma_semaphore, #tpu.memory_space<semaphore_mem>>
        tpu.wait_indirect_dma semaphore(%dma_wait3A_103 : memref<!tpu.dma_semaphore, #tpu.memory_space<semaphore_mem>>) src(%dma_wait3A_101 : memref<1048576xf32, #tpu.memory_space<hbm>>) dst(%dma_wait3A_96 : memref<128xf32, #tpu.memory_space<vmem>>)
        %mul3A_104 = arith.constant 128 : i32
        %mul3A_105 = arith.muli %add3A_78, %mul3A_104 : i32
        %dma_wait3A_106 = arith.constant 3 : i32
        %dma_wait3A_107 = tpu.memref_slice %arg20[%mul3A_105] : memref<8192xf32, #tpu.memory_space<vmem>> -> memref<128xf32, #tpu.memory_space<vmem>>
        %dma_wait3A_108 = arith.constant 0 : i32
        %dma_wait3A_109 = tpu.memref_slice %arg16[%add3A_78, %dma_wait3A_108] : memref<64x128xi32, #tpu.memory_space<vmem>> -> memref<1x128xi32, #tpu.memory_space<vmem>>
        %dma_wait3A_110 = tpu.memref_squeeze %dma_wait3A_109 : memref<1x128xi32, #tpu.memory_space<vmem>> -> memref<128xi32, #tpu.memory_space<vmem>>
        %dma_wait3A_111 = arith.constant 0 : i32
        %dma_wait3A_112 = tpu.memref_slice %arg7[%dma_wait3A_111] : memref<4194304xf32, #tpu.memory_space<hbm>> -> memref<4194304xf32, #tpu.memory_space<hbm>>
        %dma_wait3A_113 = tpu.memref_slice %arg26[%dma_wait3A_106, %select_n3A_93] : memref<6x4x!tpu.dma_semaphore, #tpu.memory_space<semaphore_mem>> -> memref<1x1x!tpu.dma_semaphore, #tpu.memory_space<semaphore_mem>>
        %dma_wait3A_114 = tpu.memref_squeeze %dma_wait3A_113 : memref<1x1x!tpu.dma_semaphore, #tpu.memory_space<semaphore_mem>> -> memref<!tpu.dma_semaphore, #tpu.memory_space<semaphore_mem>>
        tpu.wait_indirect_dma semaphore(%dma_wait3A_114 : memref<!tpu.dma_semaphore, #tpu.memory_space<semaphore_mem>>) src(%dma_wait3A_112 : memref<4194304xf32, #tpu.memory_space<hbm>>) dst(%dma_wait3A_107 : memref<128xf32, #tpu.memory_space<vmem>>)
        %mul3A_115 = arith.constant 128 : i32
        %mul3A_116 = arith.muli %add3A_78, %mul3A_115 : i32
        %dma_wait3A_117 = arith.constant 1 : i32
        %dma_wait3A_118 = tpu.memref_slice %arg18[%mul3A_116] : memref<8192xf32, #tpu.memory_space<vmem>> -> memref<128xf32, #tpu.memory_space<vmem>>
        %dma_wait3A_119 = arith.constant 0 : i32
        %dma_wait3A_120 = tpu.memref_slice %arg15[%add3A_78, %dma_wait3A_119] : memref<64x128xi32, #tpu.memory_space<vmem>> -> memref<1x128xi32, #tpu.memory_space<vmem>>
        %dma_wait3A_121 = tpu.memref_squeeze %dma_wait3A_120 : memref<1x128xi32, #tpu.memory_space<vmem>> -> memref<128xi32, #tpu.memory_space<vmem>>
        %dma_wait3A_122 = arith.constant 0 : i32
        %dma_wait3A_123 = tpu.memref_slice %arg5[%dma_wait3A_122] : memref<1048576xf32, #tpu.memory_space<hbm>> -> memref<1048576xf32, #tpu.memory_space<hbm>>
        %dma_wait3A_124 = tpu.memref_slice %arg26[%dma_wait3A_117, %select_n3A_93] : memref<6x4x!tpu.dma_semaphore, #tpu.memory_space<semaphore_mem>> -> memref<1x1x!tpu.dma_semaphore, #tpu.memory_space<semaphore_mem>>
        %dma_wait3A_125 = tpu.memref_squeeze %dma_wait3A_124 : memref<1x1x!tpu.dma_semaphore, #tpu.memory_space<semaphore_mem>> -> memref<!tpu.dma_semaphore, #tpu.memory_space<semaphore_mem>>
        tpu.wait_indirect_dma semaphore(%dma_wait3A_125 : memref<!tpu.dma_semaphore, #tpu.memory_space<semaphore_mem>>) src(%dma_wait3A_123 : memref<1048576xf32, #tpu.memory_space<hbm>>) dst(%dma_wait3A_118 : memref<128xf32, #tpu.memory_space<vmem>>)
        %mul3A_126 = arith.constant 128 : i32
        %mul3A_127 = arith.muli %add3A_78, %mul3A_126 : i32
        %dma_wait3A_128 = arith.constant 4 : i32
        %dma_wait3A_129 = tpu.memref_slice %arg21[%mul3A_127] : memref<8192xf32, #tpu.memory_space<vmem>> -> memref<128xf32, #tpu.memory_space<vmem>>
        %dma_wait3A_130 = arith.constant 0 : i32
        %dma_wait3A_131 = tpu.memref_slice %arg16[%add3A_78, %dma_wait3A_130] : memref<64x128xi32, #tpu.memory_space<vmem>> -> memref<1x128xi32, #tpu.memory_space<vmem>>
        %dma_wait3A_132 = tpu.memref_squeeze %dma_wait3A_131 : memref<1x128xi32, #tpu.memory_space<vmem>> -> memref<128xi32, #tpu.memory_space<vmem>>
        %dma_wait3A_133 = arith.constant 0 : i32
        %dma_wait3A_134 = tpu.memref_slice %arg8[%dma_wait3A_133] : memref<4194304xf32, #tpu.memory_space<hbm>> -> memref<4194304xf32, #tpu.memory_space<hbm>>
        %dma_wait3A_135 = tpu.memref_slice %arg26[%dma_wait3A_128, %select_n3A_93] : memref<6x4x!tpu.dma_semaphore, #tpu.memory_space<semaphore_mem>> -> memref<1x1x!tpu.dma_semaphore, #tpu.memory_space<semaphore_mem>>
        %dma_wait3A_136 = tpu.memref_squeeze %dma_wait3A_135 : memref<1x1x!tpu.dma_semaphore, #tpu.memory_space<semaphore_mem>> -> memref<!tpu.dma_semaphore, #tpu.memory_space<semaphore_mem>>
        tpu.wait_indirect_dma semaphore(%dma_wait3A_136 : memref<!tpu.dma_semaphore, #tpu.memory_space<semaphore_mem>>) src(%dma_wait3A_134 : memref<4194304xf32, #tpu.memory_space<hbm>>) dst(%dma_wait3A_129 : memref<128xf32, #tpu.memory_space<vmem>>)
        %mul3A_137 = arith.constant 128 : i32
        %mul3A_138 = arith.muli %add3A_78, %mul3A_137 : i32
        %dma_wait3A_139 = arith.constant 2 : i32
        %dma_wait3A_140 = tpu.memref_slice %arg19[%mul3A_138] : memref<8192xf32, #tpu.memory_space<vmem>> -> memref<128xf32, #tpu.memory_space<vmem>>
        %dma_wait3A_141 = arith.constant 0 : i32
        %dma_wait3A_142 = tpu.memref_slice %arg15[%add3A_78, %dma_wait3A_141] : memref<64x128xi32, #tpu.memory_space<vmem>> -> memref<1x128xi32, #tpu.memory_space<vmem>>
        %dma_wait3A_143 = tpu.memref_squeeze %dma_wait3A_142 : memref<1x128xi32, #tpu.memory_space<vmem>> -> memref<128xi32, #tpu.memory_space<vmem>>
        %dma_wait3A_144 = arith.constant 0 : i32
        %dma_wait3A_145 = tpu.memref_slice %arg6[%dma_wait3A_144] : memref<1048576xf32, #tpu.memory_space<hbm>> -> memref<1048576xf32, #tpu.memory_space<hbm>>
        %dma_wait3A_146 = tpu.memref_slice %arg26[%dma_wait3A_139, %select_n3A_93] : memref<6x4x!tpu.dma_semaphore, #tpu.memory_space<semaphore_mem>> -> memref<1x1x!tpu.dma_semaphore, #tpu.memory_space<semaphore_mem>>
        %dma_wait3A_147 = tpu.memref_squeeze %dma_wait3A_146 : memref<1x1x!tpu.dma_semaphore, #tpu.memory_space<semaphore_mem>> -> memref<!tpu.dma_semaphore, #tpu.memory_space<semaphore_mem>>
        tpu.wait_indirect_dma semaphore(%dma_wait3A_147 : memref<!tpu.dma_semaphore, #tpu.memory_space<semaphore_mem>>) src(%dma_wait3A_145 : memref<1048576xf32, #tpu.memory_space<hbm>>) dst(%dma_wait3A_140 : memref<128xf32, #tpu.memory_space<vmem>>)
        %mul3A_148 = arith.constant 128 : i32
        %mul3A_149 = arith.muli %add3A_78, %mul3A_148 : i32
        %dma_wait3A_150 = arith.constant 5 : i32
        %dma_wait3A_151 = tpu.memref_slice %arg22[%mul3A_149] : memref<8192xf32, #tpu.memory_space<vmem>> -> memref<128xf32, #tpu.memory_space<vmem>>
        %dma_wait3A_152 = arith.constant 0 : i32
        %dma_wait3A_153 = tpu.memref_slice %arg16[%add3A_78, %dma_wait3A_152] : memref<64x128xi32, #tpu.memory_space<vmem>> -> memref<1x128xi32, #tpu.memory_space<vmem>>
        %dma_wait3A_154 = tpu.memref_squeeze %dma_wait3A_153 : memref<1x128xi32, #tpu.memory_space<vmem>> -> memref<128xi32, #tpu.memory_space<vmem>>
        %dma_wait3A_155 = arith.constant 0 : i32
        %dma_wait3A_156 = tpu.memref_slice %arg9[%dma_wait3A_155] : memref<4194304xf32, #tpu.memory_space<hbm>> -> memref<4194304xf32, #tpu.memory_space<hbm>>
        %dma_wait3A_157 = tpu.memref_slice %arg26[%dma_wait3A_150, %select_n3A_93] : memref<6x4x!tpu.dma_semaphore, #tpu.memory_space<semaphore_mem>> -> memref<1x1x!tpu.dma_semaphore, #tpu.memory_space<semaphore_mem>>
        %dma_wait3A_158 = tpu.memref_squeeze %dma_wait3A_157 : memref<1x1x!tpu.dma_semaphore, #tpu.memory_space<semaphore_mem>> -> memref<!tpu.dma_semaphore, #tpu.memory_space<semaphore_mem>>
        tpu.wait_indirect_dma semaphore(%dma_wait3A_158 : memref<!tpu.dma_semaphore, #tpu.memory_space<semaphore_mem>>) src(%dma_wait3A_156 : memref<4194304xf32, #tpu.memory_space<hbm>>) dst(%dma_wait3A_151 : memref<128xf32, #tpu.memory_space<vmem>>)
      }
      %scan3A_68 = arith.constant 4 : i32
      %scan3A_69 = arith.constant 0 : i32
      %scan3A_70 = arith.constant 512 : i32
      %scan3A_71 = arith.addi %scan3A_69, %scan3A_70 : i32
      %scan3A_72 = arith.constant 1 : i32
      scf.for %scan3A_74 = %scan3A_69 to %scan3A_71 step %scan3A_72  : i32 {
        %mul3A_75 = arith.constant 1 : i32
        %mul3A_76 = arith.muli %scan3A_74, %mul3A_75 : i32
        %add3A_77 = arith.constant 0 : i32
        %add3A_78 = arith.addi %add3A_77, %mul3A_76 : i32
        %mul3A_79 = arith.constant 16 : i32
        %mul3A_80 = arith.muli %mul3A_79, %add3A_78 : i32
        %get3A = arith.index_cast %mul3A_80 : i32 to index
        %get3A_81 = tpu.vector_load %arg17[%get3A] {strides = array<i32>} : memref<8192xf32, #tpu.memory_space<vmem>>, vector<16xf32>,
        %get3A_82 = arith.index_cast %mul3A_80 : i32 to index
        %get3A_83 = tpu.vector_load %arg20[%get3A_82] {strides = array<i32>} : memref<8192xf32, #tpu.memory_space<vmem>>, vector<16xf32>,
        %add3A_84 = arith.addf %get3A_81, %get3A_83 : vector<16xf32>
        %swap3A = arith.index_cast %mul3A_80 : i32 to index
        %swap3A_85 = tpu.vector_load %arg23[%swap3A] {strides = array<i32>} : memref<8192xf32, #tpu.memory_space<vmem>>, vector<16xf32>,
        tpu.vector_store %arg23[%swap3A], %add3A_84 {strides = array<i32>} : memref<8192xf32, #tpu.memory_space<vmem>>, vector<16xf32>,
        %get3A_86 = arith.index_cast %mul3A_80 : i32 to index
        %get3A_87 = tpu.vector_load %arg18[%get3A_86] {strides = array<i32>} : memref<8192xf32, #tpu.memory_space<vmem>>, vector<16xf32>,
        %get3A_88 = arith.index_cast %mul3A_80 : i32 to index
        %get3A_89 = tpu.vector_load %arg21[%get3A_88] {strides = array<i32>} : memref<8192xf32, #tpu.memory_space<vmem>>, vector<16xf32>,
        %add3A_90 = arith.addf %get3A_87, %get3A_89 : vector<16xf32>
        %swap3A_91 = arith.index_cast %mul3A_80 : i32 to index
        %swap3A_92 = tpu.vector_load %arg24[%swap3A_91] {strides = array<i32>} : memref<8192xf32, #tpu.memory_space<vmem>>, vector<16xf32>,
        tpu.vector_store %arg24[%swap3A_91], %add3A_90 {strides = array<i32>} : memref<8192xf32, #tpu.memory_space<vmem>>, vector<16xf32>,
        %get3A_93 = arith.index_cast %mul3A_80 : i32 to index
        %get3A_94 = tpu.vector_load %arg19[%get3A_93] {strides = array<i32>} : memref<8192xf32, #tpu.memory_space<vmem>>, vector<16xf32>,
        %get3A_95 = arith.index_cast %mul3A_80 : i32 to index
        %get3A_96 = tpu.vector_load %arg22[%get3A_95] {strides = array<i32>} : memref<8192xf32, #tpu.memory_space<vmem>>, vector<16xf32>,
        %add3A_97 = arith.addf %get3A_94, %get3A_96 : vector<16xf32>
        %swap3A_98 = arith.index_cast %mul3A_80 : i32 to index
        %swap3A_99 = tpu.vector_load %arg25[%swap3A_98] {strides = array<i32>} : memref<8192xf32, #tpu.memory_space<vmem>>, vector<16xf32>,
        tpu.vector_store %arg25[%swap3A_98], %add3A_97 {strides = array<i32>} : memref<8192xf32, #tpu.memory_space<vmem>>, vector<16xf32>,
      }
      %scan3A_73 = arith.constant 512 : i32
      "tpu.region"() ({
        %run_scoped3A = tpu.sem_alloc : memref<!tpu.dma_semaphore, #tpu.memory_space<semaphore_mem>>
        %dma_start3A = arith.constant 0 : i32
        %dma_start3A_74 = tpu.memref_slice %arg23[%dma_start3A] : memref<8192xf32, #tpu.memory_space<vmem>> -> memref<8192xf32, #tpu.memory_space<vmem>>
        %dma_start3A_75 = tpu.memref_slice %arg10[%mul3A_49] : memref<1000000xf32, #tpu.memory_space<hbm>> -> memref<8192xf32, #tpu.memory_space<hbm>>
        %dma_start3A_76 = tpu.memref_slice %arg10[%mul3A_49] : memref<1000000xf32, #tpu.memory_space<hbm>> -> memref<8192xf32, #tpu.memory_space<hbm>>
        %dma_start3A_77 = arith.constant 0 : i32
        %dma_start3A_78 = tpu.memref_slice %arg23[%dma_start3A_77] : memref<8192xf32, #tpu.memory_space<vmem>> -> memref<8192xf32, #tpu.memory_space<vmem>>
        tpu.enqueue_dma source(%dma_start3A_78 : memref<8192xf32, #tpu.memory_space<vmem>>) target(%dma_start3A_76 : memref<8192xf32, #tpu.memory_space<hbm>>) target_semaphore(%run_scoped3A : memref<!tpu.dma_semaphore, #tpu.memory_space<semaphore_mem>>)
        %dma_wait3A = arith.constant 0 : i32
        %dma_wait3A_79 = tpu.memref_slice %arg23[%dma_wait3A] : memref<8192xf32, #tpu.memory_space<vmem>> -> memref<8192xf32, #tpu.memory_space<vmem>>
        %dma_wait3A_80 = tpu.memref_slice %arg10[%mul3A_49] : memref<1000000xf32, #tpu.memory_space<hbm>> -> memref<8192xf32, #tpu.memory_space<hbm>>
        %dma_wait3A_81 = tpu.memref_slice %arg10[%mul3A_49] : memref<1000000xf32, #tpu.memory_space<hbm>> -> memref<8192xf32, #tpu.memory_space<hbm>>
        %dma_wait3A_82 = arith.constant 0 : i32
        %dma_wait3A_83 = tpu.memref_slice %arg23[%dma_wait3A_82] : memref<8192xf32, #tpu.memory_space<vmem>> -> memref<8192xf32, #tpu.memory_space<vmem>>
        tpu.wait_dma2 semaphore(%run_scoped3A : memref<!tpu.dma_semaphore, #tpu.memory_space<semaphore_mem>>) src(%dma_wait3A_83 : memref<8192xf32, #tpu.memory_space<vmem>>) dst(%dma_wait3A_81 : memref<8192xf32, #tpu.memory_space<hbm>>)
        tpu.yield
      }) : () -> ()
      "tpu.region"() ({
        %run_scoped3A = tpu.sem_alloc : memref<!tpu.dma_semaphore, #tpu.memory_space<semaphore_mem>>
        %dma_start3A = arith.constant 0 : i32
        %dma_start3A_74 = tpu.memref_slice %arg24[%dma_start3A] : memref<8192xf32, #tpu.memory_space<vmem>> -> memref<8192xf32, #tpu.memory_space<vmem>>
        %dma_start3A_75 = tpu.memref_slice %arg11[%mul3A_49] : memref<1000000xf32, #tpu.memory_space<hbm>> -> memref<8192xf32, #tpu.memory_space<hbm>>
        %dma_start3A_76 = tpu.memref_slice %arg11[%mul3A_49] : memref<1000000xf32, #tpu.memory_space<hbm>> -> memref<8192xf32, #tpu.memory_space<hbm>>
        %dma_start3A_77 = arith.constant 0 : i32
        %dma_start3A_78 = tpu.memref_slice %arg24[%dma_start3A_77] : memref<8192xf32, #tpu.memory_space<vmem>> -> memref<8192xf32, #tpu.memory_space<vmem>>
        tpu.enqueue_dma source(%dma_start3A_78 : memref<8192xf32, #tpu.memory_space<vmem>>) target(%dma_start3A_76 : memref<8192xf32, #tpu.memory_space<hbm>>) target_semaphore(%run_scoped3A : memref<!tpu.dma_semaphore, #tpu.memory_space<semaphore_mem>>)
        %dma_wait3A = arith.constant 0 : i32
        %dma_wait3A_79 = tpu.memref_slice %arg24[%dma_wait3A] : memref<8192xf32, #tpu.memory_space<vmem>> -> memref<8192xf32, #tpu.memory_space<vmem>>
        %dma_wait3A_80 = tpu.memref_slice %arg11[%mul3A_49] : memref<1000000xf32, #tpu.memory_space<hbm>> -> memref<8192xf32, #tpu.memory_space<hbm>>
        %dma_wait3A_81 = tpu.memref_slice %arg11[%mul3A_49] : memref<1000000xf32, #tpu.memory_space<hbm>> -> memref<8192xf32, #tpu.memory_space<hbm>>
        %dma_wait3A_82 = arith.constant 0 : i32
        %dma_wait3A_83 = tpu.memref_slice %arg24[%dma_wait3A_82] : memref<8192xf32, #tpu.memory_space<vmem>> -> memref<8192xf32, #tpu.memory_space<vmem>>
        tpu.wait_dma2 semaphore(%run_scoped3A : memref<!tpu.dma_semaphore, #tpu.memory_space<semaphore_mem>>) src(%dma_wait3A_83 : memref<8192xf32, #tpu.memory_space<vmem>>) dst(%dma_wait3A_81 : memref<8192xf32, #tpu.memory_space<hbm>>)
        tpu.yield
      }) : () -> ()
      "tpu.region"() ({
        %run_scoped3A = tpu.sem_alloc : memref<!tpu.dma_semaphore, #tpu.memory_space<semaphore_mem>>
        %dma_start3A = arith.constant 0 : i32
        %dma_start3A_74 = tpu.memref_slice %arg25[%dma_start3A] : memref<8192xf32, #tpu.memory_space<vmem>> -> memref<8192xf32, #tpu.memory_space<vmem>>
        %dma_start3A_75 = tpu.memref_slice %arg12[%mul3A_49] : memref<1000000xf32, #tpu.memory_space<hbm>> -> memref<8192xf32, #tpu.memory_space<hbm>>
        %dma_start3A_76 = tpu.memref_slice %arg12[%mul3A_49] : memref<1000000xf32, #tpu.memory_space<hbm>> -> memref<8192xf32, #tpu.memory_space<hbm>>
        %dma_start3A_77 = arith.constant 0 : i32
        %dma_start3A_78 = tpu.memref_slice %arg25[%dma_start3A_77] : memref<8192xf32, #tpu.memory_space<vmem>> -> memref<8192xf32, #tpu.memory_space<vmem>>
        tpu.enqueue_dma source(%dma_start3A_78 : memref<8192xf32, #tpu.memory_space<vmem>>) target(%dma_start3A_76 : memref<8192xf32, #tpu.memory_space<hbm>>) target_semaphore(%run_scoped3A : memref<!tpu.dma_semaphore, #tpu.memory_space<semaphore_mem>>)
        %dma_wait3A = arith.constant 0 : i32
        %dma_wait3A_79 = tpu.memref_slice %arg25[%dma_wait3A] : memref<8192xf32, #tpu.memory_space<vmem>> -> memref<8192xf32, #tpu.memory_space<vmem>>
        %dma_wait3A_80 = tpu.memref_slice %arg12[%mul3A_49] : memref<1000000xf32, #tpu.memory_space<hbm>> -> memref<8192xf32, #tpu.memory_space<hbm>>
        %dma_wait3A_81 = tpu.memref_slice %arg12[%mul3A_49] : memref<1000000xf32, #tpu.memory_space<hbm>> -> memref<8192xf32, #tpu.memory_space<hbm>>
        %dma_wait3A_82 = arith.constant 0 : i32
        %dma_wait3A_83 = tpu.memref_slice %arg25[%dma_wait3A_82] : memref<8192xf32, #tpu.memory_space<vmem>> -> memref<8192xf32, #tpu.memory_space<vmem>>
        tpu.wait_dma2 semaphore(%run_scoped3A : memref<!tpu.dma_semaphore, #tpu.memory_space<semaphore_mem>>) src(%dma_wait3A_83 : memref<8192xf32, #tpu.memory_space<vmem>>) dst(%dma_wait3A_81 : memref<8192xf32, #tpu.memory_space<hbm>>)
        tpu.yield
      }) : () -> ()
    }
    %eq3A = arith.constant 31 : i32
    %eq3A_40 = arith.cmpi eq, %add3A, %eq3A : i32
    %convert_element_type3A = arith.extui %eq3A_40 : i1 to i32
    %cond3A = arith.constant 0 : i32
    %cond3A_41 = arith.cmpi ne, %convert_element_type3A, %cond3A : i32
    scf.if %cond3A_41 {
      "tpu.region"() ({
        %run_scoped3A = tpu.sem_alloc : memref<!tpu.dma_semaphore, #tpu.memory_space<semaphore_mem>>
        %dma_start3A_261 = arith.constant 0 : i32
        %dma_start3A_262 = tpu.memref_slice %arg13[%dma_start3A_261] : memref<8192xf32, #tpu.memory_space<vmem>> -> memref<576xf32, #tpu.memory_space<vmem>>
        %dma_start3A_263 = arith.constant 999424 : i32
        %dma_start3A_264 = tpu.memref_slice %arg2[%dma_start3A_263] : memref<1000000xf32, #tpu.memory_space<hbm>> -> memref<576xf32, #tpu.memory_space<hbm>>
        %dma_start3A_265 = arith.constant 0 : i32
        %dma_start3A_266 = tpu.memref_slice %arg13[%dma_start3A_265] : memref<8192xf32, #tpu.memory_space<vmem>> -> memref<576xf32, #tpu.memory_space<vmem>>
        %dma_start3A_267 = arith.constant 999424 : i32
        %dma_start3A_268 = tpu.memref_slice %arg2[%dma_start3A_267] : memref<1000000xf32, #tpu.memory_space<hbm>> -> memref<576xf32, #tpu.memory_space<hbm>>
        tpu.enqueue_dma source(%dma_start3A_268 : memref<576xf32, #tpu.memory_space<hbm>>) target(%dma_start3A_266 : memref<576xf32, #tpu.memory_space<vmem>>) target_semaphore(%run_scoped3A : memref<!tpu.dma_semaphore, #tpu.memory_space<semaphore_mem>>)
        %dma_wait3A_269 = arith.constant 0 : i32
        %dma_wait3A_270 = tpu.memref_slice %arg13[%dma_wait3A_269] : memref<8192xf32, #tpu.memory_space<vmem>> -> memref<576xf32, #tpu.memory_space<vmem>>
        %dma_wait3A_271 = arith.constant 999424 : i32
        %dma_wait3A_272 = tpu.memref_slice %arg2[%dma_wait3A_271] : memref<1000000xf32, #tpu.memory_space<hbm>> -> memref<576xf32, #tpu.memory_space<hbm>>
        %dma_wait3A_273 = arith.constant 0 : i32
        %dma_wait3A_274 = tpu.memref_slice %arg13[%dma_wait3A_273] : memref<8192xf32, #tpu.memory_space<vmem>> -> memref<576xf32, #tpu.memory_space<vmem>>
        %dma_wait3A_275 = arith.constant 999424 : i32
        %dma_wait3A_276 = tpu.memref_slice %arg2[%dma_wait3A_275] : memref<1000000xf32, #tpu.memory_space<hbm>> -> memref<576xf32, #tpu.memory_space<hbm>>
        tpu.wait_dma2 semaphore(%run_scoped3A : memref<!tpu.dma_semaphore, #tpu.memory_space<semaphore_mem>>) src(%dma_wait3A_276 : memref<576xf32, #tpu.memory_space<hbm>>) dst(%dma_wait3A_274 : memref<576xf32, #tpu.memory_space<vmem>>)
        tpu.yield
      }) : () -> ()
      "tpu.region"() ({
        %run_scoped3A = tpu.sem_alloc : memref<!tpu.dma_semaphore, #tpu.memory_space<semaphore_mem>>
        %dma_start3A_261 = arith.constant 0 : i32
        %dma_start3A_262 = tpu.memref_slice %arg14[%dma_start3A_261] : memref<8192xf32, #tpu.memory_space<vmem>> -> memref<576xf32, #tpu.memory_space<vmem>>
        %dma_start3A_263 = arith.constant 999424 : i32
        %dma_start3A_264 = tpu.memref_slice %arg3[%dma_start3A_263] : memref<1000000xf32, #tpu.memory_space<hbm>> -> memref<576xf32, #tpu.memory_space<hbm>>
        %dma_start3A_265 = arith.constant 0 : i32
        %dma_start3A_266 = tpu.memref_slice %arg14[%dma_start3A_265] : memref<8192xf32, #tpu.memory_space<vmem>> -> memref<576xf32, #tpu.memory_space<vmem>>
        %dma_start3A_267 = arith.constant 999424 : i32
        %dma_start3A_268 = tpu.memref_slice %arg3[%dma_start3A_267] : memref<1000000xf32, #tpu.memory_space<hbm>> -> memref<576xf32, #tpu.memory_space<hbm>>
        tpu.enqueue_dma source(%dma_start3A_268 : memref<576xf32, #tpu.memory_space<hbm>>) target(%dma_start3A_266 : memref<576xf32, #tpu.memory_space<vmem>>) target_semaphore(%run_scoped3A : memref<!tpu.dma_semaphore, #tpu.memory_space<semaphore_mem>>)
        %dma_wait3A_269 = arith.constant 0 : i32
        %dma_wait3A_270 = tpu.memref_slice %arg14[%dma_wait3A_269] : memref<8192xf32, #tpu.memory_space<vmem>> -> memref<576xf32, #tpu.memory_space<vmem>>
        %dma_wait3A_271 = arith.constant 999424 : i32
        %dma_wait3A_272 = tpu.memref_slice %arg3[%dma_wait3A_271] : memref<1000000xf32, #tpu.memory_space<hbm>> -> memref<576xf32, #tpu.memory_space<hbm>>
        %dma_wait3A_273 = arith.constant 0 : i32
        %dma_wait3A_274 = tpu.memref_slice %arg14[%dma_wait3A_273] : memref<8192xf32, #tpu.memory_space<vmem>> -> memref<576xf32, #tpu.memory_space<vmem>>
        %dma_wait3A_275 = arith.constant 999424 : i32
        %dma_wait3A_276 = tpu.memref_slice %arg3[%dma_wait3A_275] : memref<1000000xf32, #tpu.memory_space<hbm>> -> memref<576xf32, #tpu.memory_space<hbm>>
        tpu.wait_dma2 semaphore(%run_scoped3A : memref<!tpu.dma_semaphore, #tpu.memory_space<semaphore_mem>>) src(%dma_wait3A_276 : memref<576xf32, #tpu.memory_space<hbm>>) dst(%dma_wait3A_274 : memref<576xf32, #tpu.memory_space<vmem>>)
        tpu.yield
      }) : () -> ()
      %scan3A = arith.constant 0 : i32
      %scan3A_42 = arith.constant 36 : i32
      %scan3A_43 = arith.addi %scan3A, %scan3A_42 : i32
      %scan3A_44 = arith.constant 1 : i32
      scf.for %scan3A_261 = %scan3A to %scan3A_43 step %scan3A_44  : i32 {
        %mul3A_262 = arith.constant 1 : i32
        %mul3A_263 = arith.muli %scan3A_261, %mul3A_262 : i32
        %add3A_264 = arith.constant 0 : i32
        %add3A_265 = arith.addi %add3A_264, %mul3A_263 : i32
        %jit3A_266 = arith.constant 8 : i32
        %div3A_267 = arith.divsi %add3A_265, %jit3A_266 : i32
        %sign3A_268 = arith.constant 0 : i32
        %sign3A_269 = arith.cmpi sgt, %add3A_265, %sign3A_268 : i32
        %sign3A_270 = arith.extui %sign3A_269 : i1 to i32
        %sign3A_271 = arith.constant 0 : i32
        %sign3A_272 = arith.cmpi slt, %add3A_265, %sign3A_271 : i32
        %sign3A_273 = arith.extui %sign3A_272 : i1 to i32
        %sign3A_274 = arith.subi %sign3A_270, %sign3A_273 : i32
        %sign3A_275 = arith.constant 0 : i32
        %sign3A_276 = arith.cmpi sgt, %jit3A_266, %sign3A_275 : i32
        %sign3A_277 = arith.extui %sign3A_276 : i1 to i32
        %sign3A_278 = arith.constant 0 : i32
        %sign3A_279 = arith.cmpi slt, %jit3A_266, %sign3A_278 : i32
        %sign3A_280 = arith.extui %sign3A_279 : i1 to i32
        %sign3A_281 = arith.subi %sign3A_277, %sign3A_280 : i32
        %ne3A_282 = arith.cmpi ne, %sign3A_274, %sign3A_281 : i32
        %rem3A_283 = arith.remsi %add3A_265, %jit3A_266 : i32
        %ne3A_284 = arith.constant 0 : i32
        %ne3A_285 = arith.cmpi ne, %rem3A_283, %ne3A_284 : i32
        %and3A_286 = arith.andi %ne3A_282, %ne3A_285 : i1
        %sub3A_287 = arith.constant 1 : i32
        %sub3A_288 = arith.subi %div3A_267, %sub3A_287 : i32
        %select_n3A_289 = arith.select %and3A_286, %sub3A_288, %div3A_267 : i32
        %jit3A_290 = arith.constant 8 : i32
        %eq3A_291 = arith.constant 0 : i32
        %eq3A_292 = arith.cmpi eq, %jit3A_290, %eq3A_291 : i32
        %jit3A_293 = arith.constant 1 : i32
        %select_n3A_294 = arith.select %eq3A_292, %jit3A_293, %jit3A_290 : i32
        %rem3A_295 = arith.remsi %add3A_265, %select_n3A_294 : i32
        %ne3A_296 = arith.constant 0 : i32
        %ne3A_297 = arith.cmpi ne, %rem3A_295, %ne3A_296 : i32
        %lt3A_298 = arith.constant 0 : i32
        %lt3A_299 = arith.cmpi slt, %rem3A_295, %lt3A_298 : i32
        %lt3A_300 = arith.constant 0 : i32
        %lt3A_301 = arith.cmpi slt, %select_n3A_294, %lt3A_300 : i32
        %ne3A_302 = arith.xori %lt3A_299, %lt3A_301 : i1
        %and3A_303 = arith.andi %ne3A_302, %ne3A_297 : i1
        %add3A_304 = arith.addi %rem3A_295, %select_n3A_294 : i32
        %select_n3A_305 = arith.select %and3A_303, %add3A_304, %rem3A_295 : i32
        %mul3A_306 = arith.constant 16 : i32
        %mul3A_307 = arith.muli %select_n3A_305, %mul3A_306 : i32
        %mul3A_308 = arith.constant 16 : i32
        %mul3A_309 = arith.muli %mul3A_308, %add3A_265 : i32
        %get3A = arith.index_cast %mul3A_309 : i32 to index
        %get3A_310 = tpu.vector_load %arg13[%get3A] {strides = array<i32>} : memref<8192xf32, #tpu.memory_space<vmem>>, vector<16xf32>,
        %mul3A_311 = arith.constant 16 : i32
        %mul3A_312 = arith.muli %mul3A_311, %add3A_265 : i32
        %get3A_313 = arith.index_cast %mul3A_312 : i32 to index
        %get3A_314 = tpu.vector_load %arg14[%get3A_313] {strides = array<i32>} : memref<8192xf32, #tpu.memory_space<vmem>>, vector<16xf32>,
        %mul3A_315 = arith.constant 1.023000e+03 : f32
        %mul3A_316 = vector.broadcast %mul3A_315 : f32 to vector<16xf32>
        %mul3A_317 = arith.mulf %get3A_310, %mul3A_316 : vector<16xf32>
        %convert_element_type3A_318 = arith.fptosi %mul3A_317 : vector<16xf32> to vector<16xi32>
        %mul3A_319 = arith.constant 1.023000e+03 : f32
        %mul3A_320 = vector.broadcast %mul3A_319 : f32 to vector<16xf32>
        %mul3A_321 = arith.mulf %get3A_314, %mul3A_320 : vector<16xf32>
        %convert_element_type3A_322 = arith.fptosi %mul3A_321 : vector<16xf32> to vector<16xi32>
        %shift_left3A = arith.constant 10 : i32
        %shift_left3A_323 = vector.broadcast %shift_left3A : i32 to vector<16xi32>
        %shift_left3A_324 = arith.shli %convert_element_type3A_322, %shift_left3A_323 : vector<16xi32>
        %add3A_325 = arith.addi %convert_element_type3A_318, %shift_left3A_324 : vector<16xi32>
        %mul3A_326 = arith.constant 2.047000e+03 : f32
        %mul3A_327 = vector.broadcast %mul3A_326 : f32 to vector<16xf32>
        %mul3A_328 = arith.mulf %get3A_310, %mul3A_327 : vector<16xf32>
        %convert_element_type3A_329 = arith.fptosi %mul3A_328 : vector<16xf32> to vector<16xi32>
        %mul3A_330 = arith.constant 2.047000e+03 : f32
        %mul3A_331 = vector.broadcast %mul3A_330 : f32 to vector<16xf32>
        %mul3A_332 = arith.mulf %get3A_314, %mul3A_331 : vector<16xf32>
        %convert_element_type3A_333 = arith.fptosi %mul3A_332 : vector<16xf32> to vector<16xi32>
        %shift_left3A_334 = arith.constant 11 : i32
        %shift_left3A_335 = vector.broadcast %shift_left3A_334 : i32 to vector<16xi32>
        %shift_left3A_336 = arith.shli %convert_element_type3A_333, %shift_left3A_335 : vector<16xi32>
        %add3A_337 = arith.addi %convert_element_type3A_329, %shift_left3A_336 : vector<16xi32>
        %swap3A_338 = arith.index_cast %select_n3A_289 : i32 to index
        %swap3A_339 = arith.index_cast %mul3A_307 : i32 to index
        %swap3A_340 = tpu.vector_load %arg15[%swap3A_338, %swap3A_339] {strides = array<i32>} : memref<64x128xi32, #tpu.memory_space<vmem>>, vector<16xi32>,
        tpu.vector_store %arg15[%swap3A_338, %swap3A_339], %add3A_325 {strides = array<i32>} : memref<64x128xi32, #tpu.memory_space<vmem>>, vector<16xi32>,
        %swap3A_341 = arith.index_cast %select_n3A_289 : i32 to index
        %swap3A_342 = arith.index_cast %mul3A_307 : i32 to index
        %swap3A_343 = tpu.vector_load %arg16[%swap3A_341, %swap3A_342] {strides = array<i32>} : memref<64x128xi32, #tpu.memory_space<vmem>>, vector<16xi32>,
        tpu.vector_store %arg16[%swap3A_341, %swap3A_342], %add3A_337 {strides = array<i32>} : memref<64x128xi32, #tpu.memory_space<vmem>>, vector<16xi32>,
      }
      %scan3A_45 = arith.constant 36 : i32
      %swap3A = arith.constant 4 : i32
      %swap3A_46 = arith.index_cast %swap3A : i32 to index
      %swap3A_47 = arith.constant 64 : index
      %swap3A_48 = tpu.vector_load %arg15[%swap3A_46, %swap3A_47] {strides = array<i32>} : memref<64x128xi32, #tpu.memory_space<vmem>>, vector<16xi32>,
      tpu.vector_store %arg15[%swap3A_46, %swap3A_47], %broadcast_in_dim3A_1 {strides = array<i32>} : memref<64x128xi32, #tpu.memory_space<vmem>>, vector<16xi32>,
      %swap3A_49 = arith.constant 4 : i32
      %swap3A_50 = arith.index_cast %swap3A_49 : i32 to index
      %swap3A_51 = arith.constant 64 : index
      %swap3A_52 = tpu.vector_load %arg16[%swap3A_50, %swap3A_51] {strides = array<i32>} : memref<64x128xi32, #tpu.memory_space<vmem>>, vector<16xi32>,
      tpu.vector_store %arg16[%swap3A_50, %swap3A_51], %broadcast_in_dim3A_1 {strides = array<i32>} : memref<64x128xi32, #tpu.memory_space<vmem>>, vector<16xi32>,
      %swap3A_53 = arith.constant 4 : i32
      %swap3A_54 = arith.index_cast %swap3A_53 : i32 to index
      %swap3A_55 = arith.constant 80 : index
      %swap3A_56 = tpu.vector_load %arg15[%swap3A_54, %swap3A_55] {strides = array<i32>} : memref<64x128xi32, #tpu.memory_space<vmem>>, vector<16xi32>,
      tpu.vector_store %arg15[%swap3A_54, %swap3A_55], %broadcast_in_dim3A_1 {strides = array<i32>} : memref<64x128xi32, #tpu.memory_space<vmem>>, vector<16xi32>,
      %swap3A_57 = arith.constant 4 : i32
      %swap3A_58 = arith.index_cast %swap3A_57 : i32 to index
      %swap3A_59 = arith.constant 80 : index
      %swap3A_60 = tpu.vector_load %arg16[%swap3A_58, %swap3A_59] {strides = array<i32>} : memref<64x128xi32, #tpu.memory_space<vmem>>, vector<16xi32>,
      tpu.vector_store %arg16[%swap3A_58, %swap3A_59], %broadcast_in_dim3A_1 {strides = array<i32>} : memref<64x128xi32, #tpu.memory_space<vmem>>, vector<16xi32>,
      %swap3A_61 = arith.constant 4 : i32
      %swap3A_62 = arith.index_cast %swap3A_61 : i32 to index
      %swap3A_63 = arith.constant 96 : index
      %swap3A_64 = tpu.vector_load %arg15[%swap3A_62, %swap3A_63] {strides = array<i32>} : memref<64x128xi32, #tpu.memory_space<vmem>>, vector<16xi32>,
      tpu.vector_store %arg15[%swap3A_62, %swap3A_63], %broadcast_in_dim3A_1 {strides = array<i32>} : memref<64x128xi32, #tpu.memory_space<vmem>>, vector<16xi32>,
      %swap3A_65 = arith.constant 4 : i32
      %swap3A_66 = arith.index_cast %swap3A_65 : i32 to index
      %swap3A_67 = arith.constant 96 : index
      %swap3A_68 = tpu.vector_load %arg16[%swap3A_66, %swap3A_67] {strides = array<i32>} : memref<64x128xi32, #tpu.memory_space<vmem>>, vector<16xi32>,
      tpu.vector_store %arg16[%swap3A_66, %swap3A_67], %broadcast_in_dim3A_1 {strides = array<i32>} : memref<64x128xi32, #tpu.memory_space<vmem>>, vector<16xi32>,
      %swap3A_69 = arith.constant 4 : i32
      %swap3A_70 = arith.index_cast %swap3A_69 : i32 to index
      %swap3A_71 = arith.constant 112 : index
      %swap3A_72 = tpu.vector_load %arg15[%swap3A_70, %swap3A_71] {strides = array<i32>} : memref<64x128xi32, #tpu.memory_space<vmem>>, vector<16xi32>,
      tpu.vector_store %arg15[%swap3A_70, %swap3A_71], %broadcast_in_dim3A_1 {strides = array<i32>} : memref<64x128xi32, #tpu.memory_space<vmem>>, vector<16xi32>,
      %swap3A_73 = arith.constant 4 : i32
      %swap3A_74 = arith.index_cast %swap3A_73 : i32 to index
      %swap3A_75 = arith.constant 112 : index
      %swap3A_76 = tpu.vector_load %arg16[%swap3A_74, %swap3A_75] {strides = array<i32>} : memref<64x128xi32, #tpu.memory_space<vmem>>, vector<16xi32>,
      tpu.vector_store %arg16[%swap3A_74, %swap3A_75], %broadcast_in_dim3A_1 {strides = array<i32>} : memref<64x128xi32, #tpu.memory_space<vmem>>, vector<16xi32>,
      %scan3A_77 = arith.constant 0 : i32
      %scan3A_78 = arith.constant 4 : i32
      %scan3A_79 = arith.addi %scan3A_77, %scan3A_78 : i32
      %scan3A_80 = arith.constant 1 : i32
      scf.for %scan3A_261 = %scan3A_77 to %scan3A_79 step %scan3A_80  : i32 {
        %mul3A_262 = arith.constant 1 : i32
        %mul3A_263 = arith.muli %scan3A_261, %mul3A_262 : i32
        %add3A_264 = arith.constant 0 : i32
        %add3A_265 = arith.addi %add3A_264, %mul3A_263 : i32
        %jit3A_266 = arith.constant 4 : i32
        %eq3A_267 = arith.constant 0 : i32
        %eq3A_268 = arith.cmpi eq, %jit3A_266, %eq3A_267 : i32
        %jit3A_269 = arith.constant 1 : i32
        %select_n3A_270 = arith.select %eq3A_268, %jit3A_269, %jit3A_266 : i32
        %rem3A_271 = arith.remsi %add3A_265, %select_n3A_270 : i32
        %ne3A_272 = arith.constant 0 : i32
        %ne3A_273 = arith.cmpi ne, %rem3A_271, %ne3A_272 : i32
        %lt3A_274 = arith.constant 0 : i32
        %lt3A_275 = arith.cmpi slt, %rem3A_271, %lt3A_274 : i32
        %lt3A_276 = arith.constant 0 : i32
        %lt3A_277 = arith.cmpi slt, %select_n3A_270, %lt3A_276 : i32
        %ne3A_278 = arith.xori %lt3A_275, %lt3A_277 : i1
        %and3A_279 = arith.andi %ne3A_278, %ne3A_273 : i1
        %add3A_280 = arith.addi %rem3A_271, %select_n3A_270 : i32
        %select_n3A_281 = arith.select %and3A_279, %add3A_280, %rem3A_271 : i32
        %mul3A_282 = arith.constant 128 : i32
        %mul3A_283 = arith.muli %add3A_265, %mul3A_282 : i32
        %dma_start3A_284 = arith.constant 0 : i32
        %dma_start3A_285 = tpu.memref_slice %arg17[%mul3A_283] : memref<8192xf32, #tpu.memory_space<vmem>> -> memref<128xf32, #tpu.memory_space<vmem>>
        %dma_start3A_286 = arith.constant 0 : i32
        %dma_start3A_287 = tpu.memref_slice %arg15[%add3A_265, %dma_start3A_286] : memref<64x128xi32, #tpu.memory_space<vmem>> -> memref<1x128xi32, #tpu.memory_space<vmem>>
        %dma_start3A_288 = tpu.memref_squeeze %dma_start3A_287 : memref<1x128xi32, #tpu.memory_space<vmem>> -> memref<128xi32, #tpu.memory_space<vmem>>
        %dma_start3A_289 = arith.constant 0 : i32
        %dma_start3A_290 = tpu.memref_slice %arg4[%dma_start3A_289] : memref<1048576xf32, #tpu.memory_space<hbm>> -> memref<1048576xf32, #tpu.memory_space<hbm>>
        %dma_start3A_291 = tpu.memref_slice %arg26[%dma_start3A_284, %select_n3A_281] : memref<6x4x!tpu.dma_semaphore, #tpu.memory_space<semaphore_mem>> -> memref<1x1x!tpu.dma_semaphore, #tpu.memory_space<semaphore_mem>>
        %dma_start3A_292 = tpu.memref_squeeze %dma_start3A_291 : memref<1x1x!tpu.dma_semaphore, #tpu.memory_space<semaphore_mem>> -> memref<!tpu.dma_semaphore, #tpu.memory_space<semaphore_mem>>
        tpu.enqueue_indirect_dma source(%dma_start3A_290 : memref<1048576xf32, #tpu.memory_space<hbm>>) target(%dma_start3A_285 : memref<128xf32, #tpu.memory_space<vmem>>) offsets(%dma_start3A_288 : memref<128xi32, #tpu.memory_space<vmem>>) semaphore(%dma_start3A_292 : memref<!tpu.dma_semaphore, #tpu.memory_space<semaphore_mem>>)
        %mul3A_293 = arith.constant 128 : i32
        %mul3A_294 = arith.muli %add3A_265, %mul3A_293 : i32
        %dma_start3A_295 = arith.constant 3 : i32
        %dma_start3A_296 = tpu.memref_slice %arg20[%mul3A_294] : memref<8192xf32, #tpu.memory_space<vmem>> -> memref<128xf32, #tpu.memory_space<vmem>>
        %dma_start3A_297 = arith.constant 0 : i32
        %dma_start3A_298 = tpu.memref_slice %arg16[%add3A_265, %dma_start3A_297] : memref<64x128xi32, #tpu.memory_space<vmem>> -> memref<1x128xi32, #tpu.memory_space<vmem>>
        %dma_start3A_299 = tpu.memref_squeeze %dma_start3A_298 : memref<1x128xi32, #tpu.memory_space<vmem>> -> memref<128xi32, #tpu.memory_space<vmem>>
        %dma_start3A_300 = arith.constant 0 : i32
        %dma_start3A_301 = tpu.memref_slice %arg7[%dma_start3A_300] : memref<4194304xf32, #tpu.memory_space<hbm>> -> memref<4194304xf32, #tpu.memory_space<hbm>>
        %dma_start3A_302 = tpu.memref_slice %arg26[%dma_start3A_295, %select_n3A_281] : memref<6x4x!tpu.dma_semaphore, #tpu.memory_space<semaphore_mem>> -> memref<1x1x!tpu.dma_semaphore, #tpu.memory_space<semaphore_mem>>
        %dma_start3A_303 = tpu.memref_squeeze %dma_start3A_302 : memref<1x1x!tpu.dma_semaphore, #tpu.memory_space<semaphore_mem>> -> memref<!tpu.dma_semaphore, #tpu.memory_space<semaphore_mem>>
        tpu.enqueue_indirect_dma source(%dma_start3A_301 : memref<4194304xf32, #tpu.memory_space<hbm>>) target(%dma_start3A_296 : memref<128xf32, #tpu.memory_space<vmem>>) offsets(%dma_start3A_299 : memref<128xi32, #tpu.memory_space<vmem>>) semaphore(%dma_start3A_303 : memref<!tpu.dma_semaphore, #tpu.memory_space<semaphore_mem>>)
        %mul3A_304 = arith.constant 128 : i32
        %mul3A_305 = arith.muli %add3A_265, %mul3A_304 : i32
        %dma_start3A_306 = arith.constant 1 : i32
        %dma_start3A_307 = tpu.memref_slice %arg18[%mul3A_305] : memref<8192xf32, #tpu.memory_space<vmem>> -> memref<128xf32, #tpu.memory_space<vmem>>
        %dma_start3A_308 = arith.constant 0 : i32
        %dma_start3A_309 = tpu.memref_slice %arg15[%add3A_265, %dma_start3A_308] : memref<64x128xi32, #tpu.memory_space<vmem>> -> memref<1x128xi32, #tpu.memory_space<vmem>>
        %dma_start3A_310 = tpu.memref_squeeze %dma_start3A_309 : memref<1x128xi32, #tpu.memory_space<vmem>> -> memref<128xi32, #tpu.memory_space<vmem>>
        %dma_start3A_311 = arith.constant 0 : i32
        %dma_start3A_312 = tpu.memref_slice %arg5[%dma_start3A_311] : memref<1048576xf32, #tpu.memory_space<hbm>> -> memref<1048576xf32, #tpu.memory_space<hbm>>
        %dma_start3A_313 = tpu.memref_slice %arg26[%dma_start3A_306, %select_n3A_281] : memref<6x4x!tpu.dma_semaphore, #tpu.memory_space<semaphore_mem>> -> memref<1x1x!tpu.dma_semaphore, #tpu.memory_space<semaphore_mem>>
        %dma_start3A_314 = tpu.memref_squeeze %dma_start3A_313 : memref<1x1x!tpu.dma_semaphore, #tpu.memory_space<semaphore_mem>> -> memref<!tpu.dma_semaphore, #tpu.memory_space<semaphore_mem>>
        tpu.enqueue_indirect_dma source(%dma_start3A_312 : memref<1048576xf32, #tpu.memory_space<hbm>>) target(%dma_start3A_307 : memref<128xf32, #tpu.memory_space<vmem>>) offsets(%dma_start3A_310 : memref<128xi32, #tpu.memory_space<vmem>>) semaphore(%dma_start3A_314 : memref<!tpu.dma_semaphore, #tpu.memory_space<semaphore_mem>>)
        %mul3A_315 = arith.constant 128 : i32
        %mul3A_316 = arith.muli %add3A_265, %mul3A_315 : i32
        %dma_start3A_317 = arith.constant 4 : i32
        %dma_start3A_318 = tpu.memref_slice %arg21[%mul3A_316] : memref<8192xf32, #tpu.memory_space<vmem>> -> memref<128xf32, #tpu.memory_space<vmem>>
        %dma_start3A_319 = arith.constant 0 : i32
        %dma_start3A_320 = tpu.memref_slice %arg16[%add3A_265, %dma_start3A_319] : memref<64x128xi32, #tpu.memory_space<vmem>> -> memref<1x128xi32, #tpu.memory_space<vmem>>
        %dma_start3A_321 = tpu.memref_squeeze %dma_start3A_320 : memref<1x128xi32, #tpu.memory_space<vmem>> -> memref<128xi32, #tpu.memory_space<vmem>>
        %dma_start3A_322 = arith.constant 0 : i32
        %dma_start3A_323 = tpu.memref_slice %arg8[%dma_start3A_322] : memref<4194304xf32, #tpu.memory_space<hbm>> -> memref<4194304xf32, #tpu.memory_space<hbm>>
        %dma_start3A_324 = tpu.memref_slice %arg26[%dma_start3A_317, %select_n3A_281] : memref<6x4x!tpu.dma_semaphore, #tpu.memory_space<semaphore_mem>> -> memref<1x1x!tpu.dma_semaphore, #tpu.memory_space<semaphore_mem>>
        %dma_start3A_325 = tpu.memref_squeeze %dma_start3A_324 : memref<1x1x!tpu.dma_semaphore, #tpu.memory_space<semaphore_mem>> -> memref<!tpu.dma_semaphore, #tpu.memory_space<semaphore_mem>>
        tpu.enqueue_indirect_dma source(%dma_start3A_323 : memref<4194304xf32, #tpu.memory_space<hbm>>) target(%dma_start3A_318 : memref<128xf32, #tpu.memory_space<vmem>>) offsets(%dma_start3A_321 : memref<128xi32, #tpu.memory_space<vmem>>) semaphore(%dma_start3A_325 : memref<!tpu.dma_semaphore, #tpu.memory_space<semaphore_mem>>)
        %mul3A_326 = arith.constant 128 : i32
        %mul3A_327 = arith.muli %add3A_265, %mul3A_326 : i32
        %dma_start3A_328 = arith.constant 2 : i32
        %dma_start3A_329 = tpu.memref_slice %arg19[%mul3A_327] : memref<8192xf32, #tpu.memory_space<vmem>> -> memref<128xf32, #tpu.memory_space<vmem>>
        %dma_start3A_330 = arith.constant 0 : i32
        %dma_start3A_331 = tpu.memref_slice %arg15[%add3A_265, %dma_start3A_330] : memref<64x128xi32, #tpu.memory_space<vmem>> -> memref<1x128xi32, #tpu.memory_space<vmem>>
        %dma_start3A_332 = tpu.memref_squeeze %dma_start3A_331 : memref<1x128xi32, #tpu.memory_space<vmem>> -> memref<128xi32, #tpu.memory_space<vmem>>
        %dma_start3A_333 = arith.constant 0 : i32
        %dma_start3A_334 = tpu.memref_slice %arg6[%dma_start3A_333] : memref<1048576xf32, #tpu.memory_space<hbm>> -> memref<1048576xf32, #tpu.memory_space<hbm>>
        %dma_start3A_335 = tpu.memref_slice %arg26[%dma_start3A_328, %select_n3A_281] : memref<6x4x!tpu.dma_semaphore, #tpu.memory_space<semaphore_mem>> -> memref<1x1x!tpu.dma_semaphore, #tpu.memory_space<semaphore_mem>>
        %dma_start3A_336 = tpu.memref_squeeze %dma_start3A_335 : memref<1x1x!tpu.dma_semaphore, #tpu.memory_space<semaphore_mem>> -> memref<!tpu.dma_semaphore, #tpu.memory_space<semaphore_mem>>
        tpu.enqueue_indirect_dma source(%dma_start3A_334 : memref<1048576xf32, #tpu.memory_space<hbm>>) target(%dma_start3A_329 : memref<128xf32, #tpu.memory_space<vmem>>) offsets(%dma_start3A_332 : memref<128xi32, #tpu.memory_space<vmem>>) semaphore(%dma_start3A_336 : memref<!tpu.dma_semaphore, #tpu.memory_space<semaphore_mem>>)
        %mul3A_337 = arith.constant 128 : i32
        %mul3A_338 = arith.muli %add3A_265, %mul3A_337 : i32
        %dma_start3A_339 = arith.constant 5 : i32
        %dma_start3A_340 = tpu.memref_slice %arg22[%mul3A_338] : memref<8192xf32, #tpu.memory_space<vmem>> -> memref<128xf32, #tpu.memory_space<vmem>>
        %dma_start3A_341 = arith.constant 0 : i32
        %dma_start3A_342 = tpu.memref_slice %arg16[%add3A_265, %dma_start3A_341] : memref<64x128xi32, #tpu.memory_space<vmem>> -> memref<1x128xi32, #tpu.memory_space<vmem>>
        %dma_start3A_343 = tpu.memref_squeeze %dma_start3A_342 : memref<1x128xi32, #tpu.memory_space<vmem>> -> memref<128xi32, #tpu.memory_space<vmem>>
        %dma_start3A_344 = arith.constant 0 : i32
        %dma_start3A_345 = tpu.memref_slice %arg9[%dma_start3A_344] : memref<4194304xf32, #tpu.memory_space<hbm>> -> memref<4194304xf32, #tpu.memory_space<hbm>>
        %dma_start3A_346 = tpu.memref_slice %arg26[%dma_start3A_339, %select_n3A_281] : memref<6x4x!tpu.dma_semaphore, #tpu.memory_space<semaphore_mem>> -> memref<1x1x!tpu.dma_semaphore, #tpu.memory_space<semaphore_mem>>
        %dma_start3A_347 = tpu.memref_squeeze %dma_start3A_346 : memref<1x1x!tpu.dma_semaphore, #tpu.memory_space<semaphore_mem>> -> memref<!tpu.dma_semaphore, #tpu.memory_space<semaphore_mem>>
        tpu.enqueue_indirect_dma source(%dma_start3A_345 : memref<4194304xf32, #tpu.memory_space<hbm>>) target(%dma_start3A_340 : memref<128xf32, #tpu.memory_space<vmem>>) offsets(%dma_start3A_343 : memref<128xi32, #tpu.memory_space<vmem>>) semaphore(%dma_start3A_347 : memref<!tpu.dma_semaphore, #tpu.memory_space<semaphore_mem>>)
      }
      %scan3A_81 = arith.constant 4 : i32
      %scan3A_82 = arith.constant 0 : i32
      %mul3A_83 = arith.constant 1 : i32
      %mul3A_84 = arith.muli %scan3A_82, %mul3A_83 : i32
      %add3A_85 = arith.constant 4 : i32
      %add3A_86 = arith.addi %add3A_85, %mul3A_84 : i32
      %jit3A_87 = arith.constant 4 : i32
      %eq3A_88 = arith.constant 0 : i32
      %eq3A_89 = arith.cmpi eq, %jit3A_87, %eq3A_88 : i32
      %jit3A_90 = arith.constant 1 : i32
      %select_n3A_91 = arith.select %eq3A_89, %jit3A_90, %jit3A_87 : i32
      %rem3A_92 = arith.remsi %add3A_86, %select_n3A_91 : i32
      %ne3A_93 = arith.constant 0 : i32
      %ne3A_94 = arith.cmpi ne, %rem3A_92, %ne3A_93 : i32
      %lt3A = arith.constant 0 : i32
      %lt3A_95 = arith.cmpi slt, %rem3A_92, %lt3A : i32
      %lt3A_96 = arith.constant 0 : i32
      %lt3A_97 = arith.cmpi slt, %select_n3A_91, %lt3A_96 : i32
      %ne3A_98 = arith.xori %lt3A_95, %lt3A_97 : i1
      %and3A_99 = arith.andi %ne3A_98, %ne3A_94 : i1
      %add3A_100 = arith.addi %rem3A_92, %select_n3A_91 : i32
      %select_n3A_101 = arith.select %and3A_99, %add3A_100, %rem3A_92 : i32
      %mul3A_102 = arith.constant 128 : i32
      %mul3A_103 = arith.muli %add3A_86, %mul3A_102 : i32
      %dma_start3A = arith.constant 0 : i32
      %dma_start3A_104 = tpu.memref_slice %arg17[%mul3A_103] : memref<8192xf32, #tpu.memory_space<vmem>> -> memref<128xf32, #tpu.memory_space<vmem>>
      %dma_start3A_105 = arith.constant 0 : i32
      %dma_start3A_106 = tpu.memref_slice %arg15[%add3A_86, %dma_start3A_105] : memref<64x128xi32, #tpu.memory_space<vmem>> -> memref<1x128xi32, #tpu.memory_space<vmem>>
      %dma_start3A_107 = tpu.memref_squeeze %dma_start3A_106 : memref<1x128xi32, #tpu.memory_space<vmem>> -> memref<128xi32, #tpu.memory_space<vmem>>
      %dma_start3A_108 = arith.constant 0 : i32
      %dma_start3A_109 = tpu.memref_slice %arg4[%dma_start3A_108] : memref<1048576xf32, #tpu.memory_space<hbm>> -> memref<1048576xf32, #tpu.memory_space<hbm>>
      %dma_start3A_110 = tpu.memref_slice %arg26[%dma_start3A, %select_n3A_101] : memref<6x4x!tpu.dma_semaphore, #tpu.memory_space<semaphore_mem>> -> memref<1x1x!tpu.dma_semaphore, #tpu.memory_space<semaphore_mem>>
      %dma_start3A_111 = tpu.memref_squeeze %dma_start3A_110 : memref<1x1x!tpu.dma_semaphore, #tpu.memory_space<semaphore_mem>> -> memref<!tpu.dma_semaphore, #tpu.memory_space<semaphore_mem>>
      tpu.enqueue_indirect_dma source(%dma_start3A_109 : memref<1048576xf32, #tpu.memory_space<hbm>>) target(%dma_start3A_104 : memref<128xf32, #tpu.memory_space<vmem>>) offsets(%dma_start3A_107 : memref<128xi32, #tpu.memory_space<vmem>>) semaphore(%dma_start3A_111 : memref<!tpu.dma_semaphore, #tpu.memory_space<semaphore_mem>>)
      %mul3A_112 = arith.constant 128 : i32
      %mul3A_113 = arith.muli %add3A_86, %mul3A_112 : i32
      %dma_start3A_114 = arith.constant 3 : i32
      %dma_start3A_115 = tpu.memref_slice %arg20[%mul3A_113] : memref<8192xf32, #tpu.memory_space<vmem>> -> memref<128xf32, #tpu.memory_space<vmem>>
      %dma_start3A_116 = arith.constant 0 : i32
      %dma_start3A_117 = tpu.memref_slice %arg16[%add3A_86, %dma_start3A_116] : memref<64x128xi32, #tpu.memory_space<vmem>> -> memref<1x128xi32, #tpu.memory_space<vmem>>
      %dma_start3A_118 = tpu.memref_squeeze %dma_start3A_117 : memref<1x128xi32, #tpu.memory_space<vmem>> -> memref<128xi32, #tpu.memory_space<vmem>>
      %dma_start3A_119 = arith.constant 0 : i32
      %dma_start3A_120 = tpu.memref_slice %arg7[%dma_start3A_119] : memref<4194304xf32, #tpu.memory_space<hbm>> -> memref<4194304xf32, #tpu.memory_space<hbm>>
      %dma_start3A_121 = tpu.memref_slice %arg26[%dma_start3A_114, %select_n3A_101] : memref<6x4x!tpu.dma_semaphore, #tpu.memory_space<semaphore_mem>> -> memref<1x1x!tpu.dma_semaphore, #tpu.memory_space<semaphore_mem>>
      %dma_start3A_122 = tpu.memref_squeeze %dma_start3A_121 : memref<1x1x!tpu.dma_semaphore, #tpu.memory_space<semaphore_mem>> -> memref<!tpu.dma_semaphore, #tpu.memory_space<semaphore_mem>>
      tpu.enqueue_indirect_dma source(%dma_start3A_120 : memref<4194304xf32, #tpu.memory_space<hbm>>) target(%dma_start3A_115 : memref<128xf32, #tpu.memory_space<vmem>>) offsets(%dma_start3A_118 : memref<128xi32, #tpu.memory_space<vmem>>) semaphore(%dma_start3A_122 : memref<!tpu.dma_semaphore, #tpu.memory_space<semaphore_mem>>)
      %mul3A_123 = arith.constant 128 : i32
      %mul3A_124 = arith.muli %add3A_86, %mul3A_123 : i32
      %dma_start3A_125 = arith.constant 1 : i32
      %dma_start3A_126 = tpu.memref_slice %arg18[%mul3A_124] : memref<8192xf32, #tpu.memory_space<vmem>> -> memref<128xf32, #tpu.memory_space<vmem>>
      %dma_start3A_127 = arith.constant 0 : i32
      %dma_start3A_128 = tpu.memref_slice %arg15[%add3A_86, %dma_start3A_127] : memref<64x128xi32, #tpu.memory_space<vmem>> -> memref<1x128xi32, #tpu.memory_space<vmem>>
      %dma_start3A_129 = tpu.memref_squeeze %dma_start3A_128 : memref<1x128xi32, #tpu.memory_space<vmem>> -> memref<128xi32, #tpu.memory_space<vmem>>
      %dma_start3A_130 = arith.constant 0 : i32
      %dma_start3A_131 = tpu.memref_slice %arg5[%dma_start3A_130] : memref<1048576xf32, #tpu.memory_space<hbm>> -> memref<1048576xf32, #tpu.memory_space<hbm>>
      %dma_start3A_132 = tpu.memref_slice %arg26[%dma_start3A_125, %select_n3A_101] : memref<6x4x!tpu.dma_semaphore, #tpu.memory_space<semaphore_mem>> -> memref<1x1x!tpu.dma_semaphore, #tpu.memory_space<semaphore_mem>>
      %dma_start3A_133 = tpu.memref_squeeze %dma_start3A_132 : memref<1x1x!tpu.dma_semaphore, #tpu.memory_space<semaphore_mem>> -> memref<!tpu.dma_semaphore, #tpu.memory_space<semaphore_mem>>
      tpu.enqueue_indirect_dma source(%dma_start3A_131 : memref<1048576xf32, #tpu.memory_space<hbm>>) target(%dma_start3A_126 : memref<128xf32, #tpu.memory_space<vmem>>) offsets(%dma_start3A_129 : memref<128xi32, #tpu.memory_space<vmem>>) semaphore(%dma_start3A_133 : memref<!tpu.dma_semaphore, #tpu.memory_space<semaphore_mem>>)
      %mul3A_134 = arith.constant 128 : i32
      %mul3A_135 = arith.muli %add3A_86, %mul3A_134 : i32
      %dma_start3A_136 = arith.constant 4 : i32
      %dma_start3A_137 = tpu.memref_slice %arg21[%mul3A_135] : memref<8192xf32, #tpu.memory_space<vmem>> -> memref<128xf32, #tpu.memory_space<vmem>>
      %dma_start3A_138 = arith.constant 0 : i32
      %dma_start3A_139 = tpu.memref_slice %arg16[%add3A_86, %dma_start3A_138] : memref<64x128xi32, #tpu.memory_space<vmem>> -> memref<1x128xi32, #tpu.memory_space<vmem>>
      %dma_start3A_140 = tpu.memref_squeeze %dma_start3A_139 : memref<1x128xi32, #tpu.memory_space<vmem>> -> memref<128xi32, #tpu.memory_space<vmem>>
      %dma_start3A_141 = arith.constant 0 : i32
      %dma_start3A_142 = tpu.memref_slice %arg8[%dma_start3A_141] : memref<4194304xf32, #tpu.memory_space<hbm>> -> memref<4194304xf32, #tpu.memory_space<hbm>>
      %dma_start3A_143 = tpu.memref_slice %arg26[%dma_start3A_136, %select_n3A_101] : memref<6x4x!tpu.dma_semaphore, #tpu.memory_space<semaphore_mem>> -> memref<1x1x!tpu.dma_semaphore, #tpu.memory_space<semaphore_mem>>
      %dma_start3A_144 = tpu.memref_squeeze %dma_start3A_143 : memref<1x1x!tpu.dma_semaphore, #tpu.memory_space<semaphore_mem>> -> memref<!tpu.dma_semaphore, #tpu.memory_space<semaphore_mem>>
      tpu.enqueue_indirect_dma source(%dma_start3A_142 : memref<4194304xf32, #tpu.memory_space<hbm>>) target(%dma_start3A_137 : memref<128xf32, #tpu.memory_space<vmem>>) offsets(%dma_start3A_140 : memref<128xi32, #tpu.memory_space<vmem>>) semaphore(%dma_start3A_144 : memref<!tpu.dma_semaphore, #tpu.memory_space<semaphore_mem>>)
      %mul3A_145 = arith.constant 128 : i32
      %mul3A_146 = arith.muli %add3A_86, %mul3A_145 : i32
      %dma_start3A_147 = arith.constant 2 : i32
      %dma_start3A_148 = tpu.memref_slice %arg19[%mul3A_146] : memref<8192xf32, #tpu.memory_space<vmem>> -> memref<128xf32, #tpu.memory_space<vmem>>
      %dma_start3A_149 = arith.constant 0 : i32
      %dma_start3A_150 = tpu.memref_slice %arg15[%add3A_86, %dma_start3A_149] : memref<64x128xi32, #tpu.memory_space<vmem>> -> memref<1x128xi32, #tpu.memory_space<vmem>>
      %dma_start3A_151 = tpu.memref_squeeze %dma_start3A_150 : memref<1x128xi32, #tpu.memory_space<vmem>> -> memref<128xi32, #tpu.memory_space<vmem>>
      %dma_start3A_152 = arith.constant 0 : i32
      %dma_start3A_153 = tpu.memref_slice %arg6[%dma_start3A_152] : memref<1048576xf32, #tpu.memory_space<hbm>> -> memref<1048576xf32, #tpu.memory_space<hbm>>
      %dma_start3A_154 = tpu.memref_slice %arg26[%dma_start3A_147, %select_n3A_101] : memref<6x4x!tpu.dma_semaphore, #tpu.memory_space<semaphore_mem>> -> memref<1x1x!tpu.dma_semaphore, #tpu.memory_space<semaphore_mem>>
      %dma_start3A_155 = tpu.memref_squeeze %dma_start3A_154 : memref<1x1x!tpu.dma_semaphore, #tpu.memory_space<semaphore_mem>> -> memref<!tpu.dma_semaphore, #tpu.memory_space<semaphore_mem>>
      tpu.enqueue_indirect_dma source(%dma_start3A_153 : memref<1048576xf32, #tpu.memory_space<hbm>>) target(%dma_start3A_148 : memref<128xf32, #tpu.memory_space<vmem>>) offsets(%dma_start3A_151 : memref<128xi32, #tpu.memory_space<vmem>>) semaphore(%dma_start3A_155 : memref<!tpu.dma_semaphore, #tpu.memory_space<semaphore_mem>>)
      %mul3A_156 = arith.constant 128 : i32
      %mul3A_157 = arith.muli %add3A_86, %mul3A_156 : i32
      %dma_start3A_158 = arith.constant 5 : i32
      %dma_start3A_159 = tpu.memref_slice %arg22[%mul3A_157] : memref<8192xf32, #tpu.memory_space<vmem>> -> memref<128xf32, #tpu.memory_space<vmem>>
      %dma_start3A_160 = arith.constant 0 : i32
      %dma_start3A_161 = tpu.memref_slice %arg16[%add3A_86, %dma_start3A_160] : memref<64x128xi32, #tpu.memory_space<vmem>> -> memref<1x128xi32, #tpu.memory_space<vmem>>
      %dma_start3A_162 = tpu.memref_squeeze %dma_start3A_161 : memref<1x128xi32, #tpu.memory_space<vmem>> -> memref<128xi32, #tpu.memory_space<vmem>>
      %dma_start3A_163 = arith.constant 0 : i32
      %dma_start3A_164 = tpu.memref_slice %arg9[%dma_start3A_163] : memref<4194304xf32, #tpu.memory_space<hbm>> -> memref<4194304xf32, #tpu.memory_space<hbm>>
      %dma_start3A_165 = tpu.memref_slice %arg26[%dma_start3A_158, %select_n3A_101] : memref<6x4x!tpu.dma_semaphore, #tpu.memory_space<semaphore_mem>> -> memref<1x1x!tpu.dma_semaphore, #tpu.memory_space<semaphore_mem>>
      %dma_start3A_166 = tpu.memref_squeeze %dma_start3A_165 : memref<1x1x!tpu.dma_semaphore, #tpu.memory_space<semaphore_mem>> -> memref<!tpu.dma_semaphore, #tpu.memory_space<semaphore_mem>>
      tpu.enqueue_indirect_dma source(%dma_start3A_164 : memref<4194304xf32, #tpu.memory_space<hbm>>) target(%dma_start3A_159 : memref<128xf32, #tpu.memory_space<vmem>>) offsets(%dma_start3A_162 : memref<128xi32, #tpu.memory_space<vmem>>) semaphore(%dma_start3A_166 : memref<!tpu.dma_semaphore, #tpu.memory_space<semaphore_mem>>)
      %sub3A_167 = arith.constant 4 : i32
      %sub3A_168 = arith.subi %add3A_86, %sub3A_167 : i32
      %jit3A_169 = arith.constant 4 : i32
      %eq3A_170 = arith.constant 0 : i32
      %eq3A_171 = arith.cmpi eq, %jit3A_169, %eq3A_170 : i32
      %jit3A_172 = arith.constant 1 : i32
      %select_n3A_173 = arith.select %eq3A_171, %jit3A_172, %jit3A_169 : i32
      %rem3A_174 = arith.remsi %sub3A_168, %select_n3A_173 : i32
      %ne3A_175 = arith.constant 0 : i32
      %ne3A_176 = arith.cmpi ne, %rem3A_174, %ne3A_175 : i32
      %lt3A_177 = arith.constant 0 : i32
      %lt3A_178 = arith.cmpi slt, %rem3A_174, %lt3A_177 : i32
      %lt3A_179 = arith.constant 0 : i32
      %lt3A_180 = arith.cmpi slt, %select_n3A_173, %lt3A_179 : i32
      %ne3A_181 = arith.xori %lt3A_178, %lt3A_180 : i1
      %and3A_182 = arith.andi %ne3A_181, %ne3A_176 : i1
      %add3A_183 = arith.addi %rem3A_174, %select_n3A_173 : i32
      %select_n3A_184 = arith.select %and3A_182, %add3A_183, %rem3A_174 : i32
      %mul3A_185 = arith.constant 128 : i32
      %mul3A_186 = arith.muli %sub3A_168, %mul3A_185 : i32
      %dma_wait3A = arith.constant 0 : i32
      %dma_wait3A_187 = tpu.memref_slice %arg17[%mul3A_186] : memref<8192xf32, #tpu.memory_space<vmem>> -> memref<128xf32, #tpu.memory_space<vmem>>
      %dma_wait3A_188 = arith.constant 0 : i32
      %dma_wait3A_189 = tpu.memref_slice %arg15[%sub3A_168, %dma_wait3A_188] : memref<64x128xi32, #tpu.memory_space<vmem>> -> memref<1x128xi32, #tpu.memory_space<vmem>>
      %dma_wait3A_190 = tpu.memref_squeeze %dma_wait3A_189 : memref<1x128xi32, #tpu.memory_space<vmem>> -> memref<128xi32, #tpu.memory_space<vmem>>
      %dma_wait3A_191 = arith.constant 0 : i32
      %dma_wait3A_192 = tpu.memref_slice %arg4[%dma_wait3A_191] : memref<1048576xf32, #tpu.memory_space<hbm>> -> memref<1048576xf32, #tpu.memory_space<hbm>>
      %dma_wait3A_193 = tpu.memref_slice %arg26[%dma_wait3A, %select_n3A_184] : memref<6x4x!tpu.dma_semaphore, #tpu.memory_space<semaphore_mem>> -> memref<1x1x!tpu.dma_semaphore, #tpu.memory_space<semaphore_mem>>
      %dma_wait3A_194 = tpu.memref_squeeze %dma_wait3A_193 : memref<1x1x!tpu.dma_semaphore, #tpu.memory_space<semaphore_mem>> -> memref<!tpu.dma_semaphore, #tpu.memory_space<semaphore_mem>>
      tpu.wait_indirect_dma semaphore(%dma_wait3A_194 : memref<!tpu.dma_semaphore, #tpu.memory_space<semaphore_mem>>) src(%dma_wait3A_192 : memref<1048576xf32, #tpu.memory_space<hbm>>) dst(%dma_wait3A_187 : memref<128xf32, #tpu.memory_space<vmem>>)
      %mul3A_195 = arith.constant 128 : i32
      %mul3A_196 = arith.muli %sub3A_168, %mul3A_195 : i32
      %dma_wait3A_197 = arith.constant 3 : i32
      %dma_wait3A_198 = tpu.memref_slice %arg20[%mul3A_196] : memref<8192xf32, #tpu.memory_space<vmem>> -> memref<128xf32, #tpu.memory_space<vmem>>
      %dma_wait3A_199 = arith.constant 0 : i32
      %dma_wait3A_200 = tpu.memref_slice %arg16[%sub3A_168, %dma_wait3A_199] : memref<64x128xi32, #tpu.memory_space<vmem>> -> memref<1x128xi32, #tpu.memory_space<vmem>>
      %dma_wait3A_201 = tpu.memref_squeeze %dma_wait3A_200 : memref<1x128xi32, #tpu.memory_space<vmem>> -> memref<128xi32, #tpu.memory_space<vmem>>
      %dma_wait3A_202 = arith.constant 0 : i32
      %dma_wait3A_203 = tpu.memref_slice %arg7[%dma_wait3A_202] : memref<4194304xf32, #tpu.memory_space<hbm>> -> memref<4194304xf32, #tpu.memory_space<hbm>>
      %dma_wait3A_204 = tpu.memref_slice %arg26[%dma_wait3A_197, %select_n3A_184] : memref<6x4x!tpu.dma_semaphore, #tpu.memory_space<semaphore_mem>> -> memref<1x1x!tpu.dma_semaphore, #tpu.memory_space<semaphore_mem>>
      %dma_wait3A_205 = tpu.memref_squeeze %dma_wait3A_204 : memref<1x1x!tpu.dma_semaphore, #tpu.memory_space<semaphore_mem>> -> memref<!tpu.dma_semaphore, #tpu.memory_space<semaphore_mem>>
      tpu.wait_indirect_dma semaphore(%dma_wait3A_205 : memref<!tpu.dma_semaphore, #tpu.memory_space<semaphore_mem>>) src(%dma_wait3A_203 : memref<4194304xf32, #tpu.memory_space<hbm>>) dst(%dma_wait3A_198 : memref<128xf32, #tpu.memory_space<vmem>>)
      %mul3A_206 = arith.constant 128 : i32
      %mul3A_207 = arith.muli %sub3A_168, %mul3A_206 : i32
      %dma_wait3A_208 = arith.constant 1 : i32
      %dma_wait3A_209 = tpu.memref_slice %arg18[%mul3A_207] : memref<8192xf32, #tpu.memory_space<vmem>> -> memref<128xf32, #tpu.memory_space<vmem>>
      %dma_wait3A_210 = arith.constant 0 : i32
      %dma_wait3A_211 = tpu.memref_slice %arg15[%sub3A_168, %dma_wait3A_210] : memref<64x128xi32, #tpu.memory_space<vmem>> -> memref<1x128xi32, #tpu.memory_space<vmem>>
      %dma_wait3A_212 = tpu.memref_squeeze %dma_wait3A_211 : memref<1x128xi32, #tpu.memory_space<vmem>> -> memref<128xi32, #tpu.memory_space<vmem>>
      %dma_wait3A_213 = arith.constant 0 : i32
      %dma_wait3A_214 = tpu.memref_slice %arg5[%dma_wait3A_213] : memref<1048576xf32, #tpu.memory_space<hbm>> -> memref<1048576xf32, #tpu.memory_space<hbm>>
      %dma_wait3A_215 = tpu.memref_slice %arg26[%dma_wait3A_208, %select_n3A_184] : memref<6x4x!tpu.dma_semaphore, #tpu.memory_space<semaphore_mem>> -> memref<1x1x!tpu.dma_semaphore, #tpu.memory_space<semaphore_mem>>
      %dma_wait3A_216 = tpu.memref_squeeze %dma_wait3A_215 : memref<1x1x!tpu.dma_semaphore, #tpu.memory_space<semaphore_mem>> -> memref<!tpu.dma_semaphore, #tpu.memory_space<semaphore_mem>>
      tpu.wait_indirect_dma semaphore(%dma_wait3A_216 : memref<!tpu.dma_semaphore, #tpu.memory_space<semaphore_mem>>) src(%dma_wait3A_214 : memref<1048576xf32, #tpu.memory_space<hbm>>) dst(%dma_wait3A_209 : memref<128xf32, #tpu.memory_space<vmem>>)
      %mul3A_217 = arith.constant 128 : i32
      %mul3A_218 = arith.muli %sub3A_168, %mul3A_217 : i32
      %dma_wait3A_219 = arith.constant 4 : i32
      %dma_wait3A_220 = tpu.memref_slice %arg21[%mul3A_218] : memref<8192xf32, #tpu.memory_space<vmem>> -> memref<128xf32, #tpu.memory_space<vmem>>
      %dma_wait3A_221 = arith.constant 0 : i32
      %dma_wait3A_222 = tpu.memref_slice %arg16[%sub3A_168, %dma_wait3A_221] : memref<64x128xi32, #tpu.memory_space<vmem>> -> memref<1x128xi32, #tpu.memory_space<vmem>>
      %dma_wait3A_223 = tpu.memref_squeeze %dma_wait3A_222 : memref<1x128xi32, #tpu.memory_space<vmem>> -> memref<128xi32, #tpu.memory_space<vmem>>
      %dma_wait3A_224 = arith.constant 0 : i32
      %dma_wait3A_225 = tpu.memref_slice %arg8[%dma_wait3A_224] : memref<4194304xf32, #tpu.memory_space<hbm>> -> memref<4194304xf32, #tpu.memory_space<hbm>>
      %dma_wait3A_226 = tpu.memref_slice %arg26[%dma_wait3A_219, %select_n3A_184] : memref<6x4x!tpu.dma_semaphore, #tpu.memory_space<semaphore_mem>> -> memref<1x1x!tpu.dma_semaphore, #tpu.memory_space<semaphore_mem>>
      %dma_wait3A_227 = tpu.memref_squeeze %dma_wait3A_226 : memref<1x1x!tpu.dma_semaphore, #tpu.memory_space<semaphore_mem>> -> memref<!tpu.dma_semaphore, #tpu.memory_space<semaphore_mem>>
      tpu.wait_indirect_dma semaphore(%dma_wait3A_227 : memref<!tpu.dma_semaphore, #tpu.memory_space<semaphore_mem>>) src(%dma_wait3A_225 : memref<4194304xf32, #tpu.memory_space<hbm>>) dst(%dma_wait3A_220 : memref<128xf32, #tpu.memory_space<vmem>>)
      %mul3A_228 = arith.constant 128 : i32
      %mul3A_229 = arith.muli %sub3A_168, %mul3A_228 : i32
      %dma_wait3A_230 = arith.constant 2 : i32
      %dma_wait3A_231 = tpu.memref_slice %arg19[%mul3A_229] : memref<8192xf32, #tpu.memory_space<vmem>> -> memref<128xf32, #tpu.memory_space<vmem>>
      %dma_wait3A_232 = arith.constant 0 : i32
      %dma_wait3A_233 = tpu.memref_slice %arg15[%sub3A_168, %dma_wait3A_232] : memref<64x128xi32, #tpu.memory_space<vmem>> -> memref<1x128xi32, #tpu.memory_space<vmem>>
      %dma_wait3A_234 = tpu.memref_squeeze %dma_wait3A_233 : memref<1x128xi32, #tpu.memory_space<vmem>> -> memref<128xi32, #tpu.memory_space<vmem>>
      %dma_wait3A_235 = arith.constant 0 : i32
      %dma_wait3A_236 = tpu.memref_slice %arg6[%dma_wait3A_235] : memref<1048576xf32, #tpu.memory_space<hbm>> -> memref<1048576xf32, #tpu.memory_space<hbm>>
      %dma_wait3A_237 = tpu.memref_slice %arg26[%dma_wait3A_230, %select_n3A_184] : memref<6x4x!tpu.dma_semaphore, #tpu.memory_space<semaphore_mem>> -> memref<1x1x!tpu.dma_semaphore, #tpu.memory_space<semaphore_mem>>
      %dma_wait3A_238 = tpu.memref_squeeze %dma_wait3A_237 : memref<1x1x!tpu.dma_semaphore, #tpu.memory_space<semaphore_mem>> -> memref<!tpu.dma_semaphore, #tpu.memory_space<semaphore_mem>>
      tpu.wait_indirect_dma semaphore(%dma_wait3A_238 : memref<!tpu.dma_semaphore, #tpu.memory_space<semaphore_mem>>) src(%dma_wait3A_236 : memref<1048576xf32, #tpu.memory_space<hbm>>) dst(%dma_wait3A_231 : memref<128xf32, #tpu.memory_space<vmem>>)
      %mul3A_239 = arith.constant 128 : i32
      %mul3A_240 = arith.muli %sub3A_168, %mul3A_239 : i32
      %dma_wait3A_241 = arith.constant 5 : i32
      %dma_wait3A_242 = tpu.memref_slice %arg22[%mul3A_240] : memref<8192xf32, #tpu.memory_space<vmem>> -> memref<128xf32, #tpu.memory_space<vmem>>
      %dma_wait3A_243 = arith.constant 0 : i32
      %dma_wait3A_244 = tpu.memref_slice %arg16[%sub3A_168, %dma_wait3A_243] : memref<64x128xi32, #tpu.memory_space<vmem>> -> memref<1x128xi32, #tpu.memory_space<vmem>>
      %dma_wait3A_245 = tpu.memref_squeeze %dma_wait3A_244 : memref<1x128xi32, #tpu.memory_space<vmem>> -> memref<128xi32, #tpu.memory_space<vmem>>
      %dma_wait3A_246 = arith.constant 0 : i32
      %dma_wait3A_247 = tpu.memref_slice %arg9[%dma_wait3A_246] : memref<4194304xf32, #tpu.memory_space<hbm>> -> memref<4194304xf32, #tpu.memory_space<hbm>>
      %dma_wait3A_248 = tpu.memref_slice %arg26[%dma_wait3A_241, %select_n3A_184] : memref<6x4x!tpu.dma_semaphore, #tpu.memory_space<semaphore_mem>> -> memref<1x1x!tpu.dma_semaphore, #tpu.memory_space<semaphore_mem>>
      %dma_wait3A_249 = tpu.memref_squeeze %dma_wait3A_248 : memref<1x1x!tpu.dma_semaphore, #tpu.memory_space<semaphore_mem>> -> memref<!tpu.dma_semaphore, #tpu.memory_space<semaphore_mem>>
      tpu.wait_indirect_dma semaphore(%dma_wait3A_249 : memref<!tpu.dma_semaphore, #tpu.memory_space<semaphore_mem>>) src(%dma_wait3A_247 : memref<4194304xf32, #tpu.memory_space<hbm>>) dst(%dma_wait3A_242 : memref<128xf32, #tpu.memory_space<vmem>>)
      %scan3A_250 = arith.constant 1 : i32
      %scan3A_251 = arith.constant 0 : i32
      %scan3A_252 = arith.constant 4 : i32
      %scan3A_253 = arith.addi %scan3A_251, %scan3A_252 : i32
      %scan3A_254 = arith.constant 1 : i32
      scf.for %scan3A_261 = %scan3A_251 to %scan3A_253 step %scan3A_254  : i32 {
        %mul3A_262 = arith.constant 1 : i32
        %mul3A_263 = arith.muli %scan3A_261, %mul3A_262 : i32
        %add3A_264 = arith.constant 1 : i32
        %add3A_265 = arith.addi %add3A_264, %mul3A_263 : i32
        %jit3A_266 = arith.constant 4 : i32
        %eq3A_267 = arith.constant 0 : i32
        %eq3A_268 = arith.cmpi eq, %jit3A_266, %eq3A_267 : i32
        %jit3A_269 = arith.constant 1 : i32
        %select_n3A_270 = arith.select %eq3A_268, %jit3A_269, %jit3A_266 : i32
        %rem3A_271 = arith.remsi %add3A_265, %select_n3A_270 : i32
        %ne3A_272 = arith.constant 0 : i32
        %ne3A_273 = arith.cmpi ne, %rem3A_271, %ne3A_272 : i32
        %lt3A_274 = arith.constant 0 : i32
        %lt3A_275 = arith.cmpi slt, %rem3A_271, %lt3A_274 : i32
        %lt3A_276 = arith.constant 0 : i32
        %lt3A_277 = arith.cmpi slt, %select_n3A_270, %lt3A_276 : i32
        %ne3A_278 = arith.xori %lt3A_275, %lt3A_277 : i1
        %and3A_279 = arith.andi %ne3A_278, %ne3A_273 : i1
        %add3A_280 = arith.addi %rem3A_271, %select_n3A_270 : i32
        %select_n3A_281 = arith.select %and3A_279, %add3A_280, %rem3A_271 : i32
        %mul3A_282 = arith.constant 128 : i32
        %mul3A_283 = arith.muli %add3A_265, %mul3A_282 : i32
        %dma_wait3A_284 = arith.constant 0 : i32
        %dma_wait3A_285 = tpu.memref_slice %arg17[%mul3A_283] : memref<8192xf32, #tpu.memory_space<vmem>> -> memref<128xf32, #tpu.memory_space<vmem>>
        %dma_wait3A_286 = arith.constant 0 : i32
        %dma_wait3A_287 = tpu.memref_slice %arg15[%add3A_265, %dma_wait3A_286] : memref<64x128xi32, #tpu.memory_space<vmem>> -> memref<1x128xi32, #tpu.memory_space<vmem>>
        %dma_wait3A_288 = tpu.memref_squeeze %dma_wait3A_287 : memref<1x128xi32, #tpu.memory_space<vmem>> -> memref<128xi32, #tpu.memory_space<vmem>>
        %dma_wait3A_289 = arith.constant 0 : i32
        %dma_wait3A_290 = tpu.memref_slice %arg4[%dma_wait3A_289] : memref<1048576xf32, #tpu.memory_space<hbm>> -> memref<1048576xf32, #tpu.memory_space<hbm>>
        %dma_wait3A_291 = tpu.memref_slice %arg26[%dma_wait3A_284, %select_n3A_281] : memref<6x4x!tpu.dma_semaphore, #tpu.memory_space<semaphore_mem>> -> memref<1x1x!tpu.dma_semaphore, #tpu.memory_space<semaphore_mem>>
        %dma_wait3A_292 = tpu.memref_squeeze %dma_wait3A_291 : memref<1x1x!tpu.dma_semaphore, #tpu.memory_space<semaphore_mem>> -> memref<!tpu.dma_semaphore, #tpu.memory_space<semaphore_mem>>
        tpu.wait_indirect_dma semaphore(%dma_wait3A_292 : memref<!tpu.dma_semaphore, #tpu.memory_space<semaphore_mem>>) src(%dma_wait3A_290 : memref<1048576xf32, #tpu.memory_space<hbm>>) dst(%dma_wait3A_285 : memref<128xf32, #tpu.memory_space<vmem>>)
        %mul3A_293 = arith.constant 128 : i32
        %mul3A_294 = arith.muli %add3A_265, %mul3A_293 : i32
        %dma_wait3A_295 = arith.constant 3 : i32
        %dma_wait3A_296 = tpu.memref_slice %arg20[%mul3A_294] : memref<8192xf32, #tpu.memory_space<vmem>> -> memref<128xf32, #tpu.memory_space<vmem>>
        %dma_wait3A_297 = arith.constant 0 : i32
        %dma_wait3A_298 = tpu.memref_slice %arg16[%add3A_265, %dma_wait3A_297] : memref<64x128xi32, #tpu.memory_space<vmem>> -> memref<1x128xi32, #tpu.memory_space<vmem>>
        %dma_wait3A_299 = tpu.memref_squeeze %dma_wait3A_298 : memref<1x128xi32, #tpu.memory_space<vmem>> -> memref<128xi32, #tpu.memory_space<vmem>>
        %dma_wait3A_300 = arith.constant 0 : i32
        %dma_wait3A_301 = tpu.memref_slice %arg7[%dma_wait3A_300] : memref<4194304xf32, #tpu.memory_space<hbm>> -> memref<4194304xf32, #tpu.memory_space<hbm>>
        %dma_wait3A_302 = tpu.memref_slice %arg26[%dma_wait3A_295, %select_n3A_281] : memref<6x4x!tpu.dma_semaphore, #tpu.memory_space<semaphore_mem>> -> memref<1x1x!tpu.dma_semaphore, #tpu.memory_space<semaphore_mem>>
        %dma_wait3A_303 = tpu.memref_squeeze %dma_wait3A_302 : memref<1x1x!tpu.dma_semaphore, #tpu.memory_space<semaphore_mem>> -> memref<!tpu.dma_semaphore, #tpu.memory_space<semaphore_mem>>
        tpu.wait_indirect_dma semaphore(%dma_wait3A_303 : memref<!tpu.dma_semaphore, #tpu.memory_space<semaphore_mem>>) src(%dma_wait3A_301 : memref<4194304xf32, #tpu.memory_space<hbm>>) dst(%dma_wait3A_296 : memref<128xf32, #tpu.memory_space<vmem>>)
        %mul3A_304 = arith.constant 128 : i32
        %mul3A_305 = arith.muli %add3A_265, %mul3A_304 : i32
        %dma_wait3A_306 = arith.constant 1 : i32
        %dma_wait3A_307 = tpu.memref_slice %arg18[%mul3A_305] : memref<8192xf32, #tpu.memory_space<vmem>> -> memref<128xf32, #tpu.memory_space<vmem>>
        %dma_wait3A_308 = arith.constant 0 : i32
        %dma_wait3A_309 = tpu.memref_slice %arg15[%add3A_265, %dma_wait3A_308] : memref<64x128xi32, #tpu.memory_space<vmem>> -> memref<1x128xi32, #tpu.memory_space<vmem>>
        %dma_wait3A_310 = tpu.memref_squeeze %dma_wait3A_309 : memref<1x128xi32, #tpu.memory_space<vmem>> -> memref<128xi32, #tpu.memory_space<vmem>>
        %dma_wait3A_311 = arith.constant 0 : i32
        %dma_wait3A_312 = tpu.memref_slice %arg5[%dma_wait3A_311] : memref<1048576xf32, #tpu.memory_space<hbm>> -> memref<1048576xf32, #tpu.memory_space<hbm>>
        %dma_wait3A_313 = tpu.memref_slice %arg26[%dma_wait3A_306, %select_n3A_281] : memref<6x4x!tpu.dma_semaphore, #tpu.memory_space<semaphore_mem>> -> memref<1x1x!tpu.dma_semaphore, #tpu.memory_space<semaphore_mem>>
        %dma_wait3A_314 = tpu.memref_squeeze %dma_wait3A_313 : memref<1x1x!tpu.dma_semaphore, #tpu.memory_space<semaphore_mem>> -> memref<!tpu.dma_semaphore, #tpu.memory_space<semaphore_mem>>
        tpu.wait_indirect_dma semaphore(%dma_wait3A_314 : memref<!tpu.dma_semaphore, #tpu.memory_space<semaphore_mem>>) src(%dma_wait3A_312 : memref<1048576xf32, #tpu.memory_space<hbm>>) dst(%dma_wait3A_307 : memref<128xf32, #tpu.memory_space<vmem>>)
        %mul3A_315 = arith.constant 128 : i32
        %mul3A_316 = arith.muli %add3A_265, %mul3A_315 : i32
        %dma_wait3A_317 = arith.constant 4 : i32
        %dma_wait3A_318 = tpu.memref_slice %arg21[%mul3A_316] : memref<8192xf32, #tpu.memory_space<vmem>> -> memref<128xf32, #tpu.memory_space<vmem>>
        %dma_wait3A_319 = arith.constant 0 : i32
        %dma_wait3A_320 = tpu.memref_slice %arg16[%add3A_265, %dma_wait3A_319] : memref<64x128xi32, #tpu.memory_space<vmem>> -> memref<1x128xi32, #tpu.memory_space<vmem>>
        %dma_wait3A_321 = tpu.memref_squeeze %dma_wait3A_320 : memref<1x128xi32, #tpu.memory_space<vmem>> -> memref<128xi32, #tpu.memory_space<vmem>>
        %dma_wait3A_322 = arith.constant 0 : i32
        %dma_wait3A_323 = tpu.memref_slice %arg8[%dma_wait3A_322] : memref<4194304xf32, #tpu.memory_space<hbm>> -> memref<4194304xf32, #tpu.memory_space<hbm>>
        %dma_wait3A_324 = tpu.memref_slice %arg26[%dma_wait3A_317, %select_n3A_281] : memref<6x4x!tpu.dma_semaphore, #tpu.memory_space<semaphore_mem>> -> memref<1x1x!tpu.dma_semaphore, #tpu.memory_space<semaphore_mem>>
        %dma_wait3A_325 = tpu.memref_squeeze %dma_wait3A_324 : memref<1x1x!tpu.dma_semaphore, #tpu.memory_space<semaphore_mem>> -> memref<!tpu.dma_semaphore, #tpu.memory_space<semaphore_mem>>
        tpu.wait_indirect_dma semaphore(%dma_wait3A_325 : memref<!tpu.dma_semaphore, #tpu.memory_space<semaphore_mem>>) src(%dma_wait3A_323 : memref<4194304xf32, #tpu.memory_space<hbm>>) dst(%dma_wait3A_318 : memref<128xf32, #tpu.memory_space<vmem>>)
        %mul3A_326 = arith.constant 128 : i32
        %mul3A_327 = arith.muli %add3A_265, %mul3A_326 : i32
        %dma_wait3A_328 = arith.constant 2 : i32
        %dma_wait3A_329 = tpu.memref_slice %arg19[%mul3A_327] : memref<8192xf32, #tpu.memory_space<vmem>> -> memref<128xf32, #tpu.memory_space<vmem>>
        %dma_wait3A_330 = arith.constant 0 : i32
        %dma_wait3A_331 = tpu.memref_slice %arg15[%add3A_265, %dma_wait3A_330] : memref<64x128xi32, #tpu.memory_space<vmem>> -> memref<1x128xi32, #tpu.memory_space<vmem>>
        %dma_wait3A_332 = tpu.memref_squeeze %dma_wait3A_331 : memref<1x128xi32, #tpu.memory_space<vmem>> -> memref<128xi32, #tpu.memory_space<vmem>>
        %dma_wait3A_333 = arith.constant 0 : i32
        %dma_wait3A_334 = tpu.memref_slice %arg6[%dma_wait3A_333] : memref<1048576xf32, #tpu.memory_space<hbm>> -> memref<1048576xf32, #tpu.memory_space<hbm>>
        %dma_wait3A_335 = tpu.memref_slice %arg26[%dma_wait3A_328, %select_n3A_281] : memref<6x4x!tpu.dma_semaphore, #tpu.memory_space<semaphore_mem>> -> memref<1x1x!tpu.dma_semaphore, #tpu.memory_space<semaphore_mem>>
        %dma_wait3A_336 = tpu.memref_squeeze %dma_wait3A_335 : memref<1x1x!tpu.dma_semaphore, #tpu.memory_space<semaphore_mem>> -> memref<!tpu.dma_semaphore, #tpu.memory_space<semaphore_mem>>
        tpu.wait_indirect_dma semaphore(%dma_wait3A_336 : memref<!tpu.dma_semaphore, #tpu.memory_space<semaphore_mem>>) src(%dma_wait3A_334 : memref<1048576xf32, #tpu.memory_space<hbm>>) dst(%dma_wait3A_329 : memref<128xf32, #tpu.memory_space<vmem>>)
        %mul3A_337 = arith.constant 128 : i32
        %mul3A_338 = arith.muli %add3A_265, %mul3A_337 : i32
        %dma_wait3A_339 = arith.constant 5 : i32
        %dma_wait3A_340 = tpu.memref_slice %arg22[%mul3A_338] : memref<8192xf32, #tpu.memory_space<vmem>> -> memref<128xf32, #tpu.memory_space<vmem>>
        %dma_wait3A_341 = arith.constant 0 : i32
        %dma_wait3A_342 = tpu.memref_slice %arg16[%add3A_265, %dma_wait3A_341] : memref<64x128xi32, #tpu.memory_space<vmem>> -> memref<1x128xi32, #tpu.memory_space<vmem>>
        %dma_wait3A_343 = tpu.memref_squeeze %dma_wait3A_342 : memref<1x128xi32, #tpu.memory_space<vmem>> -> memref<128xi32, #tpu.memory_space<vmem>>
        %dma_wait3A_344 = arith.constant 0 : i32
        %dma_wait3A_345 = tpu.memref_slice %arg9[%dma_wait3A_344] : memref<4194304xf32, #tpu.memory_space<hbm>> -> memref<4194304xf32, #tpu.memory_space<hbm>>
        %dma_wait3A_346 = tpu.memref_slice %arg26[%dma_wait3A_339, %select_n3A_281] : memref<6x4x!tpu.dma_semaphore, #tpu.memory_space<semaphore_mem>> -> memref<1x1x!tpu.dma_semaphore, #tpu.memory_space<semaphore_mem>>
        %dma_wait3A_347 = tpu.memref_squeeze %dma_wait3A_346 : memref<1x1x!tpu.dma_semaphore, #tpu.memory_space<semaphore_mem>> -> memref<!tpu.dma_semaphore, #tpu.memory_space<semaphore_mem>>
        tpu.wait_indirect_dma semaphore(%dma_wait3A_347 : memref<!tpu.dma_semaphore, #tpu.memory_space<semaphore_mem>>) src(%dma_wait3A_345 : memref<4194304xf32, #tpu.memory_space<hbm>>) dst(%dma_wait3A_340 : memref<128xf32, #tpu.memory_space<vmem>>)
      }
      %scan3A_255 = arith.constant 4 : i32
      %scan3A_256 = arith.constant 0 : i32
      %scan3A_257 = arith.constant 36 : i32
      %scan3A_258 = arith.addi %scan3A_256, %scan3A_257 : i32
      %scan3A_259 = arith.constant 1 : i32
      scf.for %scan3A_261 = %scan3A_256 to %scan3A_258 step %scan3A_259  : i32 {
        %mul3A_262 = arith.constant 1 : i32
        %mul3A_263 = arith.muli %scan3A_261, %mul3A_262 : i32
        %add3A_264 = arith.constant 0 : i32
        %add3A_265 = arith.addi %add3A_264, %mul3A_263 : i32
        %mul3A_266 = arith.constant 16 : i32
        %mul3A_267 = arith.muli %mul3A_266, %add3A_265 : i32
        %get3A = arith.index_cast %mul3A_267 : i32 to index
        %get3A_268 = tpu.vector_load %arg17[%get3A] {strides = array<i32>} : memref<8192xf32, #tpu.memory_space<vmem>>, vector<16xf32>,
        %get3A_269 = arith.index_cast %mul3A_267 : i32 to index
        %get3A_270 = tpu.vector_load %arg20[%get3A_269] {strides = array<i32>} : memref<8192xf32, #tpu.memory_space<vmem>>, vector<16xf32>,
        %add3A_271 = arith.addf %get3A_268, %get3A_270 : vector<16xf32>
        %swap3A_272 = arith.index_cast %mul3A_267 : i32 to index
        %swap3A_273 = tpu.vector_load %arg23[%swap3A_272] {strides = array<i32>} : memref<8192xf32, #tpu.memory_space<vmem>>, vector<16xf32>,
        tpu.vector_store %arg23[%swap3A_272], %add3A_271 {strides = array<i32>} : memref<8192xf32, #tpu.memory_space<vmem>>, vector<16xf32>,
        %get3A_274 = arith.index_cast %mul3A_267 : i32 to index
        %get3A_275 = tpu.vector_load %arg18[%get3A_274] {strides = array<i32>} : memref<8192xf32, #tpu.memory_space<vmem>>, vector<16xf32>,
        %get3A_276 = arith.index_cast %mul3A_267 : i32 to index
        %get3A_277 = tpu.vector_load %arg21[%get3A_276] {strides = array<i32>} : memref<8192xf32, #tpu.memory_space<vmem>>, vector<16xf32>,
        %add3A_278 = arith.addf %get3A_275, %get3A_277 : vector<16xf32>
        %swap3A_279 = arith.index_cast %mul3A_267 : i32 to index
        %swap3A_280 = tpu.vector_load %arg24[%swap3A_279] {strides = array<i32>} : memref<8192xf32, #tpu.memory_space<vmem>>, vector<16xf32>,
        tpu.vector_store %arg24[%swap3A_279], %add3A_278 {strides = array<i32>} : memref<8192xf32, #tpu.memory_space<vmem>>, vector<16xf32>,
        %get3A_281 = arith.index_cast %mul3A_267 : i32 to index
        %get3A_282 = tpu.vector_load %arg19[%get3A_281] {strides = array<i32>} : memref<8192xf32, #tpu.memory_space<vmem>>, vector<16xf32>,
        %get3A_283 = arith.index_cast %mul3A_267 : i32 to index
        %get3A_284 = tpu.vector_load %arg22[%get3A_283] {strides = array<i32>} : memref<8192xf32, #tpu.memory_space<vmem>>, vector<16xf32>,
        %add3A_285 = arith.addf %get3A_282, %get3A_284 : vector<16xf32>
        %swap3A_286 = arith.index_cast %mul3A_267 : i32 to index
        %swap3A_287 = tpu.vector_load %arg25[%swap3A_286] {strides = array<i32>} : memref<8192xf32, #tpu.memory_space<vmem>>, vector<16xf32>,
        tpu.vector_store %arg25[%swap3A_286], %add3A_285 {strides = array<i32>} : memref<8192xf32, #tpu.memory_space<vmem>>, vector<16xf32>,
      }
      %scan3A_260 = arith.constant 36 : i32
      "tpu.region"() ({
        %run_scoped3A = tpu.sem_alloc : memref<!tpu.dma_semaphore, #tpu.memory_space<semaphore_mem>>
        %dma_start3A_261 = arith.constant 0 : i32
        %dma_start3A_262 = tpu.memref_slice %arg23[%dma_start3A_261] : memref<8192xf32, #tpu.memory_space<vmem>> -> memref<576xf32, #tpu.memory_space<vmem>>
        %dma_start3A_263 = arith.constant 999424 : i32
        %dma_start3A_264 = tpu.memref_slice %arg10[%dma_start3A_263] : memref<1000000xf32, #tpu.memory_space<hbm>> -> memref<576xf32, #tpu.memory_space<hbm>>
        %dma_start3A_265 = arith.constant 999424 : i32
        %dma_start3A_266 = tpu.memref_slice %arg10[%dma_start3A_265] : memref<1000000xf32, #tpu.memory_space<hbm>> -> memref<576xf32, #tpu.memory_space<hbm>>
        %dma_start3A_267 = arith.constant 0 : i32
        %dma_start3A_268 = tpu.memref_slice %arg23[%dma_start3A_267] : memref<8192xf32, #tpu.memory_space<vmem>> -> memref<576xf32, #tpu.memory_space<vmem>>
        tpu.enqueue_dma source(%dma_start3A_268 : memref<576xf32, #tpu.memory_space<vmem>>) target(%dma_start3A_266 : memref<576xf32, #tpu.memory_space<hbm>>) target_semaphore(%run_scoped3A : memref<!tpu.dma_semaphore, #tpu.memory_space<semaphore_mem>>)
        %dma_wait3A_269 = arith.constant 0 : i32
        %dma_wait3A_270 = tpu.memref_slice %arg23[%dma_wait3A_269] : memref<8192xf32, #tpu.memory_space<vmem>> -> memref<576xf32, #tpu.memory_space<vmem>>
        %dma_wait3A_271 = arith.constant 999424 : i32
        %dma_wait3A_272 = tpu.memref_slice %arg10[%dma_wait3A_271] : memref<1000000xf32, #tpu.memory_space<hbm>> -> memref<576xf32, #tpu.memory_space<hbm>>
        %dma_wait3A_273 = arith.constant 999424 : i32
        %dma_wait3A_274 = tpu.memref_slice %arg10[%dma_wait3A_273] : memref<1000000xf32, #tpu.memory_space<hbm>> -> memref<576xf32, #tpu.memory_space<hbm>>
        %dma_wait3A_275 = arith.constant 0 : i32
        %dma_wait3A_276 = tpu.memref_slice %arg23[%dma_wait3A_275] : memref<8192xf32, #tpu.memory_space<vmem>> -> memref<576xf32, #tpu.memory_space<vmem>>
        tpu.wait_dma2 semaphore(%run_scoped3A : memref<!tpu.dma_semaphore, #tpu.memory_space<semaphore_mem>>) src(%dma_wait3A_276 : memref<576xf32, #tpu.memory_space<vmem>>) dst(%dma_wait3A_274 : memref<576xf32, #tpu.memory_space<hbm>>)
        tpu.yield
      }) : () -> ()
      "tpu.region"() ({
        %run_scoped3A = tpu.sem_alloc : memref<!tpu.dma_semaphore, #tpu.memory_space<semaphore_mem>>
        %dma_start3A_261 = arith.constant 0 : i32
        %dma_start3A_262 = tpu.memref_slice %arg24[%dma_start3A_261] : memref<8192xf32, #tpu.memory_space<vmem>> -> memref<576xf32, #tpu.memory_space<vmem>>
        %dma_start3A_263 = arith.constant 999424 : i32
        %dma_start3A_264 = tpu.memref_slice %arg11[%dma_start3A_263] : memref<1000000xf32, #tpu.memory_space<hbm>> -> memref<576xf32, #tpu.memory_space<hbm>>
        %dma_start3A_265 = arith.constant 999424 : i32
        %dma_start3A_266 = tpu.memref_slice %arg11[%dma_start3A_265] : memref<1000000xf32, #tpu.memory_space<hbm>> -> memref<576xf32, #tpu.memory_space<hbm>>
        %dma_start3A_267 = arith.constant 0 : i32
        %dma_start3A_268 = tpu.memref_slice %arg24[%dma_start3A_267] : memref<8192xf32, #tpu.memory_space<vmem>> -> memref<576xf32, #tpu.memory_space<vmem>>
        tpu.enqueue_dma source(%dma_start3A_268 : memref<576xf32, #tpu.memory_space<vmem>>) target(%dma_start3A_266 : memref<576xf32, #tpu.memory_space<hbm>>) target_semaphore(%run_scoped3A : memref<!tpu.dma_semaphore, #tpu.memory_space<semaphore_mem>>)
        %dma_wait3A_269 = arith.constant 0 : i32
        %dma_wait3A_270 = tpu.memref_slice %arg24[%dma_wait3A_269] : memref<8192xf32, #tpu.memory_space<vmem>> -> memref<576xf32, #tpu.memory_space<vmem>>
        %dma_wait3A_271 = arith.constant 999424 : i32
        %dma_wait3A_272 = tpu.memref_slice %arg11[%dma_wait3A_271] : memref<1000000xf32, #tpu.memory_space<hbm>> -> memref<576xf32, #tpu.memory_space<hbm>>
        %dma_wait3A_273 = arith.constant 999424 : i32
        %dma_wait3A_274 = tpu.memref_slice %arg11[%dma_wait3A_273] : memref<1000000xf32, #tpu.memory_space<hbm>> -> memref<576xf32, #tpu.memory_space<hbm>>
        %dma_wait3A_275 = arith.constant 0 : i32
        %dma_wait3A_276 = tpu.memref_slice %arg24[%dma_wait3A_275] : memref<8192xf32, #tpu.memory_space<vmem>> -> memref<576xf32, #tpu.memory_space<vmem>>
        tpu.wait_dma2 semaphore(%run_scoped3A : memref<!tpu.dma_semaphore, #tpu.memory_space<semaphore_mem>>) src(%dma_wait3A_276 : memref<576xf32, #tpu.memory_space<vmem>>) dst(%dma_wait3A_274 : memref<576xf32, #tpu.memory_space<hbm>>)
        tpu.yield
      }) : () -> ()
      "tpu.region"() ({
        %run_scoped3A = tpu.sem_alloc : memref<!tpu.dma_semaphore, #tpu.memory_space<semaphore_mem>>
        %dma_start3A_261 = arith.constant 0 : i32
        %dma_start3A_262 = tpu.memref_slice %arg25[%dma_start3A_261] : memref<8192xf32, #tpu.memory_space<vmem>> -> memref<576xf32, #tpu.memory_space<vmem>>
        %dma_start3A_263 = arith.constant 999424 : i32
        %dma_start3A_264 = tpu.memref_slice %arg12[%dma_start3A_263] : memref<1000000xf32, #tpu.memory_space<hbm>> -> memref<576xf32, #tpu.memory_space<hbm>>
        %dma_start3A_265 = arith.constant 999424 : i32
        %dma_start3A_266 = tpu.memref_slice %arg12[%dma_start3A_265] : memref<1000000xf32, #tpu.memory_space<hbm>> -> memref<576xf32, #tpu.memory_space<hbm>>
        %dma_start3A_267 = arith.constant 0 : i32
        %dma_start3A_268 = tpu.memref_slice %arg25[%dma_start3A_267] : memref<8192xf32, #tpu.memory_space<vmem>> -> memref<576xf32, #tpu.memory_space<vmem>>
        tpu.enqueue_dma source(%dma_start3A_268 : memref<576xf32, #tpu.memory_space<vmem>>) target(%dma_start3A_266 : memref<576xf32, #tpu.memory_space<hbm>>) target_semaphore(%run_scoped3A : memref<!tpu.dma_semaphore, #tpu.memory_space<semaphore_mem>>)
        %dma_wait3A_269 = arith.constant 0 : i32
        %dma_wait3A_270 = tpu.memref_slice %arg25[%dma_wait3A_269] : memref<8192xf32, #tpu.memory_space<vmem>> -> memref<576xf32, #tpu.memory_space<vmem>>
        %dma_wait3A_271 = arith.constant 999424 : i32
        %dma_wait3A_272 = tpu.memref_slice %arg12[%dma_wait3A_271] : memref<1000000xf32, #tpu.memory_space<hbm>> -> memref<576xf32, #tpu.memory_space<hbm>>
        %dma_wait3A_273 = arith.constant 999424 : i32
        %dma_wait3A_274 = tpu.memref_slice %arg12[%dma_wait3A_273] : memref<1000000xf32, #tpu.memory_space<hbm>> -> memref<576xf32, #tpu.memory_space<hbm>>
        %dma_wait3A_275 = arith.constant 0 : i32
        %dma_wait3A_276 = tpu.memref_slice %arg25[%dma_wait3A_275] : memref<8192xf32, #tpu.memory_space<vmem>> -> memref<576xf32, #tpu.memory_space<vmem>>
        tpu.wait_dma2 semaphore(%run_scoped3A : memref<!tpu.dma_semaphore, #tpu.memory_space<semaphore_mem>>) src(%dma_wait3A_276 : memref<576xf32, #tpu.memory_space<vmem>>) dst(%dma_wait3A_274 : memref<576xf32, #tpu.memory_space<hbm>>)
        tpu.yield
      }) : () -> ()
    } else {
    }
    return
  }
}

</mosaic_0001>

<sc_bundles>
// kernel: kernel.3.cloned.1.call-start
scs
__scs_entry_jumppad:
0x0: {  	(pc) =	sbr.rel $0x88, $3  }
0x1: {  	(tag) =	ssettag $0x0;
	lr =	simm.s32 $0x1  }
0x2: {  	[smem:$0x3F9E] =	sst lr;
	_ =	strace $0xD0000000  }
0x3: {  	_ = 	snop  }
0x4: {  	_ = 	snop  }
0x5: {  	_ = 	snop  }
0x6: {  	_ = 	snop  }
0x7: {  	_ = 	snop  }
__scs_overlays_trampoline_lowered:
0x8: {  	[smem:$0x3FAD] =	sst s0  }
0x9: {  	[smem:$0x3FAE] =	sst s1  }
0xa: {  	[smem:$0x3FAF] =	sst s2  }
0xb: {  	[smem:$0x3FB0] =	sst s3  }
0xc: {  	[smem:$0x3FB1] =	sst s4  }
0xd: {  	[smem:$0x3FB2] =	sst s5  }
0xe: {  	[smem:$0x3FB3] =	sst s6  }
0xf: {  	[smem:$0x3FB4] =	sst s7  }
0x10: {  	[smem:$0x3FB5] =	sst s8  }
0x11: {  	[smem:$0x3FB6] =	sst s9;
	s0 =	simm.s32 @!p0 $0x0  }
0x12: {  	s1 =	sld [smem:$0x3F9C];
	s0 =	simm.s32 @p0 $0x1  }
0x13: {  	[smem:$0x3FB7] =	sst s0;
	s0 =	simm.s32 @!p1 $0x0  }
0x14: {  	s2 =	sld [smem:$0x3F9B];
	s0 =	simm.s32 @p1 $0x1  }
0x15: {  	[smem:$0x3FB8] =	sst s0;
	s0 =	simm.s32 @!p2 $0x0  }
0x16: {  	s3 =	sld [smem:$0x3FDB];
	s0 =	simm.s32 @p2 $0x1  }
0x17: {  	s4 =	simm.s32 $0x1BF5;
	[smem:$0x3FBA] =	sst s0  }
0x18: {  	s0 =	sld [smem:$0x3F9D];
	_ =	swait.ge [sflag:s4], $0x0  }
0x19: {  	s7 =	sld [smem:$0x3F9E]  }
0x1a: {  	s8 =	sadd.s32 $0xFFFFE003, lr  }
0x1b: {  	s9 =	sadd.s32 $0xFFFFFEF7, lr;
	s5 =	simm.s32 $0xFFFFFFFF;
	p2 =	slt.u32 s8, $0xFFFFF086  }
0x1c: {  	p1 =	slt.u32 s9, $0xF7A;
	s5 =	simm.s32 @!p2 $0x0  }
0x1d: {  	s5 =	simm.s32 @p1 $0x1;
	p0 =	seq.s32 s7, s2  }
0x1e: {  	s7 =	smul.u32 @!p0 $0xF7A, s2;
	p2 =	seq.s32 @!p0 s5, $0x0  }
0x1f: {  	s9 =	smul.u32 $0xF7A, s1;
	s8 =	simm.s32 @!p0 $0x1BF5;
	p2 =	por !p2, p0  }
0x20: {  	[sflag:s8] =	ssyncset.s32 @!p0 $0xFFFFF086;
	s6 =	sadd.s32 @!p0 s3, s7;
	s7 =	simm.s32 @!p0 $0x108  }
0x21: {  	s3 =	sadd.s32 s3, s9;
	s6 =	sadd.s32 @!p0 $0x88, s6;
	s7 =	simm.s32 @p2 $0x1082  }
0x22: {  	[simem:s7], [sflag:s8] =	dma.local @!p0 [hbm:s6], $0xF7A  }
0x23: {  	s9 =	sor.u32 $0xD0000000, s2;
	s6 =	simm.s32 $0x108;
	_ =	swait.ge @!p0 [sflag:s8], $0x0  }
0x24: {  	s3 =	sadd.s32 $0x88, s3;
	s6 =	simm.s32 @!p1 $0x1082;
	[sflag:s4] =	ssyncset.s32 $0xFFFFF086  }
0x25: {  	[simem:s6], [sflag:s4] =	dma.local [hbm:s3], $0xF7A  }
0x26: {  	[smem:$0x3F9E] =	sst s1;
	(tag) =	ssettag s2;
	_ =	strace s9  }
0x27: {  	s1 =	sld [smem:$0x3FAE]  }
0x28: {  	s2 =	sld [smem:$0x3FAF]  }
0x29: {  	s4 =	sld [smem:$0x3FB1]  }
0x2a: {  	p0 =	seq.s32 s5, $0x0;
	s5 =	sld [smem:$0x3FB2]  }
0x2b: {  	s6 =	sld [smem:$0x3FB3]  }
0x2c: {  	s7 =	sld [smem:$0x3FB4]  }
0x2d: {  	s3 =	simm.s32 $0x108;
	s8 =	sld [smem:$0x3FB5]  }
0x2e: {  	s3 =	simm.s32 @!p0 $0x1082;
	s9 =	sld [smem:$0x3FB6]  }
0x2f: {  	lr =	sadd.s32 s0, s3;
	s0 =	sld [smem:$0x3FAD]  }
0x30: {  	s3 =	sld [smem:$0x3FB0]  }
0x31: {  	[smem:$0x3FB9] =	sst s10  }
0x32: {  	s10 =	sld [smem:$0x3FB7];
	_ =	sdelay $0x3  }
0x33: {  	p0 =	seq.s32 s10, $0x1;
	s10 =	sld [smem:$0x3FB9];
	_ =	sdelay $0x3  }
0x34: {  	[smem:$0x3FB9] =	sst s10  }
0x35: {  	s10 =	sld [smem:$0x3FB8];
	_ =	sdelay $0x3  }
0x36: {  	p1 =	seq.s32 s10, $0x1;
	s10 =	sld [smem:$0x3FB9];
	_ =	sdelay $0x3  }
0x37: {  	[smem:$0x3FB9] =	sst s10  }
0x38: {  	s10 =	sld [smem:$0x3FBA]  }
0x39: {  	_ = 	snop;
	(pc) =	sbr.ind lr, $3  }
0x3a: {  	_ = 	snop  }
0x3b: {  	_ = 	snop  }
0x3c: {  	p2 =	seq.s32 s10, $0x1;
	s10 =	sld [smem:$0x3FB9]  }
0x3d: {  	_ =	shalt  }
0x3e: {  	_ =	shalt  }
0x3f: {  	_ =	shalt  }
0x40: {  	_ =	shalt  }
0x41: {  	_ =	shalt  }
0x42: {  	_ =	shalt  }
0x43: {  	_ =	shalt  }
0x44: {  	_ =	shalt  }
0x45: {  	_ =	shalt  }
0x46: {  	_ =	shalt  }
0x47: {  	_ =	shalt  }
0x48: {  	_ =	shalt  }
0x49: {  	_ =	shalt  }
0x4a: {  	_ =	shalt  }
0x4b: {  	_ =	shalt  }
0x4c: {  	_ =	shalt  }
0x4d: {  	_ =	shalt  }
0x4e: {  	_ =	shalt  }
0x4f: {  	_ =	shalt  }
0x50: {  	_ =	shalt  }
0x51: {  	_ =	shalt  }
0x52: {  	_ =	shalt  }
0x53: {  	_ =	shalt  }
0x54: {  	_ =	shalt  }
0x55: {  	_ =	shalt  }
0x56: {  	_ =	shalt  }
0x57: {  	_ =	shalt  }
0x58: {  	_ =	shalt  }
0x59: {  	_ =	shalt  }
0x5a: {  	_ =	shalt  }
0x5b: {  	_ =	shalt  }
0x5c: {  	_ =	shalt  }
0x5d: {  	_ =	shalt  }
0x5e: {  	_ =	shalt  }
0x5f: {  	_ =	shalt  }
0x60: {  	_ =	shalt  }
0x61: {  	_ =	shalt  }
0x62: {  	_ =	shalt  }
0x63: {  	_ =	shalt  }
0x64: {  	_ =	shalt  }
0x65: {  	_ =	shalt  }
0x66: {  	_ =	shalt  }
0x67: {  	_ =	shalt  }
0x68: {  	_ =	shalt  }
0x69: {  	_ =	shalt  }
0x6a: {  	_ =	shalt  }
0x6b: {  	_ =	shalt  }
0x6c: {  	_ =	shalt  }
0x6d: {  	_ =	shalt  }
0x6e: {  	_ =	shalt  }
0x6f: {  	_ =	shalt  }
0x70: {  	_ =	shalt  }
0x71: {  	_ =	shalt  }
0x72: {  	_ =	shalt  }
0x73: {  	_ =	shalt  }
0x74: {  	_ =	shalt  }
0x75: {  	_ =	shalt  }
0x76: {  	_ =	shalt  }
0x77: {  	_ =	shalt  }
0x78: {  	_ =	shalt  }
0x79: {  	_ =	shalt  }
0x7a: {  	_ =	shalt  }
0x7b: {  	_ =	shalt  }
0x7c: {  	_ =	shalt  }
0x7d: {  	_ =	shalt  }
0x7e: {  	_ =	shalt  }
0x7f: {  	_ =	shalt  }
0x80: {  	_ =	shalt  }
0x81: {  	_ =	shalt  }
0x82: {  	_ =	shalt  }
0x83: {  	_ =	shalt  }
0x84: {  	_ =	shalt  }
0x85: {  	_ =	shalt  }
0x86: {  	_ =	shalt  }
0x87: {  	_ =	shalt  }
.Lfunc_end0:
.L_simem_size_0:
called_computation_lowered:
.L_overlay_start_0:
0x88: {  	s2 =	sld [smem:$0x3FD9]  }
0x89: {  	s3 =	sld [smem:$0x3FFE];
	_ =	sdelay $0x1  }
0x8a: {  	s1 =	srdreg.scid  }
0x8b: {  	s0 =	sand.u32 $0x1, s1  }
0x8c: {  	s17 =	sshll.u32 s0, $0xA;
	s2 =	sadd.s32 s3, s2  }
0x8d: {  	s2 =	sadd.s32 s2, s17  }
0x8e: {  	[smem:$0x3FC5] =	sst s2  }
0x8f: {  	_ = 	snop  }
0x90: {  	s2 =	sld [smem:$0x3FD0];
	(tm) =	ssettm $0x1  }
0x91: {  	s18 =	sld [smem:$0x3FFB];
	_ =	sdelay $0x3  }
0x92: {  	_ =	strace s18  }
0x93: {  	s3 =	sld [smem:$0x3FFC];
	_ =	sdelay $0x3  }
0x94: {  	_ =	strace s3  }
0x95: {  	s3 =	sld [smem:$0x3FFD];
	_ =	sdelay $0x3  }
0x96: {  	_ =	strace s3  }
0x97: {  	_ =	strace $0x8FFFFFFF  }
0x98: {  	s19 =	sld [smem:$0x3FDB];
	_ =	sdelay $0x1  }
0x99: {  	s4 =	simm.s32 $_scs_section_size  }
0x9a: {  	s5 =	simm.s32 $_size__tile_overlayer_lowered;
	s6 =	simm.s32 $_tile_overlayer_lowered  }
0x9b: {  	s22 =	simm.s32 $0x1BFF;
	s21 =	sshll.u32 s6, $0x1;
	s3 =	sadd.s32 s4, s19  }
0x9c: {  	s7 =	simm.s32 $0x0;
	s20 =	sshll.u32 s5, $0x1;
	s5 =	sadd.s32 s21, s3  }
0x9d: {  	[timem:s7], [sflag:s22] =	dma.local [hbm:s5], s20  }
0x9e: {  	_ =	swait.ge [sflag:s22], s20  }
0x9f: {  	s4 =	ssub.s32 $0x0, s20;
	[sflag:s22] =	ssyncset.done $0x0  }
0xa0: {  	[sflag:s22] =	ssyncadd.s32 s4;
	_ =	sdelay $0x1  }
0xa1: {  	s23 =	simm.s32 $0x1B8B  }
0xa2: {  	_ =	swait.ge [sflag:s23], $0x1  }
0xa3: {  	[sflag:s23] =	ssyncset.done $0x0  }
0xa4: {  	s25 =	simm.s32 $0x1B8E;
	s24 =	sld [smem:$0x3FFE];
	[sflag:s23] =	ssyncadd.s32 $0xFFFFFFFF  }
0xa5: {  	s26 =	simm.s32 $execute0_lowered;
	[smem:$0x3FD2] =	sst s25  }
0xa6: {  	s5 =	sshll.u32 s26, $0x1;
	_ =	strace $0x80000046;
	[dreg:$0x1] =	wrdreg $0xFFFFFFFF  }
0xa7: {  	s28 =	simm.s32 $_size_execute0_lowered;
	s3 =	sadd.s32 s3, s5;
	[dreg:$0x0] =	wrdreg $0x0  }
0xa8: {  	s5 =	sshll.u32 s28, $0x1;
	[dreg:$0x2] =	wrdreg s3  }
0xa9: {  	[dreg:$0x3] =	wrdreg s5  }
0xaa: {  	[dreg:$0x4] =	wrdreg $0xC0  }
0xab: {  	_ =	task [dreg:s7], $0x5FFFF  }
0xac: {  	[dreg:$0x1] =	wrdreg $0xFFFFFFFF  }
0xad: {  	[dreg:$0x0] =	wrdreg $0x60  }
0xae: {  	[dreg:$0x2] =	wrdreg s24  }
0xaf: {  	[dreg:$0x3] =	wrdreg s2  }
0xb0: {  	[dreg:$0x4] =	wrdreg $0x9  }
0xb1: {  	_ =	task.clear_ibuf [dreg:s7], $0x5FFFF;
	_ =	strace $0x90000046  }
0xb2: {  	s29 =	simm.s32 $0x9;
	_ =	strace $0x80000048  }
0xb3: {  	_ =	swait.ge [sflag:s29], $0x1  }
0xb4: {  	[sflag:s29] =	ssyncadd.s32 $0xFFFFFFFF  }
0xb5: {  	_ =	strace $0x90000048  }
0xb6: {  	_ =	sfence  }
0xb7: {  	s30 =	sld [smem:$0x0];
	_ =	sdelay $0x2  }
0xb8: {  	s31 =	sshll.u32 s1, $0xD;
	s1 =	sshrl.u32 s1, $0x2  }
0xb9: {  	s3 =	sand.u32 $0x4000, s31;
	s1 =	sadd.s32 s1, s30  }
0xba: {  	s0 =	sor.u32 s3, s0;
	s1 =	sshll.u32 s1, $0x11  }
0xbb: {  	s0 =	sor.u32 s1, s0  }
0xbc: {  	s0 =	sadd.s32 $0x8F2B, s0  }
0xbd: {  	[sflag:s0] =	ssyncadd.remote.s32 $0x1  }
0xbe: {  	_ =	sfence.sel $0xFFFF  }
0xbf: {  	[dreg:$0x0] =	wrdreg $0xFFFFFFFF;
	(pc) =	sbr.abs _section_cstart, $3  }
0xc0: {  	[dreg:$0x1] =	wrdreg $0xFFFFFFFF  }
0xc1: {  	_ =	task.clear_ibuf [dreg:s7], $0x2FFFF;
	_ =	strace $0x9FFFFFFF  }
0xc2: {  	(tm) =	ssettm $0x7FFFFFFF  }
0xc3: {  	_ =	shalt  }
tec
execute0_lowered:
.L_overlay_start_1:
0x0: {  	(tag) =	ssettag $0x1  }
0x1: {  	s0 =	rddreg [dreg:$0x0]  }
0x2: {  	s1 =	rddreg [dreg:$0x1];
	s2 =	simm.s32 $0x0  }
0x3: {  	s18 =	srdreg.scid;
	s10 =	stileid.u32;
	s29 =	simm.s32 $0x10  }
0x4: {  	s31 =	simm.s32 $0x8;
	[smem:$0x7FF] =	sst s2;
	s16 =	sadd.s32 $0x1F200, s0  }
0x5: {  	s17 =	sadd.s32 $0x800, s0;
	_ =	strace $0x80000047;
	[dreg:$0x3] =	wrdreg s16  }
0x6: {  	s5 =	sadd.s32 $0x5DC00, s0;
	s3 =	sadd.s32 $0x1FDC00, s0;
	[dreg:$0x4] =	wrdreg s17  }
0x7: {  	s6 =	sadd.s32 $0x3DC00, s0;
	s19 =	sadd.s32 $0x21C600, s0;
	[dreg:$0x5] =	wrdreg s3  }
0x8: {  	s7 =	sadd.s32 $0x17DC00, s0;
	s11 =	sadd.s32 $0x23B000, s0;
	[dreg:$0x6] =	wrdreg s19  }
0x9: {  	s8 =	sadd.s32 $0xFDC00, s0;
	s22 =	sadd.s32 $0x3DA00, s0;
	[dreg:$0x7] =	wrdreg s11  }
0xa: {  	s9 =	sadd.s32 $0x7DC00, s0;
	s23 =	sadd.s32 $0x21C400, s0;
	[dreg:$0x9] =	wrdreg s22  }
0xb: {  	s2 =	sand.u32 $0x1, s18;
	s24 =	sadd.s32 $0x1F000, s0;
	[dreg:$0xa] =	wrdreg s23  }
0xc: {  	s25 =	sadd.s32 $0x23AE00, s0;
	s0 =	sadd.s32 $0x259800, s0;
	[dreg:$0xb] =	wrdreg s24  }
0xd: {  	s18 =	simm.s32 $0x18;
	s20 =	ssub.s32 $0x2, s2;
	[dreg:$0xc] =	wrdreg s25  }
0xe: {  	s2 =	sshll.u32 s2, $0x4;
	[dreg:$0xd] =	wrdreg s0;
	s22 =	simm.s32 $0x19  }
0xf: {  	s24 =	simm.s32 $0x80;
	s16 =	simm.s32 $0x15;
	s17 =	simm.s32 $0x4  }
.Ltmp0:
0x10: {  	s4 =	sshrl.u32 s20, $0x1;
	s2 =	sor.u32 s10, s2;
	(pc) =	sbr.rel .LBB2_1-.Ltmp0, $4  }
0x11: {  	s3 =	ssub.s32 s20, s4;
	s21 =	sshll.u32 s2, $0xD;
	s26 =	ssub.s32 $0x79, s2  }
0x12: {  	p0 =	sne.s32 s2, $0x1F;
	[dreg:$0x8] =	wrdreg s21;
	s28 =	sshrl.u32 s26, $0x5  }
0x13: {  	s2 =	simm.s32 $0x0;
	s30 =	smax.u32 s3, $0x1;
	[dreg:$0xe] =	wrdreg s28  }
0x14: {  	v0 =	vimm.s32 $0x0;
	s21 =	simm.s32 $0x14;
	s26 =	simm.s32 $0xC;
	[dreg:$0xf] =	wrdreg s30  }
.LBB2_15:
0x15: {  	s2 =	sadd.s32 $0x1, s2;
	s0 =	rddreg [dreg:$0xf]  }
0x16: {  	p1 =	sne.s32 s2, s0  }
.Ltmp1:
0x17: {  	_ = 	snop;
	(pc) =	sbr.rel @!p1 .LBB2_16-.Ltmp1, $1  }
0x18: {  	_ =	sdelay $0x3  }
.LBB2_1:
0x19: {  	[dreg:$0x10] =	wrdreg s2;
	s3 =	simm.s32 $0x0  }
.LBB2_2:
0x1a: {  	s4 =	sshll.u32 s3, $0x12;
	s0 =	rddreg [dreg:$0x8]  }
0x1b: {  	s4 =	sor.u32 s0, s4  }
0x1c: {  	s23 =	rddreg [dreg:$0x3];
	s4 =	sshrl.u32 s4, $0x3  }
0x1d: {  	s12 =	simm.s32 $0x0;
	s11 =	sadd.s32 s23, s4  }
0x1e: {  	[tilespmem:s12], [sflag:$0x19] =	stream.linear.gather [hbm4b:s11+s12], $0x2000, $0x38;
	[tilespmem:$0x1A000] =	vst v63  }
0x1f: {  	_ =	swait.ge [sflag:s22], $0x2000  }
0x20: {  	[sflag:s22] =	ssyncset.done $0x0;
	s25 =	rddreg [dreg:$0x4]  }
0x21: {  	s30 =	simm.s32 $0x2000;
	[sflag:s22] =	ssyncadd.s32 $0xFFFFE000;
	s28 =	sadd.s32 s25, s4  }
0x22: {  	[tilespmem:s30], [sflag:$0x19] =	stream.linear.gather [hbm4b:s28+s12], $0x2000, $0x38;
	[tilespmem:$0x1A000] =	vst v63  }
0x23: {  	_ =	swait.ge [sflag:s22], $0x2000  }
0x24: {  	[sflag:s22] =	ssyncset.done $0x0  }
0x25: {  	s12 =	simm.s32 $0x0;
	[sflag:s22] =	ssyncadd.s32 $0xFFFFE000  }
0x26: {  	v1 =	vld [tilespmem:s12+$0x2000]  }
0x27: {  	s11 =	simm.s32 $0x10;
	v2 =	vld [tilespmem:s12+$0x0]  }
0x28: {  	v6 =	vld [tilespmem:s11+$0x0];
	_ =	sdelay $0x2  }
0x29: {  	v3 =	vmul.f32 $1.023000000e+03, v1  }
0x2a: {  	v1 =	vmul.f32 $2.047000000e+03, v1;
	v5 =	vmul.f32 $2.047000000e+03, v2  }
0x2b: {  	v4 =	vld [tilespmem:s11+$0x2000];
	v2 =	vmul.f32 $1.023000000e+03, v2;
	v8 =	vmul.f32 $1.023000000e+03, v6  }
0x2c: {  	v3 =	vtrunc.f32 v3;
	v1 =	vtrunc.f32 v1  }
0x2d: {  	v5 =	vtrunc.f32 v5;
	v1 =	vcvt.f32.s32 v1  }
0x2e: {  	v7 =	vcvt.f32.s32 v3;
	v3 =	vcvt.f32.s32 v5  }
0x2f: {  	v9 =	vtrunc.f32 v2;
	v5 =	vmul.f32 $2.047000000e+03, v6;
	v1 =	vshll.u32 v1, $0xB  }
0x30: {  	s13 =	simm.s32 $0x20;
	v2 =	vmul.f32 $1.023000000e+03, v4;
	v4 =	vmul.f32 $2.047000000e+03, v4;
	v6 =	vadd.s32 v3, v1  }
0x31: {  	v5 =	vtrunc.f32 v5;
	v3 =	vld [tilespmem:s13+$0x2000];
	[tilespmem:s12+$0x6000] =	vst v6  }
0x32: {  	v4 =	vtrunc.f32 v4;
	v1 =	vshll.u32 v7, $0xA;
	v7 =	vcvt.f32.s32 v5;
	v5 =	vld [tilespmem:s13+$0x0]  }
0x33: {  	v2 =	vtrunc.f32 v2;
	v10 =	vcvt.f32.s32 v4  }
0x34: {  	v4 =	vcvt.f32.s32 v2  }
0x35: {  	s14 =	simm.s32 $0xC0;
	v2 =	vtrunc.f32 v8;
	v8 =	vshll.u32 v10, $0xB;
	v6 =	vcvt.f32.s32 v9  }
.LBB2_3:
0x36: {  	s19 =	sshra.s32 s14, $0x2;
	p1 =	sne.s32 s14, $0x7FC0;
	s14 =	sadd.s32 $0x40, s14;
	v9 =	vmul.f32 $1.023000000e+03, v3;
	v10 =	vmul.f32 $2.047000000e+03, v3;
	v7 =	vadd.s32 v7, v8  }
.Ltmp2:
0x37: {  	v4 =	vshll.u32 v4, $0xA;
	v3 =	vld [tilespmem:s19+$0x2000];
	v11 =	vmul.f32 $1.023000000e+03, v5;
	v8 =	vmul.f32 $2.047000000e+03, v5;
	[tilespmem:s11+$0x6000] =	vst v7;
	(pc) =	sbr.rel @p1 .LBB2_3-.Ltmp2, $4  }
0x38: {  	v6 =	vadd.s32 v6, v1;
	v1 =	vmovc v4;
	v5 =	vld [tilespmem:s19+$0x0];
	v7 =	vtrunc.f32 v9;
	v9 =	vtrunc.f32 v10  }
0x39: {  	v8 =	vtrunc.f32 v8;
	v9 =	vcvt.f32.s32 v9;
	[tilespmem:s12+$0x4000] =	vst v6;
	s12 =	smov.u32 s11;
	s11 =	smov.u32 s13;
	s13 =	smov.u32 s19  }
0x3a: {  	v4 =	vcvt.f32.s32 v7;
	v7 =	vcvt.f32.s32 v8  }
0x3b: {  	v6 =	vcvt.f32.s32 v2;
	v2 =	vtrunc.f32 v11;
	v8 =	vshll.u32 v9, $0xB  }
0x3c: {  	v9 =	vmul.f32 $1.023000000e+03, v3;
	v3 =	vmul.f32 $2.047000000e+03, v3  }
0x3d: {  	v2 =	vcvt.f32.s32 v2;
	v60 =	vmul.f32 $2.047000000e+03, v5  }
0x3e: {  	v10 =	vmul.f32 $1.023000000e+03, v5;
	v3 =	vtrunc.f32 v3  }
0x3f: {  	v7 =	vadd.s32 v7, v8;
	v5 =	vtrunc.f32 v60;
	v3 =	vcvt.f32.s32 v3  }
0x40: {  	v1 =	vadd.s32 v6, v1;
	v9 =	vtrunc.f32 v9;
	v5 =	vcvt.f32.s32 v5  }
0x41: {  	[tilespmem:s11+$0x6000] =	vst v7;
	v61 =	vcvt.f32.s32 v9;
	v62 =	vtrunc.f32 v10;
	v3 =	vshll.u32 v3, $0xB  }
0x42: {  	v4 =	vshll.u32 v4, $0xA;
	[tilespmem:s12+$0x4000] =	vst v1;
	v1 =	vadd.s32 v5, v3;
	v3 =	vcvt.f32.s32 v62  }
0x43: {  	v63 =	vshll.u32 v61, $0xA;
	[tilespmem:s13+$0x6000] =	vst v1;
	v1 =	vadd.s32 v2, v4  }
0x44: {  	[tilespmem:s11+$0x4000] =	vst v1;
	v1 =	vadd.s32 v3, v63  }
0x45: {  	s0 =	simm.s32 $0x4000;
	s2 =	simm.s32 $0x8000;
	[tilespmem:s13+$0x4000] =	vst v1  }
0x46: {  	[tilespmem:s2], [sflag:$0x1] =	stream.indirect.gather [hbm4b:s5+s24], $0x1, s0, s24, $0xb8;
	[tilespmem:$0x1A000] =	vst v63  }
0x47: {  	s10 =	simm.s32 $0xE000;
	s11 =	simm.s32 $0x6000  }
0x48: {  	[tilespmem:s10], [sflag:$0xD] =	stream.indirect.gather [hbm4b:s7+s24], $0x1, s11, s24, $0xb8;
	[tilespmem:$0x1A000] =	vst v63  }
0x49: {  	s12 =	simm.s32 $0xA000  }
0x4a: {  	[tilespmem:s12], [sflag:$0x5] =	stream.indirect.gather [hbm4b:s6+s24], $0x1, s0, s24, $0xb8;
	[tilespmem:$0x1A000] =	vst v63  }
0x4b: {  	s13 =	simm.s32 $0x10000  }
0x4c: {  	[tilespmem:s13], [sflag:$0x11] =	stream.indirect.gather [hbm4b:s8+s24], $0x1, s11, s24, $0xb8;
	[tilespmem:$0x1A000] =	vst v63  }
0x4d: {  	s14 =	simm.s32 $0xC000  }
0x4e: {  	[tilespmem:s14], [sflag:$0x9] =	stream.indirect.gather [hbm4b:s1+s24], $0x1, s0, s24, $0xb8;
	[tilespmem:$0x1A000] =	vst v63  }
0x4f: {  	s15 =	simm.s32 $0x12000  }
0x50: {  	[tilespmem:s15], [sflag:$0x15] =	stream.indirect.gather [hbm4b:s9+s24], $0x1, s11, s24, $0xb8;
	[tilespmem:$0x1A000] =	vst v63  }
0x51: {  	s19 =	simm.s32 $0x4080;
	s20 =	simm.s32 $0x8080  }
0x52: {  	[tilespmem:s20], [sflag:$0x2] =	stream.indirect.gather [hbm4b:s5+s24], $0x1, s19, s24, $0xb8;
	[tilespmem:$0x1A000] =	vst v63  }
0x53: {  	s23 =	simm.s32 $0x6080;
	s25 =	simm.s32 $0xE080  }
0x54: {  	[tilespmem:s25], [sflag:$0xE] =	stream.indirect.gather [hbm4b:s7+s24], $0x1, s23, s24, $0xb8;
	[tilespmem:$0x1A000] =	vst v63  }
0x55: {  	s28 =	simm.s32 $0xA080  }
0x56: {  	[tilespmem:s28], [sflag:$0x6] =	stream.indirect.gather [hbm4b:s6+s24], $0x1, s19, s24, $0xb8;
	[tilespmem:$0x1A000] =	vst v63  }
0x57: {  	s30 =	simm.s32 $0x10080  }
0x58: {  	[tilespmem:s30], [sflag:$0x12] =	stream.indirect.gather [hbm4b:s8+s24], $0x1, s23, s24, $0xb8;
	[tilespmem:$0x1A000] =	vst v63  }
0x59: {  	s11 =	simm.s32 $0xC080  }
0x5a: {  	[tilespmem:s11], [sflag:$0xA] =	stream.indirect.gather [hbm4b:s1+s24], $0x1, s19, s24, $0xb8;
	[tilespmem:$0x1A000] =	vst v63  }
0x5b: {  	s12 =	simm.s32 $0x12080  }
0x5c: {  	[tilespmem:s12], [sflag:$0x16] =	stream.indirect.gather [hbm4b:s9+s24], $0x1, s23, s24, $0xb8;
	[tilespmem:$0x1A000] =	vst v63  }
0x5d: {  	s13 =	simm.s32 $0x4100;
	s14 =	simm.s32 $0x8100  }
0x5e: {  	[tilespmem:s14], [sflag:$0x3] =	stream.indirect.gather [hbm4b:s5+s24], $0x1, s13, s24, $0xb8;
	[tilespmem:$0x1A000] =	vst v63  }
0x5f: {  	s15 =	simm.s32 $0x6100;
	s19 =	simm.s32 $0xE100  }
0x60: {  	[tilespmem:s19], [sflag:$0xF] =	stream.indirect.gather [hbm4b:s7+s24], $0x1, s15, s24, $0xb8;
	[tilespmem:$0x1A000] =	vst v63  }
0x61: {  	s20 =	simm.s32 $0xA100  }
0x62: {  	[tilespmem:s20], [sflag:$0x7] =	stream.indirect.gather [hbm4b:s6+s24], $0x1, s13, s24, $0xb8;
	[tilespmem:$0x1A000] =	vst v63  }
0x63: {  	s23 =	simm.s32 $0x10100  }
0x64: {  	[tilespmem:s23], [sflag:$0x13] =	stream.indirect.gather [hbm4b:s8+s24], $0x1, s15, s24, $0xb8;
	[tilespmem:$0x1A000] =	vst v63  }
0x65: {  	s25 =	simm.s32 $0xC100  }
0x66: {  	[tilespmem:s25], [sflag:$0xB] =	stream.indirect.gather [hbm4b:s1+s24], $0x1, s13, s24, $0xb8;
	[tilespmem:$0x1A000] =	vst v63  }
0x67: {  	s28 =	simm.s32 $0x12100  }
0x68: {  	[tilespmem:s28], [sflag:$0x17] =	stream.indirect.gather [hbm4b:s9+s24], $0x1, s15, s24, $0xb8;
	[tilespmem:$0x1A000] =	vst v63  }
0x69: {  	s30 =	simm.s32 $0x4180;
	s11 =	simm.s32 $0x8180  }
0x6a: {  	[tilespmem:s11], [sflag:$0x4] =	stream.indirect.gather [hbm4b:s5+s24], $0x1, s30, s24, $0xb8;
	[tilespmem:$0x1A000] =	vst v63  }
0x6b: {  	s12 =	simm.s32 $0x6180;
	s13 =	simm.s32 $0xE180  }
0x6c: {  	[tilespmem:s13], [sflag:$0x10] =	stream.indirect.gather [hbm4b:s7+s24], $0x1, s12, s24, $0xb8;
	[tilespmem:$0x1A000] =	vst v63  }
0x6d: {  	s14 =	simm.s32 $0xA180  }
0x6e: {  	[tilespmem:s14], [sflag:$0x8] =	stream.indirect.gather [hbm4b:s6+s24], $0x1, s30, s24, $0xb8;
	[tilespmem:$0x1A000] =	vst v63  }
0x6f: {  	s15 =	simm.s32 $0x10180  }
0x70: {  	[tilespmem:s15], [sflag:$0x14] =	stream.indirect.gather [hbm4b:s8+s24], $0x1, s12, s24, $0xb8;
	[tilespmem:$0x1A000] =	vst v63  }
0x71: {  	s19 =	simm.s32 $0xC180;
	s23 =	simm.s32 $0x0  }
0x72: {  	[tilespmem:s19], [sflag:$0xC] =	stream.indirect.gather [hbm4b:s1+s24], $0x1, s30, s24, $0xb8;
	[tilespmem:$0x1A000] =	vst v63  }
0x73: {  	s20 =	simm.s32 $0x12180;
	s11 =	sand.u32 $0x3, s23  }
0x74: {  	[tilespmem:s20], [sflag:$0x18] =	stream.indirect.gather [hbm4b:s9+s24], $0x1, s12, s24, $0xb8;
	[tilespmem:$0x1A000] =	vst v63  }
0x75: {  	s25 =	simm.s32 $0x8200;
	s28 =	simm.s32 $0x4200;
	s14 =	sadd.s32 $0x1, s11  }
0x76: {  	[tilespmem:s25], [sflag:s14] =	stream.indirect.gather [hbm4b:s5+s24], $0x1, s28, s24, $0xb8;
	[tilespmem:$0x1A000] =	vst v63  }
0x77: {  	s0 =	simm.s32 $0xE200;
	s19 =	simm.s32 $0x6200;
	s20 =	sadd.s32 $0xD, s11  }
0x78: {  	[tilespmem:s0], [sflag:s20] =	stream.indirect.gather [hbm4b:s7+s24], $0x1, s19, s24, $0xb8;
	[tilespmem:$0x1A000] =	vst v63  }
0x79: {  	s2 =	simm.s32 $0xA200;
	s23 =	sadd.s32 $0x5, s11  }
0x7a: {  	[tilespmem:s2], [sflag:s23] =	stream.indirect.gather [hbm4b:s6+s24], $0x1, s28, s24, $0xb8;
	[tilespmem:$0x1A000] =	vst v63  }
0x7b: {  	s10 =	simm.s32 $0x10200;
	s15 =	sadd.s32 $0x11, s11  }
0x7c: {  	[tilespmem:s10], [sflag:s15] =	stream.indirect.gather [hbm4b:s8+s24], $0x1, s19, s24, $0xb8;
	[tilespmem:$0x1A000] =	vst v63  }
0x7d: {  	s30 =	sadd.s32 $0x9, s11;
	s25 =	simm.s32 $0xC200  }
0x7e: {  	[tilespmem:s25], [sflag:s30] =	stream.indirect.gather [hbm4b:s1+s24], $0x1, s28, s24, $0xb8;
	[tilespmem:$0x1A000] =	vst v63  }
0x7f: {  	s12 =	sadd.s32 $0x15, s11;
	s28 =	simm.s32 $0x12200  }
0x80: {  	[tilespmem:s28], [sflag:s12] =	stream.indirect.gather [hbm4b:s9+s24], $0x1, s19, s24, $0xb8;
	[tilespmem:$0x1A000] =	vst v63  }
0x81: {  	_ =	swait.ge [sflag:s14], $0x80  }
0x82: {  	[sflag:s14] =	ssyncset.done $0x0  }
0x83: {  	[sflag:s14] =	ssyncadd.s32 $0xFFFFFF80  }
0x84: {  	_ =	swait.ge [sflag:s20], $0x80  }
0x85: {  	[sflag:s20] =	ssyncset.done $0x0  }
0x86: {  	[sflag:s20] =	ssyncadd.s32 $0xFFFFFF80  }
0x87: {  	_ =	swait.ge [sflag:s23], $0x80  }
0x88: {  	[sflag:s23] =	ssyncset.done $0x0  }
0x89: {  	[sflag:s23] =	ssyncadd.s32 $0xFFFFFF80  }
0x8a: {  	_ =	swait.ge [sflag:s15], $0x80  }
0x8b: {  	[sflag:s15] =	ssyncset.done $0x0  }
0x8c: {  	[sflag:s15] =	ssyncadd.s32 $0xFFFFFF80  }
0x8d: {  	_ =	swait.ge [sflag:s30], $0x80  }
0x8e: {  	s11 =	simm.s32 $0x1;
	[sflag:s30] =	ssyncset.done $0x0  }
0x8f: {  	s19 =	sand.u32 $0x3, s11;
	[sflag:s30] =	ssyncadd.s32 $0xFFFFFF80  }
0x90: {  	s14 =	simm.s32 $0x400;
	s20 =	simm.s32 $0x80;
	_ =	swait.ge [sflag:s12], $0x80  }
.LBB2_5:
0x91: {  	s2 =	sadd.s32 $0x8200, s20  }
0x92: {  	s30 =	sadd.s32 $0x4200, s20;
	[sflag:s12] =	ssyncset.done $0x0;
	s13 =	smov.u32 s14  }
0x93: {  	s23 =	sadd.s32 $0x200, s14;
	s25 =	sadd.s32 $0x1, s19;
	[sflag:s12] =	ssyncadd.s32 $0xFFFFFF80  }
0x94: {  	[tilespmem:s2], [sflag:s25] =	stream.indirect.gather [hbm4b:s5+s24], $0x1, s30, s24, $0xb8;
	[tilespmem:$0x1A000] =	vst v63  }
0x95: {  	s0 =	sadd.s32 $0x6200, s20;
	s28 =	sadd.s32 $0xD, s19;
	s2 =	sadd.s32 $0xE200, s20  }
0x96: {  	[tilespmem:s2], [sflag:s28] =	stream.indirect.gather [hbm4b:s7+s24], $0x1, s0, s24, $0xb8;
	[tilespmem:$0x1A000] =	vst v63  }
0x97: {  	p1 =	sne.s32 s14, $0x7600;
	s14 =	sadd.s32 $0x5, s19;
	s2 =	sadd.s32 $0xA200, s20  }
0x98: {  	[tilespmem:s2], [sflag:s14] =	stream.indirect.gather [hbm4b:s6+s24], $0x1, s30, s24, $0xb8;
	[tilespmem:$0x1A000] =	vst v63  }
0x99: {  	s10 =	sadd.s32 $0x11, s19;
	s2 =	sadd.s32 $0x10200, s20  }
0x9a: {  	[tilespmem:s2], [sflag:s10] =	stream.indirect.gather [hbm4b:s8+s24], $0x1, s0, s24, $0xb8;
	[tilespmem:$0x1A000] =	vst v63  }
0x9b: {  	s15 =	sadd.s32 $0x9, s19;
	s2 =	sadd.s32 $0xC200, s20  }
0x9c: {  	[tilespmem:s2], [sflag:s15] =	stream.indirect.gather [hbm4b:s1+s24], $0x1, s30, s24, $0xb8;
	[tilespmem:$0x1A000] =	vst v63  }
0x9d: {  	s12 =	sadd.s32 $0x15, s19;
	s2 =	sadd.s32 $0x12200, s20  }
0x9e: {  	[tilespmem:s2], [sflag:s12] =	stream.indirect.gather [hbm4b:s9+s24], $0x1, s0, s24, $0xb8;
	[tilespmem:$0x1A000] =	vst v63  }
0x9f: {  	_ =	swait.ge [sflag:s25], $0x80  }
0xa0: {  	[sflag:s25] =	ssyncset.done $0x0  }
0xa1: {  	[sflag:s25] =	ssyncadd.s32 $0xFFFFFF80  }
0xa2: {  	_ =	swait.ge [sflag:s28], $0x80  }
0xa3: {  	[sflag:s28] =	ssyncset.done $0x0  }
0xa4: {  	[sflag:s28] =	ssyncadd.s32 $0xFFFFFF80  }
0xa5: {  	_ =	swait.ge [sflag:s14], $0x80  }
0xa6: {  	[sflag:s14] =	ssyncset.done $0x0  }
0xa7: {  	[sflag:s14] =	ssyncadd.s32 $0xFFFFFF80  }
0xa8: {  	_ =	swait.ge [sflag:s10], $0x80  }
0xa9: {  	[sflag:s10] =	ssyncset.done $0x0  }
.Ltmp3:
0xaa: {  	[sflag:s10] =	ssyncadd.s32 $0xFFFFFF80;
	(pc) =	sbr.rel @p1 .LBB2_5-.Ltmp3, $4  }
0xab: {  	_ =	swait.ge [sflag:s15], $0x80  }
0xac: {  	s11 =	sadd.s32 $0x1, s11;
	[sflag:s15] =	ssyncset.done $0x0  }
0xad: {  	s19 =	sand.u32 $0x3, s11;
	[sflag:s15] =	ssyncadd.s32 $0xFFFFFF80  }
0xae: {  	s20 =	sshra.s32 s13, $0x2;
	s14 =	smov.u32 s23;
	_ =	swait.ge [sflag:s12], $0x80  }
0xaf: {  	s0 =	sadd.s32 $0x8200, s20;
	[sflag:s12] =	ssyncset.done $0x0  }
0xb0: {  	s2 =	sadd.s32 $0x4200, s20;
	s10 =	sadd.s32 $0x1, s19;
	[sflag:s12] =	ssyncadd.s32 $0xFFFFFF80  }
0xb1: {  	[tilespmem:s0], [sflag:s10] =	stream.indirect.gather [hbm4b:s5+s24], $0x1, s2, s24, $0xb8;
	[tilespmem:$0x1A000] =	vst v63  }
0xb2: {  	s15 =	sadd.s32 $0xE200, s20;
	s11 =	sadd.s32 $0x6200, s20;
	s23 =	sadd.s32 $0xD, s19  }
0xb3: {  	[tilespmem:s15], [sflag:s23] =	stream.indirect.gather [hbm4b:s7+s24], $0x1, s11, s24, $0xb8;
	[tilespmem:$0x1A000] =	vst v63  }
0xb4: {  	s25 =	sadd.s32 $0xA200, s20;
	s13 =	sadd.s32 $0x5, s19  }
0xb5: {  	[tilespmem:s25], [sflag:s13] =	stream.indirect.gather [hbm4b:s6+s24], $0x1, s2, s24, $0xb8;
	[tilespmem:$0x1A000] =	vst v63  }
0xb6: {  	s28 =	sadd.s32 $0x10200, s20;
	s14 =	sadd.s32 $0x11, s19  }
0xb7: {  	[tilespmem:s28], [sflag:s14] =	stream.indirect.gather [hbm4b:s8+s24], $0x1, s11, s24, $0xb8;
	[tilespmem:$0x1A000] =	vst v63  }
0xb8: {  	s30 =	sadd.s32 $0xC200, s20;
	s15 =	sadd.s32 $0x9, s19  }
0xb9: {  	[tilespmem:s30], [sflag:s15] =	stream.indirect.gather [hbm4b:s1+s24], $0x1, s2, s24, $0xb8;
	[tilespmem:$0x1A000] =	vst v63  }
0xba: {  	s2 =	sadd.s32 $0x12200, s20;
	s20 =	sadd.s32 $0x15, s19  }
0xbb: {  	[tilespmem:s2], [sflag:s20] =	stream.indirect.gather [hbm4b:s9+s24], $0x1, s11, s24, $0xb8;
	[tilespmem:$0x1A000] =	vst v63  }
0xbc: {  	_ =	swait.ge [sflag:s10], $0x80  }
0xbd: {  	[sflag:s10] =	ssyncset.done $0x0  }
0xbe: {  	[sflag:s10] =	ssyncadd.s32 $0xFFFFFF80  }
0xbf: {  	_ =	swait.ge [sflag:s23], $0x80  }
0xc0: {  	[sflag:s23] =	ssyncset.done $0x0  }
0xc1: {  	[sflag:s23] =	ssyncadd.s32 $0xFFFFFF80  }
0xc2: {  	_ =	swait.ge [sflag:s13], $0x80  }
0xc3: {  	[sflag:s13] =	ssyncset.done $0x0  }
0xc4: {  	[sflag:s13] =	ssyncadd.s32 $0xFFFFFF80  }
0xc5: {  	_ =	swait.ge [sflag:s14], $0x80  }
0xc6: {  	[sflag:s14] =	ssyncset.done $0x0  }
0xc7: {  	[sflag:s14] =	ssyncadd.s32 $0xFFFFFF80  }
0xc8: {  	_ =	swait.ge [sflag:s15], $0x80  }
0xc9: {  	[sflag:s15] =	ssyncset.done $0x0  }
0xca: {  	[sflag:s15] =	ssyncadd.s32 $0xFFFFFF80  }
0xcb: {  	_ =	swait.ge [sflag:s20], $0x80  }
0xcc: {  	[sflag:s20] =	ssyncset.done $0x0  }
0xcd: {  	s23 =	simm.s32 $0x1;
	[sflag:s20] =	ssyncadd.s32 $0xFFFFFF80  }
0xce: {  	_ =	swait.ge [sflag:s23], $0x80  }
0xcf: {  	[sflag:s23] =	ssyncset.done $0x0  }
0xd0: {  	s25 =	simm.s32 $0xD;
	[sflag:s23] =	ssyncadd.s32 $0xFFFFFF80  }
0xd1: {  	_ =	swait.ge [sflag:s25], $0x80  }
0xd2: {  	[sflag:s25] =	ssyncset.done $0x0  }
0xd3: {  	s28 =	simm.s32 $0x5;
	[sflag:s25] =	ssyncadd.s32 $0xFFFFFF80  }
0xd4: {  	_ =	swait.ge [sflag:s28], $0x80  }
0xd5: {  	[sflag:s28] =	ssyncset.done $0x0  }
0xd6: {  	s30 =	simm.s32 $0x11;
	[sflag:s28] =	ssyncadd.s32 $0xFFFFFF80  }
0xd7: {  	_ =	swait.ge [sflag:s30], $0x80  }
0xd8: {  	[sflag:s30] =	ssyncset.done $0x0  }
0xd9: {  	s2 =	simm.s32 $0x9;
	[sflag:s30] =	ssyncadd.s32 $0xFFFFFF80  }
0xda: {  	_ =	swait.ge [sflag:s2], $0x80  }
0xdb: {  	[sflag:s2] =	ssyncset.done $0x0  }
0xdc: {  	[sflag:s2] =	ssyncadd.s32 $0xFFFFFF80  }
0xdd: {  	_ =	swait.ge [sflag:s16], $0x80  }
0xde: {  	[sflag:s16] =	ssyncset.done $0x0  }
0xdf: {  	s10 =	simm.s32 $0x2;
	[sflag:s16] =	ssyncadd.s32 $0xFFFFFF80  }
0xe0: {  	_ =	swait.ge [sflag:s10], $0x80  }
0xe1: {  	[sflag:s10] =	ssyncset.done $0x0  }
0xe2: {  	s11 =	simm.s32 $0xE;
	[sflag:s10] =	ssyncadd.s32 $0xFFFFFF80  }
0xe3: {  	_ =	swait.ge [sflag:s11], $0x80  }
0xe4: {  	[sflag:s11] =	ssyncset.done $0x0  }
0xe5: {  	s12 =	simm.s32 $0x6;
	[sflag:s11] =	ssyncadd.s32 $0xFFFFFF80  }
0xe6: {  	_ =	swait.ge [sflag:s12], $0x80  }
0xe7: {  	[sflag:s12] =	ssyncset.done $0x0  }
0xe8: {  	s13 =	simm.s32 $0x12;
	[sflag:s12] =	ssyncadd.s32 $0xFFFFFF80  }
0xe9: {  	_ =	swait.ge [sflag:s13], $0x80  }
0xea: {  	[sflag:s13] =	ssyncset.done $0x0  }
0xeb: {  	s14 =	simm.s32 $0xA;
	[sflag:s13] =	ssyncadd.s32 $0xFFFFFF80  }
0xec: {  	_ =	swait.ge [sflag:s14], $0x80  }
0xed: {  	[sflag:s14] =	ssyncset.done $0x0  }
0xee: {  	s15 =	simm.s32 $0x16;
	[sflag:s14] =	ssyncadd.s32 $0xFFFFFF80  }
0xef: {  	_ =	swait.ge [sflag:s15], $0x80  }
0xf0: {  	[sflag:s15] =	ssyncset.done $0x0  }
0xf1: {  	s19 =	simm.s32 $0x3;
	[sflag:s15] =	ssyncadd.s32 $0xFFFFFF80  }
0xf2: {  	_ =	swait.ge [sflag:s19], $0x80  }
0xf3: {  	[sflag:s19] =	ssyncset.done $0x0  }
0xf4: {  	s20 =	simm.s32 $0xF;
	[sflag:s19] =	ssyncadd.s32 $0xFFFFFF80  }
0xf5: {  	_ =	swait.ge [sflag:s20], $0x80  }
0xf6: {  	[sflag:s20] =	ssyncset.done $0x0  }
0xf7: {  	s23 =	simm.s32 $0x7;
	[sflag:s20] =	ssyncadd.s32 $0xFFFFFF80  }
0xf8: {  	_ =	swait.ge [sflag:s23], $0x80  }
0xf9: {  	[sflag:s23] =	ssyncset.done $0x0  }
0xfa: {  	s25 =	simm.s32 $0x13;
	[sflag:s23] =	ssyncadd.s32 $0xFFFFFF80  }
0xfb: {  	_ =	swait.ge [sflag:s25], $0x80  }
0xfc: {  	[sflag:s25] =	ssyncset.done $0x0  }
0xfd: {  	s28 =	simm.s32 $0xB;
	[sflag:s25] =	ssyncadd.s32 $0xFFFFFF80  }
0xfe: {  	_ =	swait.ge [sflag:s28], $0x80  }
0xff: {  	[sflag:s28] =	ssyncset.done $0x0  }
0x100: {  	s30 =	simm.s32 $0x17;
	[sflag:s28] =	ssyncadd.s32 $0xFFFFFF80  }
0x101: {  	_ =	swait.ge [sflag:s30], $0x80  }
0x102: {  	[sflag:s30] =	ssyncset.done $0x0  }
0x103: {  	[sflag:s30] =	ssyncadd.s32 $0xFFFFFF80  }
0x104: {  	_ =	swait.ge [sflag:s17], $0x80  }
0x105: {  	[sflag:s17] =	ssyncset.done $0x0  }
0x106: {  	[sflag:s17] =	ssyncadd.s32 $0xFFFFFF80  }
0x107: {  	_ =	swait.ge [sflag:s29], $0x80  }
0x108: {  	[sflag:s29] =	ssyncset.done $0x0  }
0x109: {  	[sflag:s29] =	ssyncadd.s32 $0xFFFFFF80  }
0x10a: {  	_ =	swait.ge [sflag:s31], $0x80  }
0x10b: {  	[sflag:s31] =	ssyncset.done $0x0  }
0x10c: {  	[sflag:s31] =	ssyncadd.s32 $0xFFFFFF80  }
0x10d: {  	_ =	swait.ge [sflag:s21], $0x80  }
0x10e: {  	[sflag:s21] =	ssyncset.done $0x0  }
0x10f: {  	[sflag:s21] =	ssyncadd.s32 $0xFFFFFF80  }
0x110: {  	_ =	swait.ge [sflag:s26], $0x80  }
0x111: {  	[sflag:s26] =	ssyncset.done $0x0  }
0x112: {  	[sflag:s26] =	ssyncadd.s32 $0xFFFFFF80  }
0x113: {  	_ =	swait.ge [sflag:s18], $0x80  }
0x114: {  	[sflag:s18] =	ssyncset.done $0x0  }
0x115: {  	s12 =	simm.s32 $0x0;
	[sflag:s18] =	ssyncadd.s32 $0xFFFFFF80  }
0x116: {  	v2 =	vld [tilespmem:s12+$0xC000]  }
0x117: {  	v3 =	vld [tilespmem:s12+$0x12000]  }
0x118: {  	v5 =	vld [tilespmem:s12+$0x8000]  }
0x119: {  	v6 =	vld [tilespmem:s12+$0xE000]  }
0x11a: {  	v7 =	vld [tilespmem:s12+$0xA000]  }
0x11b: {  	s11 =	simm.s32 $0x10;
	v8 =	vld [tilespmem:s12+$0x10000]  }
0x11c: {  	v1 =	vld [tilespmem:s11+$0xC000];
	v3 =	vadd.f32 v3, v2  }
0x11d: {  	v4 =	vld [tilespmem:s11+$0x12000]  }
0x11e: {  	v2 =	vld [tilespmem:s11+$0x8000];
	v6 =	vadd.f32 v6, v5;
	[tilespmem:s12+$0x18000] =	vst v3  }
0x11f: {  	v5 =	vld [tilespmem:s11+$0xE000]  }
0x120: {  	s13 =	simm.s32 $0x80;
	v3 =	vld [tilespmem:s11+$0xA000];
	[tilespmem:s12+$0x14000] =	vst v6;
	v6 =	vadd.f32 v8, v7  }
.LBB2_7:
0x121: {  	s0 =	sshra.s32 s13, $0x2;
	v7 =	vld [tilespmem:s11+$0x10000];
	p1 =	sne.s32 s13, $0x7FC0  }
.Ltmp4:
0x122: {  	s13 =	sadd.s32 $0x40, s13;
	v8 =	vadd.f32 v4, v1;
	v1 =	vld [tilespmem:s0+$0xC000];
	[tilespmem:s12+$0x16000] =	vst v6;
	(pc) =	sbr.rel @p1 .LBB2_7-.Ltmp4, $4  }
0x123: {  	s12 =	smov.u32 s11;
	s11 =	smov.u32 s0;
	v4 =	vld [tilespmem:s0+$0x12000]  }
0x124: {  	v6 =	vadd.f32 v5, v2;
	v2 =	vld [tilespmem:s11+$0x8000];
	[tilespmem:s12+$0x18000] =	vst v8  }
0x125: {  	v5 =	vld [tilespmem:s11+$0xE000]  }
0x126: {  	[tilespmem:s12+$0x14000] =	vst v6;
	v6 =	vadd.f32 v7, v3;
	v3 =	vld [tilespmem:s11+$0xA000]  }
0x127: {  	v7 =	vld [tilespmem:s11+$0x10000];
	_ =	sdelay $0x2  }
0x128: {  	v1 =	vadd.f32 v4, v1  }
0x129: {  	[tilespmem:s12+$0x16000] =	vst v6;
	v2 =	vadd.f32 v5, v2  }
0x12a: {  	[tilespmem:s11+$0x18000] =	vst v1;
	v1 =	vadd.f32 v7, v3  }
0x12b: {  	s0 =	rddreg [dreg:$0x5];
	[tilespmem:s11+$0x14000] =	vst v2  }
0x12c: {  	s2 =	simm.s32 $0x0;
	s10 =	simm.s32 $0x14000;
	s0 =	sadd.s32 s0, s4;
	[tilespmem:s11+$0x16000] =	vst v1  }
0x12d: {  	[hbm4b:s0+s2] =	stream.linear.scatter [tilespmem:s10], [sflag:$0x19], $0x2000, $0x38;
	[tilespmem:$0x1A000] =	vst v63  }
0x12e: {  	_ =	swait.ge [sflag:s22], $0x2000  }
0x12f: {  	[sflag:s22] =	ssyncset.done $0x0;
	s19 =	rddreg [dreg:$0x6]  }
0x130: {  	s20 =	simm.s32 $0x16000;
	[sflag:s22] =	ssyncadd.s32 $0xFFFFE000;
	s0 =	sadd.s32 s19, s4  }
0x131: {  	[hbm4b:s0+s2] =	stream.linear.scatter [tilespmem:s20], [sflag:$0x19], $0x2000, $0x38;
	[tilespmem:$0x1A000] =	vst v63  }
0x132: {  	_ =	swait.ge [sflag:s22], $0x2000  }
0x133: {  	[sflag:s22] =	ssyncset.done $0x0;
	s23 =	rddreg [dreg:$0x7]  }
0x134: {  	s25 =	simm.s32 $0x18000;
	[sflag:s22] =	ssyncadd.s32 $0xFFFFE000;
	s0 =	sadd.s32 s23, s4  }
0x135: {  	[hbm4b:s0+s2] =	stream.linear.scatter [tilespmem:s25], [sflag:$0x19], $0x2000, $0x38;
	[tilespmem:$0x1A000] =	vst v63  }
0x136: {  	_ =	swait.ge [sflag:s22], $0x2000  }
0x137: {  	s30 =	rddreg [dreg:$0xe]  }
0x138: {  	p1 =	sne.s32 s3, s30  }
.Ltmp5:
0x139: {  	_ = 	snop;
	(pc) =	sbr.rel @p1 .LBB2_2-.Ltmp5, $3  }
0x13a: {  	_ =	sdelay $0x1  }
0x13b: {  	s28 =	sadd.s32 $0x1, s3;
	[sflag:s22] =	ssyncset.done $0x0  }
0x13c: {  	[sflag:s22] =	ssyncadd.s32 $0xFFFFE000;
	s3 =	smov.u32 s28  }
.Ltmp6:
0x13d: {  	(pc) =	sbr.rel @p0 .LBB2_15-.Ltmp6, $2  }
0x13e: {  	_ =	sdelay $0x2  }
0x13f: {  	s2 =	rddreg [dreg:$0x10]  }
0x140: {  	s0 =	simm.s32 $0x0;
	s2 =	rddreg [dreg:$0x9]  }
0x141: {  	[tilespmem:s0], [sflag:$0x19] =	stream.linear.gather [hbm4b:s2+s0], $0x240, $0x38;
	[tilespmem:$0x1A000] =	vst v63  }
0x142: {  	_ =	swait.ge [sflag:s22], $0x240  }
0x143: {  	[sflag:s22] =	ssyncset.done $0x0  }
0x144: {  	s3 =	simm.s32 $0x2000;
	s30 =	rddreg [dreg:$0xb];
	[sflag:s22] =	ssyncadd.s32 $0xFFFFFDC0  }
0x145: {  	[tilespmem:s3], [sflag:$0x19] =	stream.linear.gather [hbm4b:s30+s0], $0x240, $0x38;
	[tilespmem:$0x1A000] =	vst v63  }
0x146: {  	_ =	swait.ge [sflag:s22], $0x240  }
0x147: {  	[sflag:s22] =	ssyncset.done $0x0  }
0x148: {  	s4 =	simm.s32 $0x0;
	[sflag:s22] =	ssyncadd.s32 $0xFFFFFDC0  }
0x149: {  	v1 =	vld [tilespmem:s4+$0x2000]  }
0x14a: {  	s3 =	simm.s32 $0x10;
	v2 =	vld [tilespmem:s4+$0x0]  }
0x14b: {  	v6 =	vld [tilespmem:s3+$0x0];
	_ =	sdelay $0x2  }
0x14c: {  	v3 =	vmul.f32 $1.023000000e+03, v1  }
0x14d: {  	v1 =	vmul.f32 $2.047000000e+03, v1;
	v5 =	vmul.f32 $2.047000000e+03, v2  }
0x14e: {  	v4 =	vld [tilespmem:s3+$0x2000];
	v2 =	vmul.f32 $1.023000000e+03, v2;
	v8 =	vmul.f32 $1.023000000e+03, v6  }
0x14f: {  	v3 =	vtrunc.f32 v3;
	v1 =	vtrunc.f32 v1  }
0x150: {  	v5 =	vtrunc.f32 v5;
	v1 =	vcvt.f32.s32 v1  }
0x151: {  	v7 =	vcvt.f32.s32 v3;
	v3 =	vcvt.f32.s32 v5  }
0x152: {  	v9 =	vtrunc.f32 v2;
	v5 =	vmul.f32 $2.047000000e+03, v6;
	v1 =	vshll.u32 v1, $0xB  }
0x153: {  	s11 =	simm.s32 $0x20;
	v2 =	vmul.f32 $1.023000000e+03, v4;
	v4 =	vmul.f32 $2.047000000e+03, v4;
	v6 =	vadd.s32 v3, v1  }
0x154: {  	v5 =	vtrunc.f32 v5;
	v3 =	vld [tilespmem:s11+$0x2000];
	[tilespmem:s4+$0x6000] =	vst v6  }
0x155: {  	v4 =	vtrunc.f32 v4;
	v1 =	vshll.u32 v7, $0xA;
	v7 =	vcvt.f32.s32 v5;
	v5 =	vld [tilespmem:s11+$0x0]  }
0x156: {  	v2 =	vtrunc.f32 v2;
	v10 =	vcvt.f32.s32 v4  }
0x157: {  	v4 =	vcvt.f32.s32 v2  }
0x158: {  	s12 =	simm.s32 $0xC0;
	v2 =	vtrunc.f32 v8;
	v8 =	vshll.u32 v10, $0xB;
	v6 =	vcvt.f32.s32 v9  }
.LBB2_11:
0x159: {  	s0 =	sshra.s32 s12, $0x2;
	p1 =	sne.s32 s12, $0x8C0;
	s12 =	sadd.s32 $0x40, s12;
	v9 =	vmul.f32 $1.023000000e+03, v3;
	v10 =	vmul.f32 $2.047000000e+03, v3;
	v7 =	vadd.s32 v7, v8  }
.Ltmp7:
0x15a: {  	v4 =	vshll.u32 v4, $0xA;
	v3 =	vld [tilespmem:s0+$0x2000];
	v11 =	vmul.f32 $1.023000000e+03, v5;
	v8 =	vmul.f32 $2.047000000e+03, v5;
	[tilespmem:s3+$0x6000] =	vst v7;
	(pc) =	sbr.rel @p1 .LBB2_11-.Ltmp7, $4  }
0x15b: {  	v6 =	vadd.s32 v6, v1;
	v1 =	vmovc v4;
	v5 =	vld [tilespmem:s0+$0x0];
	v7 =	vtrunc.f32 v9;
	v9 =	vtrunc.f32 v10  }
0x15c: {  	v8 =	vtrunc.f32 v8;
	v9 =	vcvt.f32.s32 v9;
	[tilespmem:s4+$0x4000] =	vst v6;
	s4 =	smov.u32 s3;
	s3 =	smov.u32 s11;
	s11 =	smov.u32 s0  }
0x15d: {  	v4 =	vcvt.f32.s32 v7;
	v7 =	vcvt.f32.s32 v8  }
0x15e: {  	v6 =	vcvt.f32.s32 v2;
	v2 =	vtrunc.f32 v11;
	v8 =	vshll.u32 v9, $0xB  }
0x15f: {  	v9 =	vmul.f32 $1.023000000e+03, v3;
	v3 =	vmul.f32 $2.047000000e+03, v3  }
0x160: {  	v10 =	vmul.f32 $1.023000000e+03, v5;
	v5 =	vmul.f32 $2.047000000e+03, v5  }
0x161: {  	v2 =	vcvt.f32.s32 v2;
	v3 =	vtrunc.f32 v3  }
0x162: {  	v7 =	vadd.s32 v7, v8;
	v5 =	vtrunc.f32 v5;
	v3 =	vcvt.f32.s32 v3  }
0x163: {  	v1 =	vadd.s32 v6, v1;
	v9 =	vtrunc.f32 v9;
	v5 =	vcvt.f32.s32 v5  }
0x164: {  	[tilespmem:s3+$0x6000] =	vst v7;
	v6 =	vcvt.f32.s32 v9;
	v7 =	vtrunc.f32 v10;
	v3 =	vshll.u32 v3, $0xB  }
0x165: {  	v4 =	vshll.u32 v4, $0xA;
	[tilespmem:s4+$0x4000] =	vst v1;
	v1 =	vadd.s32 v5, v3;
	v3 =	vcvt.f32.s32 v7  }
0x166: {  	v5 =	vshll.u32 v6, $0xA;
	[tilespmem:s11+$0x6000] =	vst v1;
	v1 =	vadd.s32 v2, v4  }
0x167: {  	[tilespmem:s3+$0x4000] =	vst v1;
	v1 =	vadd.s32 v3, v5  }
0x168: {  	[tilespmem:s11+$0x4000] =	vst v1  }
0x169: {  	[tilespmem:$0x4240] =	vst v0  }
0x16a: {  	[tilespmem:$0x6240] =	vst v0  }
0x16b: {  	[tilespmem:$0x4250] =	vst v0  }
0x16c: {  	[tilespmem:$0x6250] =	vst v0  }
0x16d: {  	[tilespmem:$0x4260] =	vst v0  }
0x16e: {  	[tilespmem:$0x6260] =	vst v0  }
0x16f: {  	[tilespmem:$0x4270] =	vst v0  }
0x170: {  	s0 =	simm.s32 $0x4000;
	s2 =	simm.s32 $0x8000;
	[tilespmem:$0x6270] =	vst v0  }
0x171: {  	[tilespmem:s2], [sflag:$0x1] =	stream.indirect.gather [hbm4b:s5+s24], $0x1, s0, s24, $0xb8;
	[tilespmem:$0x1A000] =	vst v63  }
0x172: {  	s10 =	simm.s32 $0xE000;
	s4 =	simm.s32 $0x6000  }
0x173: {  	[tilespmem:s10], [sflag:$0xD] =	stream.indirect.gather [hbm4b:s7+s24], $0x1, s4, s24, $0xb8;
	[tilespmem:$0x1A000] =	vst v63  }
0x174: {  	s11 =	simm.s32 $0xA000  }
0x175: {  	[tilespmem:s11], [sflag:$0x5] =	stream.indirect.gather [hbm4b:s6+s24], $0x1, s0, s24, $0xb8;
	[tilespmem:$0x1A000] =	vst v63  }
0x176: {  	s12 =	simm.s32 $0x10000  }
0x177: {  	[tilespmem:s12], [sflag:$0x11] =	stream.indirect.gather [hbm4b:s8+s24], $0x1, s4, s24, $0xb8;
	[tilespmem:$0x1A000] =	vst v63  }
0x178: {  	s13 =	simm.s32 $0xC000  }
0x179: {  	[tilespmem:s13], [sflag:$0x9] =	stream.indirect.gather [hbm4b:s1+s24], $0x1, s0, s24, $0xb8;
	[tilespmem:$0x1A000] =	vst v63  }
0x17a: {  	s14 =	simm.s32 $0x12000  }
0x17b: {  	[tilespmem:s14], [sflag:$0x15] =	stream.indirect.gather [hbm4b:s9+s24], $0x1, s4, s24, $0xb8;
	[tilespmem:$0x1A000] =	vst v63  }
0x17c: {  	s15 =	simm.s32 $0x4080;
	s19 =	simm.s32 $0x8080  }
0x17d: {  	[tilespmem:s19], [sflag:$0x2] =	stream.indirect.gather [hbm4b:s5+s24], $0x1, s15, s24, $0xb8;
	[tilespmem:$0x1A000] =	vst v63  }
0x17e: {  	s20 =	simm.s32 $0x6080;
	s23 =	simm.s32 $0xE080  }
0x17f: {  	[tilespmem:s23], [sflag:$0xE] =	stream.indirect.gather [hbm4b:s7+s24], $0x1, s20, s24, $0xb8;
	[tilespmem:$0x1A000] =	vst v63  }
0x180: {  	s25 =	simm.s32 $0xA080  }
0x181: {  	[tilespmem:s25], [sflag:$0x6] =	stream.indirect.gather [hbm4b:s6+s24], $0x1, s15, s24, $0xb8;
	[tilespmem:$0x1A000] =	vst v63  }
0x182: {  	s28 =	simm.s32 $0x10080  }
0x183: {  	[tilespmem:s28], [sflag:$0x12] =	stream.indirect.gather [hbm4b:s8+s24], $0x1, s20, s24, $0xb8;
	[tilespmem:$0x1A000] =	vst v63  }
0x184: {  	s30 =	simm.s32 $0xC080  }
0x185: {  	[tilespmem:s30], [sflag:$0xA] =	stream.indirect.gather [hbm4b:s1+s24], $0x1, s15, s24, $0xb8;
	[tilespmem:$0x1A000] =	vst v63  }
0x186: {  	s3 =	simm.s32 $0x12080  }
0x187: {  	[tilespmem:s3], [sflag:$0x16] =	stream.indirect.gather [hbm4b:s9+s24], $0x1, s20, s24, $0xb8;
	[tilespmem:$0x1A000] =	vst v63  }
0x188: {  	s10 =	simm.s32 $0x8100;
	s4 =	simm.s32 $0x4100  }
0x189: {  	[tilespmem:s10], [sflag:$0x3] =	stream.indirect.gather [hbm4b:s5+s24], $0x1, s4, s24, $0xb8;
	[tilespmem:$0x1A000] =	vst v63  }
0x18a: {  	s11 =	simm.s32 $0x6100;
	s12 =	simm.s32 $0xE100  }
0x18b: {  	[tilespmem:s12], [sflag:$0xF] =	stream.indirect.gather [hbm4b:s7+s24], $0x1, s11, s24, $0xb8;
	[tilespmem:$0x1A000] =	vst v63  }
0x18c: {  	s13 =	simm.s32 $0xA100  }
0x18d: {  	[tilespmem:s13], [sflag:$0x7] =	stream.indirect.gather [hbm4b:s6+s24], $0x1, s4, s24, $0xb8;
	[tilespmem:$0x1A000] =	vst v63  }
0x18e: {  	s14 =	simm.s32 $0x10100  }
0x18f: {  	[tilespmem:s14], [sflag:$0x13] =	stream.indirect.gather [hbm4b:s8+s24], $0x1, s11, s24, $0xb8;
	[tilespmem:$0x1A000] =	vst v63  }
0x190: {  	s15 =	simm.s32 $0xC100  }
0x191: {  	[tilespmem:s15], [sflag:$0xB] =	stream.indirect.gather [hbm4b:s1+s24], $0x1, s4, s24, $0xb8;
	[tilespmem:$0x1A000] =	vst v63  }
0x192: {  	s19 =	simm.s32 $0x12100  }
0x193: {  	[tilespmem:s19], [sflag:$0x17] =	stream.indirect.gather [hbm4b:s9+s24], $0x1, s11, s24, $0xb8;
	[tilespmem:$0x1A000] =	vst v63  }
0x194: {  	s23 =	simm.s32 $0x8180;
	s20 =	simm.s32 $0x4180  }
0x195: {  	[tilespmem:s23], [sflag:$0x4] =	stream.indirect.gather [hbm4b:s5+s24], $0x1, s20, s24, $0xb8;
	[tilespmem:$0x1A000] =	vst v63  }
0x196: {  	s25 =	simm.s32 $0x6180;
	s28 =	simm.s32 $0xE180  }
0x197: {  	[tilespmem:s28], [sflag:$0x10] =	stream.indirect.gather [hbm4b:s7+s24], $0x1, s25, s24, $0xb8;
	[tilespmem:$0x1A000] =	vst v63  }
0x198: {  	s30 =	simm.s32 $0xA180  }
0x199: {  	[tilespmem:s30], [sflag:$0x8] =	stream.indirect.gather [hbm4b:s6+s24], $0x1, s20, s24, $0xb8;
	[tilespmem:$0x1A000] =	vst v63  }
0x19a: {  	s4 =	simm.s32 $0x10180  }
0x19b: {  	[tilespmem:s4], [sflag:$0x14] =	stream.indirect.gather [hbm4b:s8+s24], $0x1, s25, s24, $0xb8;
	[tilespmem:$0x1A000] =	vst v63  }
0x19c: {  	s10 =	simm.s32 $0xC180  }
0x19d: {  	[tilespmem:s10], [sflag:$0xC] =	stream.indirect.gather [hbm4b:s1+s24], $0x1, s20, s24, $0xb8;
	[tilespmem:$0x1A000] =	vst v63  }
0x19e: {  	s11 =	simm.s32 $0x12180  }
0x19f: {  	[tilespmem:s11], [sflag:$0x18] =	stream.indirect.gather [hbm4b:s9+s24], $0x1, s25, s24, $0xb8;
	[tilespmem:$0x1A000] =	vst v63  }
0x1a0: {  	s12 =	simm.s32 $0x4200;
	s13 =	simm.s32 $0x8200  }
0x1a1: {  	[tilespmem:s13], [sflag:$0x1] =	stream.indirect.gather [hbm4b:s5+s24], $0x1, s12, s24, $0xb8;
	[tilespmem:$0x1A000] =	vst v63  }
0x1a2: {  	s14 =	simm.s32 $0x6200;
	s15 =	simm.s32 $0xE200  }
0x1a3: {  	[tilespmem:s15], [sflag:$0xD] =	stream.indirect.gather [hbm4b:s7+s24], $0x1, s14, s24, $0xb8;
	[tilespmem:$0x1A000] =	vst v63  }
0x1a4: {  	s19 =	simm.s32 $0xA200  }
0x1a5: {  	[tilespmem:s19], [sflag:$0x5] =	stream.indirect.gather [hbm4b:s6+s24], $0x1, s12, s24, $0xb8;
	[tilespmem:$0x1A000] =	vst v63  }
0x1a6: {  	s20 =	simm.s32 $0x10200  }
0x1a7: {  	[tilespmem:s20], [sflag:$0x11] =	stream.indirect.gather [hbm4b:s8+s24], $0x1, s14, s24, $0xb8;
	[tilespmem:$0x1A000] =	vst v63  }
0x1a8: {  	s23 =	simm.s32 $0xC200  }
0x1a9: {  	[tilespmem:s23], [sflag:$0x9] =	stream.indirect.gather [hbm4b:s1+s24], $0x1, s12, s24, $0xb8;
	[tilespmem:$0x1A000] =	vst v63  }
0x1aa: {  	s0 =	simm.s32 $0x1;
	s25 =	simm.s32 $0x12200  }
0x1ab: {  	[tilespmem:s25], [sflag:$0x15] =	stream.indirect.gather [hbm4b:s9+s24], $0x1, s14, s24, $0xb8;
	[tilespmem:$0x1A000] =	vst v63  }
0x1ac: {  	_ =	swait.ge [sflag:s0], $0x80  }
0x1ad: {  	[sflag:s0] =	ssyncset.done $0x0  }
0x1ae: {  	s2 =	simm.s32 $0xD;
	[sflag:s0] =	ssyncadd.s32 $0xFFFFFF80  }
0x1af: {  	_ =	swait.ge [sflag:s2], $0x80  }
0x1b0: {  	[sflag:s2] =	ssyncset.done $0x0  }
0x1b1: {  	s3 =	simm.s32 $0x5;
	[sflag:s2] =	ssyncadd.s32 $0xFFFFFF80  }
0x1b2: {  	_ =	swait.ge [sflag:s3], $0x80  }
0x1b3: {  	[sflag:s3] =	ssyncset.done $0x0  }
0x1b4: {  	s4 =	simm.s32 $0x11;
	[sflag:s3] =	ssyncadd.s32 $0xFFFFFF80  }
0x1b5: {  	_ =	swait.ge [sflag:s4], $0x80  }
0x1b6: {  	[sflag:s4] =	ssyncset.done $0x0  }
0x1b7: {  	s10 =	simm.s32 $0x9;
	[sflag:s4] =	ssyncadd.s32 $0xFFFFFF80  }
0x1b8: {  	_ =	swait.ge [sflag:s10], $0x80  }
0x1b9: {  	[sflag:s10] =	ssyncset.done $0x0  }
0x1ba: {  	[sflag:s10] =	ssyncadd.s32 $0xFFFFFF80  }
0x1bb: {  	_ =	swait.ge [sflag:s16], $0x80  }
0x1bc: {  	[sflag:s16] =	ssyncset.done $0x0  }
0x1bd: {  	s28 =	simm.s32 $0x2;
	[sflag:s16] =	ssyncadd.s32 $0xFFFFFF80  }
0x1be: {  	_ =	swait.ge [sflag:s28], $0x80  }
0x1bf: {  	[sflag:s28] =	ssyncset.done $0x0  }
0x1c0: {  	s30 =	simm.s32 $0xE;
	[sflag:s28] =	ssyncadd.s32 $0xFFFFFF80  }
0x1c1: {  	_ =	swait.ge [sflag:s30], $0x80  }
0x1c2: {  	[sflag:s30] =	ssyncset.done $0x0  }
0x1c3: {  	s12 =	simm.s32 $0x6;
	[sflag:s30] =	ssyncadd.s32 $0xFFFFFF80  }
0x1c4: {  	_ =	swait.ge [sflag:s12], $0x80  }
0x1c5: {  	[sflag:s12] =	ssyncset.done $0x0  }
0x1c6: {  	s13 =	simm.s32 $0x12;
	[sflag:s12] =	ssyncadd.s32 $0xFFFFFF80  }
0x1c7: {  	_ =	swait.ge [sflag:s13], $0x80  }
0x1c8: {  	[sflag:s13] =	ssyncset.done $0x0  }
0x1c9: {  	s14 =	simm.s32 $0xA;
	[sflag:s13] =	ssyncadd.s32 $0xFFFFFF80  }
0x1ca: {  	_ =	swait.ge [sflag:s14], $0x80  }
0x1cb: {  	[sflag:s14] =	ssyncset.done $0x0  }
0x1cc: {  	s15 =	simm.s32 $0x16;
	[sflag:s14] =	ssyncadd.s32 $0xFFFFFF80  }
0x1cd: {  	_ =	swait.ge [sflag:s15], $0x80  }
0x1ce: {  	[sflag:s15] =	ssyncset.done $0x0  }
0x1cf: {  	s19 =	simm.s32 $0x3;
	[sflag:s15] =	ssyncadd.s32 $0xFFFFFF80  }
0x1d0: {  	_ =	swait.ge [sflag:s19], $0x80  }
0x1d1: {  	[sflag:s19] =	ssyncset.done $0x0  }
0x1d2: {  	s20 =	simm.s32 $0xF;
	[sflag:s19] =	ssyncadd.s32 $0xFFFFFF80  }
0x1d3: {  	_ =	swait.ge [sflag:s20], $0x80  }
0x1d4: {  	[sflag:s20] =	ssyncset.done $0x0  }
0x1d5: {  	s23 =	simm.s32 $0x7;
	[sflag:s20] =	ssyncadd.s32 $0xFFFFFF80  }
0x1d6: {  	_ =	swait.ge [sflag:s23], $0x80  }
0x1d7: {  	[sflag:s23] =	ssyncset.done $0x0  }
0x1d8: {  	s25 =	simm.s32 $0x13;
	[sflag:s23] =	ssyncadd.s32 $0xFFFFFF80  }
0x1d9: {  	_ =	swait.ge [sflag:s25], $0x80  }
0x1da: {  	[sflag:s25] =	ssyncset.done $0x0  }
0x1db: {  	s28 =	simm.s32 $0xB;
	[sflag:s25] =	ssyncadd.s32 $0xFFFFFF80  }
0x1dc: {  	_ =	swait.ge [sflag:s28], $0x80  }
0x1dd: {  	[sflag:s28] =	ssyncset.done $0x0  }
0x1de: {  	s30 =	simm.s32 $0x17;
	[sflag:s28] =	ssyncadd.s32 $0xFFFFFF80  }
0x1df: {  	_ =	swait.ge [sflag:s30], $0x80  }
0x1e0: {  	[sflag:s30] =	ssyncset.done $0x0  }
0x1e1: {  	[sflag:s30] =	ssyncadd.s32 $0xFFFFFF80  }
0x1e2: {  	_ =	swait.ge [sflag:s17], $0x80  }
0x1e3: {  	[sflag:s17] =	ssyncset.done $0x0  }
0x1e4: {  	[sflag:s17] =	ssyncadd.s32 $0xFFFFFF80  }
0x1e5: {  	_ =	swait.ge [sflag:s29], $0x80  }
0x1e6: {  	[sflag:s29] =	ssyncset.done $0x0  }
0x1e7: {  	[sflag:s29] =	ssyncadd.s32 $0xFFFFFF80  }
0x1e8: {  	_ =	swait.ge [sflag:s31], $0x80  }
0x1e9: {  	[sflag:s31] =	ssyncset.done $0x0  }
0x1ea: {  	[sflag:s31] =	ssyncadd.s32 $0xFFFFFF80  }
0x1eb: {  	_ =	swait.ge [sflag:s21], $0x80  }
0x1ec: {  	[sflag:s21] =	ssyncset.done $0x0  }
0x1ed: {  	[sflag:s21] =	ssyncadd.s32 $0xFFFFFF80  }
0x1ee: {  	_ =	swait.ge [sflag:s26], $0x80  }
0x1ef: {  	[sflag:s26] =	ssyncset.done $0x0  }
0x1f0: {  	[sflag:s26] =	ssyncadd.s32 $0xFFFFFF80  }
0x1f1: {  	_ =	swait.ge [sflag:s18], $0x80  }
0x1f2: {  	[sflag:s18] =	ssyncset.done $0x0  }
0x1f3: {  	[sflag:s18] =	ssyncadd.s32 $0xFFFFFF80  }
0x1f4: {  	_ =	swait.ge [sflag:s0], $0x80  }
0x1f5: {  	[sflag:s0] =	ssyncset.done $0x0  }
0x1f6: {  	[sflag:s0] =	ssyncadd.s32 $0xFFFFFF80  }
0x1f7: {  	_ =	swait.ge [sflag:s2], $0x80  }
0x1f8: {  	[sflag:s2] =	ssyncset.done $0x0  }
0x1f9: {  	[sflag:s2] =	ssyncadd.s32 $0xFFFFFF80  }
0x1fa: {  	_ =	swait.ge [sflag:s3], $0x80  }
0x1fb: {  	[sflag:s3] =	ssyncset.done $0x0  }
0x1fc: {  	[sflag:s3] =	ssyncadd.s32 $0xFFFFFF80  }
0x1fd: {  	_ =	swait.ge [sflag:s4], $0x80  }
0x1fe: {  	[sflag:s4] =	ssyncset.done $0x0  }
0x1ff: {  	[sflag:s4] =	ssyncadd.s32 $0xFFFFFF80  }
0x200: {  	_ =	swait.ge [sflag:s10], $0x80  }
0x201: {  	[sflag:s10] =	ssyncset.done $0x0  }
0x202: {  	[sflag:s10] =	ssyncadd.s32 $0xFFFFFF80  }
0x203: {  	_ =	swait.ge [sflag:s16], $0x80  }
0x204: {  	[sflag:s16] =	ssyncset.done $0x0  }
0x205: {  	s4 =	simm.s32 $0x0;
	[sflag:s16] =	ssyncadd.s32 $0xFFFFFF80  }
0x206: {  	v2 =	vld [tilespmem:s4+$0xC000]  }
0x207: {  	v3 =	vld [tilespmem:s4+$0x12000]  }
0x208: {  	v5 =	vld [tilespmem:s4+$0x8000]  }
0x209: {  	v6 =	vld [tilespmem:s4+$0xE000]  }
0x20a: {  	v7 =	vld [tilespmem:s4+$0xA000]  }
0x20b: {  	s3 =	simm.s32 $0x10;
	v8 =	vld [tilespmem:s4+$0x10000]  }
0x20c: {  	v1 =	vld [tilespmem:s3+$0xC000];
	v3 =	vadd.f32 v3, v2  }
0x20d: {  	v4 =	vld [tilespmem:s3+$0x12000]  }
0x20e: {  	v2 =	vld [tilespmem:s3+$0x8000];
	v6 =	vadd.f32 v6, v5;
	[tilespmem:s4+$0x18000] =	vst v3  }
0x20f: {  	v5 =	vld [tilespmem:s3+$0xE000]  }
0x210: {  	s11 =	simm.s32 $0x80;
	v3 =	vld [tilespmem:s3+$0xA000];
	[tilespmem:s4+$0x14000] =	vst v6;
	v6 =	vadd.f32 v8, v7  }
.LBB2_13:
0x211: {  	s0 =	sshra.s32 s11, $0x2;
	v7 =	vld [tilespmem:s3+$0x10000];
	p1 =	sne.s32 s11, $0x8C0  }
.Ltmp8:
0x212: {  	s11 =	sadd.s32 $0x40, s11;
	v8 =	vadd.f32 v4, v1;
	v1 =	vld [tilespmem:s0+$0xC000];
	[tilespmem:s4+$0x16000] =	vst v6;
	(pc) =	sbr.rel @p1 .LBB2_13-.Ltmp8, $4  }
0x213: {  	s4 =	smov.u32 s3;
	s3 =	smov.u32 s0;
	v4 =	vld [tilespmem:s0+$0x12000]  }
0x214: {  	v6 =	vadd.f32 v5, v2;
	v2 =	vld [tilespmem:s3+$0x8000];
	[tilespmem:s4+$0x18000] =	vst v8  }
0x215: {  	v5 =	vld [tilespmem:s3+$0xE000]  }
0x216: {  	[tilespmem:s4+$0x14000] =	vst v6;
	v6 =	vadd.f32 v7, v3;
	v3 =	vld [tilespmem:s3+$0xA000]  }
0x217: {  	v7 =	vld [tilespmem:s3+$0x10000];
	_ =	sdelay $0x2  }
0x218: {  	v1 =	vadd.f32 v4, v1  }
0x219: {  	[tilespmem:s4+$0x16000] =	vst v6;
	v2 =	vadd.f32 v5, v2  }
0x21a: {  	[tilespmem:s3+$0x18000] =	vst v1;
	v1 =	vadd.f32 v7, v3  }
0x21b: {  	[tilespmem:s3+$0x14000] =	vst v2  }
0x21c: {  	s0 =	simm.s32 $0x0;
	s2 =	rddreg [dreg:$0xa];
	s20 =	simm.s32 $0x14000;
	[tilespmem:s3+$0x16000] =	vst v1  }
0x21d: {  	[hbm4b:s2+s0] =	stream.linear.scatter [tilespmem:s20], [sflag:$0x19], $0x240, $0x38;
	[tilespmem:$0x1A000] =	vst v63  }
0x21e: {  	_ =	swait.ge [sflag:s22], $0x240  }
0x21f: {  	[sflag:s22] =	ssyncset.done $0x0  }
0x220: {  	s25 =	simm.s32 $0x16000;
	s23 =	rddreg [dreg:$0xc];
	[sflag:s22] =	ssyncadd.s32 $0xFFFFFDC0  }
0x221: {  	[hbm4b:s23+s0] =	stream.linear.scatter [tilespmem:s25], [sflag:$0x19], $0x240, $0x38;
	[tilespmem:$0x1A000] =	vst v63  }
0x222: {  	_ =	swait.ge [sflag:s22], $0x240  }
0x223: {  	s30 =	simm.s32 $0x18000;
	[sflag:s22] =	ssyncset.done $0x0  }
.Ltmp9:
0x224: {  	s28 =	rddreg [dreg:$0xd];
	[sflag:s22] =	ssyncadd.s32 $0xFFFFFDC0;
	(pc) =	sbr.rel .LBB2_15-.Ltmp9, $4  }
0x225: {  	[hbm4b:s28+s0] =	stream.linear.scatter [tilespmem:s30], [sflag:$0x19], $0x240, $0x38;
	[tilespmem:$0x1A000] =	vst v63  }
0x226: {  	_ =	swait.ge [sflag:s22], $0x240  }
0x227: {  	[sflag:s22] =	ssyncset.done $0x0  }
0x228: {  	s2 =	rddreg [dreg:$0x10];
	[sflag:s22] =	ssyncadd.s32 $0xFFFFFDC0  }
.LBB2_16:
0x229: {  	_ =	sfence.sel $0x180000  }
0x22a: {  	[bflag:$0x0] =	sbarrier.arrive $0xFFFF  }
0x22b: {  	_ =	strace $0x90000047  }
0x22c: {  	s0 =	stileid.u32;
	[bflag:$0x2] =	sbarrier.arrive $0xFFFF  }
0x22d: {  	p0 =	sne.s32 s0, $0x0;
	s0 =	rddreg [dreg:$0x2]  }
0x22e: {  	s0 =	sadd.s32 @!p0 $0x100000, s0  }
0x22f: {  	[sflag:s0] =	ssyncadd.tile.s32 @!p0 $0x1;
	_ =	shalt  }
.Lfunc_end2:
_tile_overlayer_lowered:
.L_overlay_start_2:
0x230: {  	(tag) =	ssettag $0x2  }
0x231: {  	s0 =	rddreg [dreg:$0x0];
	s2 =	stileid.u32  }
0x232: {  	s1 =	rddreg [dreg:$0x1];
	p0 =	sne.s32 s2, $0x0  }
0x233: {  	s3 =	rddreg [dreg:$0x2];
	[bflag:$0x3] =	sbarrier.arrive $0xFFFF;
	s2 =	simm.s32 @!p0 $0x1C19  }
0x234: {  	[timem:s3], [sflag:s2] =	dma.local @!p0 [hbm:s0], s1  }
0x235: {  	s0 =	simm.s32 @!p0 $0x19  }
0x236: {  	_ =	swait.ge @!p0 [sflag:s0], s1  }
0x237: {  	s1 =	ssub.s32 @!p0 $0x0, s1;
	[sflag:s0] =	ssyncset.done @!p0 $0x0  }
0x238: {  	[sflag:s0] =	ssyncadd.s32 @!p0 s1  }
0x239: {  	[bflag:$0x3] =	sbarrier.arrive $0xFFFF  }
0x23a: {  	_ =	shalt  }

</sc_bundles>
